<compile_context>
chip_gen: v7x
topology: tpu7x:2x2x1
jax: 0.10.2.dev20260603
libtpu: 0.0.44.dev20260713+nightly
codegen_flags: <defaults>
</compile_context>

<pallas_src>
import functools

import jax
import jax.numpy as jnp
from jax import lax
from jax.experimental import pallas as pl
from jax.experimental.pallas import tpu as pltpu
from jax.experimental.pallas import tpu_sc as plsc

_NC = 2
_NS = 16


def _splits(N, E, K):
    NW = _NC * _NS
    EP = E // NW
    assert EP * NW == E and EP % K == 0
    NCH = EP // K
    RPT = (N // _NS) // 8 * 8
    REM = N - RPT * _NS
    assert REM % 8 == 0
    return EP, NCH, RPT, REM


def _zero_acc(z_hbm, zbuf, acc, sid, K, RPT, REM):
    r0 = sid * RPT
    nfull = RPT // K
    rem = RPT - nfull * K
    pltpu.sync_copy(z_hbm, zbuf)

    @pl.loop(0, nfull)
    def _(j):
        pltpu.sync_copy(zbuf, acc.at[pl.ds(r0 + j * K, K)])

    if rem:
        pltpu.sync_copy(zbuf.at[pl.ds(0, rem)],
                        acc.at[pl.ds(r0 + nfull * K, rem)])

    if REM:
        @pl.when(sid == _NS - 1)
        def _():
            pltpu.sync_copy(zbuf.at[pl.ds(0, REM)],
                            acc.at[pl.ds(RPT * _NS, REM)])


def _write_out(acc, out_hbm, cid, sid, RPT, REM):
    r0 = sid * RPT
    pltpu.sync_copy(acc.at[pl.ds(r0, RPT)], out_hbm.at[cid, pl.ds(r0, RPT)])

    @pl.when(sid == _NS - 1)
    def _():
        pltpu.sync_copy(acc.at[pl.ds(RPT * _NS, REM)],
                        out_hbm.at[cid, pl.ds(RPT * _NS, REM)])


@functools.lru_cache(maxsize=None)
def _make_agg(N, E, F):
    K, NB, D = (40, 6, 4) if F >= 128 else (400, 6, 3)
    EP, NCH, RPT, REM = _splits(N, E, K)
    assert NCH >= NB
    mesh = plsc.VectorSubcoreMesh(core_axis_name="c", subcore_axis_name="s")

    cparams = pltpu.CompilerParams(use_tc_tiling_on_sc=(F % 128 == 0))

    @functools.partial(
        pl.kernel,
        out_type=jax.ShapeDtypeStruct((_NC, N, F), jnp.float32),
        mesh=mesh,
        compiler_params=cparams,
        scratch_types=(
            [pltpu.VMEM((K, F), jnp.float32) for _ in range(NB)]
            + [
                pltpu.VMEM((EP,), jnp.int32),
                pltpu.VMEM((EP,), jnp.int32),
                pltpu.VMEM_SHARED((N, F), jnp.float32),
            ]
            + [pltpu.SemaphoreType.DMA for _ in range(2 * NB)]
        ),
    )
    def agg(u_hbm, src_hbm, dst_hbm, z_hbm, out_hbm, *rest):
        g = rest[:NB]
        sidx, didx, acc = rest[NB], rest[NB + 1], rest[NB + 2]
        gsem = rest[NB + 3:NB + 3 + NB]
        ssem = rest[NB + 3 + NB:]
        cid = lax.axis_index("c")
        sid = lax.axis_index("s")
        wid = sid * _NC + cid
        base = wid * EP
        pltpu.sync_copy(src_hbm.at[pl.ds(base, EP)], sidx)
        pltpu.sync_copy(dst_hbm.at[pl.ds(base, EP)], didx)
        _zero_acc(z_hbm, g[0], acc, sid, K, RPT, REM)
        plsc.subcore_barrier()

        def gather_start(c, b):
            pltpu.async_copy(u_hbm.at[sidx.at[pl.ds(c * K, K)]],
                             g[b], gsem[b])

        def gather_wait(c, b):
            pltpu.make_async_copy(u_hbm.at[sidx.at[pl.ds(c * K, K)]],
                                  g[b], gsem[b]).wait()

        def scat_start(c, b):
            pltpu.async_copy(g[b], acc.at[didx.at[pl.ds(c * K, K)]],
                             ssem[b], add=True)

        def scat_wait(c, b):
            pltpu.make_async_copy(g[b], acc.at[didx.at[pl.ds(c * K, K)]],
                                  ssem[b]).wait()

        for b in range(D):
            gather_start(b, b)

        @pl.loop(0, (NCH + NB - 1) // NB * NB, step=NB)
        def _(c0):
            for i in range(NB):
                c = c0 + i

                @pl.when(c < NCH)
                def _():
                    b2 = (i + D) % NB

                    @pl.when(c + D < NCH)
                    def _():
                        @pl.when(c + D >= NB)
                        def _():
                            scat_wait(c + D - NB, b2)

                        gather_start(c + D, b2)

                    gather_wait(c, i)
                    scat_start(c, i)

        for c in range(NCH - NB, NCH):
            scat_wait(c, c % NB)

        plsc.subcore_barrier()
        _write_out(acc, out_hbm, cid, sid, RPT, REM)

    return agg


@functools.lru_cache(maxsize=None)
def _make_deg(N, E):
    K = 400
    EP, NCH, RPT, REM = _splits(N, E, K)
    mesh = plsc.VectorSubcoreMesh(core_axis_name="c", subcore_axis_name="s")
    cparams = pltpu.CompilerParams(use_tc_tiling_on_sc=False)

    @functools.partial(
        pl.kernel,
        out_type=jax.ShapeDtypeStruct((_NC, N, 16), jnp.float32),
        mesh=mesh,
        compiler_params=cparams,
        scratch_types=[
            pltpu.VMEM((K, 16), jnp.float32),
            pltpu.VMEM((EP,), jnp.int32),
            pltpu.VMEM_SHARED((N, 16), jnp.float32),
            pltpu.SemaphoreType.DMA,
            pltpu.SemaphoreType.DMA,
            pltpu.SemaphoreType.DMA,
            pltpu.SemaphoreType.DMA,
            pltpu.SemaphoreType.DMA,
            pltpu.SemaphoreType.DMA,
        ],
    )
    def deg(ones_hbm, dst_hbm, z_hbm, out_hbm, ones_v, didx, acc, *ssem):
        cid = lax.axis_index("c")
        sid = lax.axis_index("s")
        wid = sid * _NC + cid
        pltpu.sync_copy(dst_hbm.at[pl.ds(wid * EP, EP)], didx)
        _zero_acc(z_hbm, ones_v, acc, sid, K, RPT, REM)
        pltpu.sync_copy(ones_hbm, ones_v)
        plsc.subcore_barrier()

        def scat_start(c, b):
            pltpu.async_copy(ones_v, acc.at[didx.at[pl.ds(c * K, K)]],
                             ssem[b], add=True)

        def scat_wait(c, b):
            pltpu.make_async_copy(ones_v, acc.at[didx.at[pl.ds(c * K, K)]],
                                  ssem[b]).wait()

        NR = 4

        @pl.loop(0, (NCH + NR - 1) // NR * NR, step=NR)
        def _(c0):
            for i in range(NR):
                c = c0 + i

                @pl.when(c < NCH)
                def _():
                    @pl.when(c >= NR)
                    def _():
                        scat_wait(c - NR, i)

                    scat_start(c, i)

        for c in range(NCH - NR, NCH):
            scat_wait(c, c % NR)

        plsc.subcore_barrier()
        _write_out(acc, out_hbm, cid, sid, RPT, REM)

    return deg


def _tc0_body(ei_ref, src_ref, dst_ref):
    src_ref[...] = ei_ref[0]
    dst_ref[...] = ei_ref[1]


def _tc1_body(degp_ref, x_ref, w_ref, bc_ref, u1_ref, dw_ref):
    deg = degp_ref[0] + degp_ref[1] + 1.0
    dinv_w = jnp.dot(lax.rsqrt(deg), bc_ref[...],
                     precision=lax.Precision.HIGHEST,
                     preferred_element_type=jnp.float32)
    h = jnp.dot(x_ref[...], w_ref[...], preferred_element_type=jnp.float32)
    u1_ref[...] = h * dinv_w
    dw_ref[...] = dinv_w


def _tc2_body(dw_ref, aggp_ref, u1_ref, b1_ref, w2_ref, u2_ref):
    dinv_w = dw_ref[...]
    s = aggp_ref[0] + aggp_ref[1] + u1_ref[...]
    y1 = jnp.maximum(s * dinv_w + b1_ref[...], 0.0)
    h2 = jnp.dot(y1, w2_ref[...], preferred_element_type=jnp.float32)
    u2_ref[...] = h2 * dinv_w[:, 0:16]


def _tc3_body(degp_ref, aggp_ref, u2_ref, b2_ref, o_ref):
    dinv = lax.rsqrt(degp_ref[0] + degp_ref[1] + 1.0)
    s = aggp_ref[0] + aggp_ref[1] + u2_ref[...]
    z = s * dinv + b2_ref[...]
    o_ref[...] = 1.0 / (1.0 + jnp.exp(-z))


def kernel(x, edge_index, W1, b1, W2, b2):
    N, F = x.shape
    H = W1.shape[1]
    C = W2.shape[1]
    E = edge_index.shape[1]

    src, dst = pl.pallas_call(
        _tc0_body,
        grid=(1,),
        in_specs=[pl.BlockSpec((2, E), lambda i: (0, 0))],
        out_specs=[pl.BlockSpec((E,), lambda i: (0,)),
                   pl.BlockSpec((E,), lambda i: (0,))],
        out_shape=[jax.ShapeDtypeStruct((E,), jnp.int32)] * 2,
    )(edge_index)

    BR = 2000
    grid = (N // BR,)

    ones_k = jnp.ones((400, 16), jnp.float32)
    z16 = jnp.zeros((400, 16), jnp.float32)
    zH = jnp.zeros((40, H), jnp.float32)

    agg16 = _make_agg(N, E, 16)
    aggH = _make_agg(N, E, H)

    degp = _make_deg(N, E)(ones_k, dst, z16)

    bc = jnp.full((16, H), 1.0 / 16, jnp.float32)
    degp_p = jnp.reshape(degp, (2, N // 8, 128))
    u1, dinv_w = pl.pallas_call(
        _tc1_body,
        grid=grid,
        in_specs=[
            pl.BlockSpec((2, BR, 16), lambda i: (0, i, 0)),
            pl.BlockSpec((BR, F), lambda i: (i, 0)),
            pl.BlockSpec((F, H), lambda i: (0, 0)),
            pl.BlockSpec((16, H), lambda i: (0, 0)),
        ],
        out_specs=[pl.BlockSpec((BR, H), lambda i: (i, 0)),
                   pl.BlockSpec((BR, H), lambda i: (i, 0))],
        out_shape=[jax.ShapeDtypeStruct((N, H), jnp.float32),
                   jax.ShapeDtypeStruct((N, H), jnp.float32)],
    )(degp, x, W1, bc)

    agg1p = aggH(u1, src, dst, zH)

    u2 = pl.pallas_call(
        _tc2_body,
        grid=grid,
        in_specs=[
            pl.BlockSpec((BR, H), lambda i: (i, 0)),
            pl.BlockSpec((2, BR, H), lambda i: (0, i, 0)),
            pl.BlockSpec((BR, H), lambda i: (i, 0)),
            pl.BlockSpec((1, H), lambda i: (0, 0)),
            pl.BlockSpec((H, C), lambda i: (0, 0)),
        ],
        out_specs=pl.BlockSpec((BR, C), lambda i: (i, 0)),
        out_shape=jax.ShapeDtypeStruct((N, C), jnp.float32),
    )(dinv_w, agg1p, u1, b1.reshape(1, H), W2)

    agg2p = agg16(u2, src, dst, z16)

    NP = N // 8
    BP = NP
    out_p = pl.pallas_call(
        _tc3_body,
        grid=(1,),
        in_specs=[
            pl.BlockSpec((2, BP, 128), lambda i: (0, i, 0)),
            pl.BlockSpec((2, BP, 128), lambda i: (0, i, 0)),
            pl.BlockSpec((BP, 128), lambda i: (i, 0)),
            pl.BlockSpec((1, 128), lambda i: (0, 0)),
        ],
        out_specs=pl.BlockSpec((BP, 128), lambda i: (i, 0)),
        out_shape=jax.ShapeDtypeStruct((NP, 128), jnp.float32),
    )(degp_p,
      jnp.reshape(agg2p, (2, NP, 128)),
      jnp.reshape(u2, (NP, 128)),
      jnp.tile(b2.reshape(1, C), (1, 128 // C)))

    return jnp.reshape(out_p, (N, C))

# --- scband reference (transcript-rebuilt; emitter-appended) ---
"""Pipeline reference for scband-gcn-18253611008246 (READ-ONLY COPY).

The authoritative reference and input builder live on the scoring server;
editing this copy changes nothing except your own understanding.
"""

import jax, jax.numpy as jnp
import numpy as np

N = 10000
E = 320000
F_IN = 128
H = 128
C = 16


def gcn_conv(x, src, dst, W, b, n_nodes):
    # PyG GCNConv: add self-loops, symmetric normalization, linear transform, aggregate
    loop = jnp.arange(n_nodes, dtype=src.dtype)
    src_full = jnp.concatenate([src, loop])
    dst_full = jnp.concatenate([dst, loop])
    deg = jnp.zeros((n_nodes,), dtype=x.dtype).at[dst_full].add(1.0)
    dinv = jnp.where(deg > 0, jax.lax.rsqrt(deg), 0.0)
    norm = dinv[src_full] * dinv[dst_full]
    h = x @ W
    msg = h[src_full] * norm[:, None]
    out = jax.ops.segment_sum(msg, dst_full, num_segments=n_nodes)
    return out + b


def setup_inputs(seed: int = 0) -> dict:
    key = jax.random.key(seed)
    k1, k2, k3, k4, k5, k6 = jax.random.split(key, 6)
    x = jax.random.normal(k1, (N, F_IN), dtype=jnp.float32)
    edge_index = jax.random.randint(k2, (2, E), 0, N, dtype=jnp.int32)
    # Glorot-style init for GCNConv weights
    W1 = jax.random.normal(k3, (F_IN, H), dtype=jnp.float32) * (1.0 / np.sqrt(F_IN))
    b1 = jnp.zeros((H,), dtype=jnp.float32)
    W2 = jax.random.normal(k4, (H, C), dtype=jnp.float32) * (1.0 / np.sqrt(H))
    b2 = jnp.zeros((C,), dtype=jnp.float32)
    return {"x": x, "edge_index": edge_index, "W1": W1, "b1": b1, "W2": W2, "b2": b2}


def reference(x, edge_index, W1, b1, W2, b2):
    src = edge_index[0]
    dst = edge_index[1]
    h = gcn_conv(x, src, dst, W1, b1, N)
    h = jax.nn.relu(h)
    # dropout p=0.0 -> identity (eval-mode semantics)
    h = gcn_conv(h, src, dst, W2, b2, N)
    return jax.nn.sigmoid(h)

if __name__ == "__main__":
    import jax
    _d = setup_inputs()
    print(jax.jit(kernel)(*tuple(_d.values())))

</pallas_src>

<mosaic_0001>
#map = affine_map<(d0, d1) -> (0, 0)>
#map1 = affine_map<(d0, d1) -> (0)>
#map2 = affine_map<(d0, d1) -> (0, 0, 0)>
module attributes {stable_mosaic.version = 14 : i64} {
  func.func @agg(%arg0: i32, %arg1: i32, %arg2: memref<10000x128xf32, #tpu.memory_space<hbm>>, %arg3: memref<320000xi32, #tpu.memory_space<hbm>>, %arg4: memref<320000xi32, #tpu.memory_space<hbm>>, %arg5: memref<40x128xf32, #tpu.memory_space<hbm>>, %arg6: memref<2x10000x128xf32, #tpu.memory_space<hbm>>, %arg7: memref<40x128xf32, #tpu.memory_space<vmem>>, %arg8: memref<40x128xf32, #tpu.memory_space<vmem>>, %arg9: memref<40x128xf32, #tpu.memory_space<vmem>>, %arg10: memref<40x128xf32, #tpu.memory_space<vmem>>, %arg11: memref<40x128xf32, #tpu.memory_space<vmem>>, %arg12: memref<40x128xf32, #tpu.memory_space<vmem>>, %arg13: memref<10000xi32, #tpu.memory_space<vmem>>, %arg14: memref<10000xi32, #tpu.memory_space<vmem>>, %arg15: memref<10000x128xf32, #tpu.memory_space<vmem_shared>>, %arg16: memref<!tpu.dma_semaphore, #tpu.memory_space<semaphore_mem>>, %arg17: memref<!tpu.dma_semaphore, #tpu.memory_space<semaphore_mem>>, %arg18: memref<!tpu.dma_semaphore, #tpu.memory_space<semaphore_mem>>, %arg19: memref<!tpu.dma_semaphore, #tpu.memory_space<semaphore_mem>>, %arg20: memref<!tpu.dma_semaphore, #tpu.memory_space<semaphore_mem>>, %arg21: memref<!tpu.dma_semaphore, #tpu.memory_space<semaphore_mem>>, %arg22: memref<!tpu.dma_semaphore, #tpu.memory_space<semaphore_mem>>, %arg23: memref<!tpu.dma_semaphore, #tpu.memory_space<semaphore_mem>>, %arg24: memref<!tpu.dma_semaphore, #tpu.memory_space<semaphore_mem>>, %arg25: memref<!tpu.dma_semaphore, #tpu.memory_space<semaphore_mem>>, %arg26: memref<!tpu.dma_semaphore, #tpu.memory_space<semaphore_mem>>, %arg27: memref<!tpu.dma_semaphore, #tpu.memory_space<semaphore_mem>>) attributes {dimension_semantics = [#tpu.dimension_semantics<core_parallel>, #tpu.dimension_semantics<subcore_parallel>], iteration_bounds = array<i64: 2, 16>, scalar_prefetch = 0 : i64, scratch_operands = 21 : i64, tpu.core_type = #tpu.core_type<sc_vector_subcore>, window_params = [{transform_indices = #map}, {transform_indices = #map1}, {transform_indices = #map1}, {transform_indices = #map}, {transform_indices = #map2}]} {
    %mul3A = arith.constant 2 : i32
    %mul3A_0 = arith.muli %arg1, %mul3A : i32
    %add3A = arith.addi %mul3A_0, %arg0 : i32
    %mul3A_1 = arith.constant 10000 : i32
    %mul3A_2 = arith.muli %add3A, %mul3A_1 : i32
    "tpu.region"() ({
      %run_scoped3A = tpu.sem_alloc : memref<!tpu.dma_semaphore, #tpu.memory_space<semaphore_mem>>
      %dma_start3A_74 = tpu.memref_slice %arg3[%mul3A_2] : memref<320000xi32, #tpu.memory_space<hbm>> -> memref<10000xi32, #tpu.memory_space<hbm>>
      %dma_start3A_75 = tpu.memref_slice %arg3[%mul3A_2] : memref<320000xi32, #tpu.memory_space<hbm>> -> memref<10000xi32, #tpu.memory_space<hbm>>
      tpu.enqueue_dma source(%dma_start3A_75 : memref<10000xi32, #tpu.memory_space<hbm>>) target(%arg13 : memref<10000xi32, #tpu.memory_space<vmem>>) target_semaphore(%run_scoped3A : memref<!tpu.dma_semaphore, #tpu.memory_space<semaphore_mem>>)
      %dma_wait3A_76 = tpu.memref_slice %arg3[%mul3A_2] : memref<320000xi32, #tpu.memory_space<hbm>> -> memref<10000xi32, #tpu.memory_space<hbm>>
      %dma_wait3A_77 = tpu.memref_slice %arg3[%mul3A_2] : memref<320000xi32, #tpu.memory_space<hbm>> -> memref<10000xi32, #tpu.memory_space<hbm>>
      tpu.wait_dma2 semaphore(%run_scoped3A : memref<!tpu.dma_semaphore, #tpu.memory_space<semaphore_mem>>) src(%dma_wait3A_77 : memref<10000xi32, #tpu.memory_space<hbm>>) dst(%arg13 : memref<10000xi32, #tpu.memory_space<vmem>>)
      tpu.yield
    }) : () -> ()
    "tpu.region"() ({
      %run_scoped3A = tpu.sem_alloc : memref<!tpu.dma_semaphore, #tpu.memory_space<semaphore_mem>>
      %dma_start3A_74 = tpu.memref_slice %arg4[%mul3A_2] : memref<320000xi32, #tpu.memory_space<hbm>> -> memref<10000xi32, #tpu.memory_space<hbm>>
      %dma_start3A_75 = tpu.memref_slice %arg4[%mul3A_2] : memref<320000xi32, #tpu.memory_space<hbm>> -> memref<10000xi32, #tpu.memory_space<hbm>>
      tpu.enqueue_dma source(%dma_start3A_75 : memref<10000xi32, #tpu.memory_space<hbm>>) target(%arg14 : memref<10000xi32, #tpu.memory_space<vmem>>) target_semaphore(%run_scoped3A : memref<!tpu.dma_semaphore, #tpu.memory_space<semaphore_mem>>)
      %dma_wait3A_76 = tpu.memref_slice %arg4[%mul3A_2] : memref<320000xi32, #tpu.memory_space<hbm>> -> memref<10000xi32, #tpu.memory_space<hbm>>
      %dma_wait3A_77 = tpu.memref_slice %arg4[%mul3A_2] : memref<320000xi32, #tpu.memory_space<hbm>> -> memref<10000xi32, #tpu.memory_space<hbm>>
      tpu.wait_dma2 semaphore(%run_scoped3A : memref<!tpu.dma_semaphore, #tpu.memory_space<semaphore_mem>>) src(%dma_wait3A_77 : memref<10000xi32, #tpu.memory_space<hbm>>) dst(%arg14 : memref<10000xi32, #tpu.memory_space<vmem>>)
      tpu.yield
    }) : () -> ()
    %mul3A_3 = arith.constant 624 : i32
    %mul3A_4 = arith.muli %arg1, %mul3A_3 : i32
    "tpu.region"() ({
      %run_scoped3A = tpu.sem_alloc : memref<!tpu.dma_semaphore, #tpu.memory_space<semaphore_mem>>
      tpu.enqueue_dma source(%arg5 : memref<40x128xf32, #tpu.memory_space<hbm>>) target(%arg7 : memref<40x128xf32, #tpu.memory_space<vmem>>) target_semaphore(%run_scoped3A : memref<!tpu.dma_semaphore, #tpu.memory_space<semaphore_mem>>)
      tpu.wait_dma2 semaphore(%run_scoped3A : memref<!tpu.dma_semaphore, #tpu.memory_space<semaphore_mem>>) src(%arg5 : memref<40x128xf32, #tpu.memory_space<hbm>>) dst(%arg7 : memref<40x128xf32, #tpu.memory_space<vmem>>)
      tpu.yield
    }) : () -> ()
    %scan3A = arith.constant 0 : i32
    %scan3A_5 = arith.constant 15 : i32
    %scan3A_6 = arith.addi %scan3A, %scan3A_5 : i32
    %scan3A_7 = arith.constant 1 : i32
    scf.for %scan3A_74 = %scan3A to %scan3A_6 step %scan3A_7  : i32 {
      %mul3A_75 = arith.constant 1 : i32
      %mul3A_76 = arith.muli %scan3A_74, %mul3A_75 : i32
      %add3A_77 = arith.constant 0 : i32
      %add3A_78 = arith.addi %add3A_77, %mul3A_76 : i32
      %mul3A_79 = arith.constant 40 : i32
      %mul3A_80 = arith.muli %add3A_78, %mul3A_79 : i32
      %add3A_81 = arith.addi %mul3A_4, %mul3A_80 : i32
      "tpu.region"() ({
        %run_scoped3A = tpu.sem_alloc : memref<!tpu.dma_semaphore, #tpu.memory_space<semaphore_mem>>
        %dma_start3A_82 = arith.constant 0 : i32
        %dma_start3A_83 = tpu.memref_slice %arg15[%add3A_81, %dma_start3A_82] : memref<10000x128xf32, #tpu.memory_space<vmem_shared>> -> memref<40x128xf32, #tpu.memory_space<vmem_shared>>
        %dma_start3A_84 = arith.constant 0 : i32
        %dma_start3A_85 = tpu.memref_slice %arg15[%add3A_81, %dma_start3A_84] : memref<10000x128xf32, #tpu.memory_space<vmem_shared>> -> memref<40x128xf32, #tpu.memory_space<vmem_shared>>
        tpu.enqueue_dma source(%arg7 : memref<40x128xf32, #tpu.memory_space<vmem>>) target(%dma_start3A_85 : memref<40x128xf32, #tpu.memory_space<vmem_shared>>) target_semaphore(%run_scoped3A : memref<!tpu.dma_semaphore, #tpu.memory_space<semaphore_mem>>)
        %dma_wait3A_86 = arith.constant 0 : i32
        %dma_wait3A_87 = tpu.memref_slice %arg15[%add3A_81, %dma_wait3A_86] : memref<10000x128xf32, #tpu.memory_space<vmem_shared>> -> memref<40x128xf32, #tpu.memory_space<vmem_shared>>
        %dma_wait3A_88 = arith.constant 0 : i32
        %dma_wait3A_89 = tpu.memref_slice %arg15[%add3A_81, %dma_wait3A_88] : memref<10000x128xf32, #tpu.memory_space<vmem_shared>> -> memref<40x128xf32, #tpu.memory_space<vmem_shared>>
        tpu.wait_dma2 semaphore(%run_scoped3A : memref<!tpu.dma_semaphore, #tpu.memory_space<semaphore_mem>>) src(%arg7 : memref<40x128xf32, #tpu.memory_space<vmem>>) dst(%dma_wait3A_89 : memref<40x128xf32, #tpu.memory_space<vmem_shared>>)
        tpu.yield
      }) : () -> ()
    }
    %scan3A_8 = arith.constant 15 : i32
    %add3A_9 = arith.constant 600 : i32
    %add3A_10 = arith.addi %mul3A_4, %add3A_9 : i32
    "tpu.region"() ({
      %run_scoped3A = tpu.sem_alloc : memref<!tpu.dma_semaphore, #tpu.memory_space<semaphore_mem>>
      %dma_start3A_74 = arith.constant 0 : i32
      %dma_start3A_75 = arith.constant 0 : i32
      %dma_start3A_76 = tpu.memref_slice %arg7[%dma_start3A_74, %dma_start3A_75] : memref<40x128xf32, #tpu.memory_space<vmem>> -> memref<24x128xf32, #tpu.memory_space<vmem>>
      %dma_start3A_77 = arith.constant 0 : i32
      %dma_start3A_78 = tpu.memref_slice %arg15[%add3A_10, %dma_start3A_77] : memref<10000x128xf32, #tpu.memory_space<vmem_shared>> -> memref<24x128xf32, #tpu.memory_space<vmem_shared>>
      %dma_start3A_79 = arith.constant 0 : i32
      %dma_start3A_80 = tpu.memref_slice %arg15[%add3A_10, %dma_start3A_79] : memref<10000x128xf32, #tpu.memory_space<vmem_shared>> -> memref<24x128xf32, #tpu.memory_space<vmem_shared>>
      %dma_start3A_81 = arith.constant 0 : i32
      %dma_start3A_82 = arith.constant 0 : i32
      %dma_start3A_83 = tpu.memref_slice %arg7[%dma_start3A_81, %dma_start3A_82] : memref<40x128xf32, #tpu.memory_space<vmem>> -> memref<24x128xf32, #tpu.memory_space<vmem>>
      tpu.enqueue_dma source(%dma_start3A_83 : memref<24x128xf32, #tpu.memory_space<vmem>>) target(%dma_start3A_80 : memref<24x128xf32, #tpu.memory_space<vmem_shared>>) target_semaphore(%run_scoped3A : memref<!tpu.dma_semaphore, #tpu.memory_space<semaphore_mem>>)
      %dma_wait3A_84 = arith.constant 0 : i32
      %dma_wait3A_85 = arith.constant 0 : i32
      %dma_wait3A_86 = tpu.memref_slice %arg7[%dma_wait3A_84, %dma_wait3A_85] : memref<40x128xf32, #tpu.memory_space<vmem>> -> memref<24x128xf32, #tpu.memory_space<vmem>>
      %dma_wait3A_87 = arith.constant 0 : i32
      %dma_wait3A_88 = tpu.memref_slice %arg15[%add3A_10, %dma_wait3A_87] : memref<10000x128xf32, #tpu.memory_space<vmem_shared>> -> memref<24x128xf32, #tpu.memory_space<vmem_shared>>
      %dma_wait3A_89 = arith.constant 0 : i32
      %dma_wait3A_90 = tpu.memref_slice %arg15[%add3A_10, %dma_wait3A_89] : memref<10000x128xf32, #tpu.memory_space<vmem_shared>> -> memref<24x128xf32, #tpu.memory_space<vmem_shared>>
      %dma_wait3A_91 = arith.constant 0 : i32
      %dma_wait3A_92 = arith.constant 0 : i32
      %dma_wait3A_93 = tpu.memref_slice %arg7[%dma_wait3A_91, %dma_wait3A_92] : memref<40x128xf32, #tpu.memory_space<vmem>> -> memref<24x128xf32, #tpu.memory_space<vmem>>
      tpu.wait_dma2 semaphore(%run_scoped3A : memref<!tpu.dma_semaphore, #tpu.memory_space<semaphore_mem>>) src(%dma_wait3A_93 : memref<24x128xf32, #tpu.memory_space<vmem>>) dst(%dma_wait3A_90 : memref<24x128xf32, #tpu.memory_space<vmem_shared>>)
      tpu.yield
    }) : () -> ()
    %eq3A = arith.constant 15 : i32
    %eq3A_11 = arith.cmpi eq, %arg1, %eq3A : i32
    %convert_element_type3A = arith.extui %eq3A_11 : i1 to i32
    %cond3A = arith.constant 0 : i32
    %cond3A_12 = arith.cmpi ne, %convert_element_type3A, %cond3A : i32
    scf.if %cond3A_12 {
      "tpu.region"() ({
        %run_scoped3A = tpu.sem_alloc : memref<!tpu.dma_semaphore, #tpu.memory_space<semaphore_mem>>
        %dma_start3A_74 = arith.constant 0 : i32
        %dma_start3A_75 = arith.constant 0 : i32
        %dma_start3A_76 = tpu.memref_slice %arg7[%dma_start3A_74, %dma_start3A_75] : memref<40x128xf32, #tpu.memory_space<vmem>> -> memref<16x128xf32, #tpu.memory_space<vmem>>
        %dma_start3A_77 = arith.constant 9984 : i32
        %dma_start3A_78 = arith.constant 0 : i32
        %dma_start3A_79 = tpu.memref_slice %arg15[%dma_start3A_77, %dma_start3A_78] : memref<10000x128xf32, #tpu.memory_space<vmem_shared>> -> memref<16x128xf32, #tpu.memory_space<vmem_shared>>
        %dma_start3A_80 = arith.constant 9984 : i32
        %dma_start3A_81 = arith.constant 0 : i32
        %dma_start3A_82 = tpu.memref_slice %arg15[%dma_start3A_80, %dma_start3A_81] : memref<10000x128xf32, #tpu.memory_space<vmem_shared>> -> memref<16x128xf32, #tpu.memory_space<vmem_shared>>
        %dma_start3A_83 = arith.constant 0 : i32
        %dma_start3A_84 = arith.constant 0 : i32
        %dma_start3A_85 = tpu.memref_slice %arg7[%dma_start3A_83, %dma_start3A_84] : memref<40x128xf32, #tpu.memory_space<vmem>> -> memref<16x128xf32, #tpu.memory_space<vmem>>
        tpu.enqueue_dma source(%dma_start3A_85 : memref<16x128xf32, #tpu.memory_space<vmem>>) target(%dma_start3A_82 : memref<16x128xf32, #tpu.memory_space<vmem_shared>>) target_semaphore(%run_scoped3A : memref<!tpu.dma_semaphore, #tpu.memory_space<semaphore_mem>>)
        %dma_wait3A_86 = arith.constant 0 : i32
        %dma_wait3A_87 = arith.constant 0 : i32
        %dma_wait3A_88 = tpu.memref_slice %arg7[%dma_wait3A_86, %dma_wait3A_87] : memref<40x128xf32, #tpu.memory_space<vmem>> -> memref<16x128xf32, #tpu.memory_space<vmem>>
        %dma_wait3A_89 = arith.constant 9984 : i32
        %dma_wait3A_90 = arith.constant 0 : i32
        %dma_wait3A_91 = tpu.memref_slice %arg15[%dma_wait3A_89, %dma_wait3A_90] : memref<10000x128xf32, #tpu.memory_space<vmem_shared>> -> memref<16x128xf32, #tpu.memory_space<vmem_shared>>
        %dma_wait3A_92 = arith.constant 9984 : i32
        %dma_wait3A_93 = arith.constant 0 : i32
        %dma_wait3A_94 = tpu.memref_slice %arg15[%dma_wait3A_92, %dma_wait3A_93] : memref<10000x128xf32, #tpu.memory_space<vmem_shared>> -> memref<16x128xf32, #tpu.memory_space<vmem_shared>>
        %dma_wait3A_95 = arith.constant 0 : i32
        %dma_wait3A_96 = arith.constant 0 : i32
        %dma_wait3A_97 = tpu.memref_slice %arg7[%dma_wait3A_95, %dma_wait3A_96] : memref<40x128xf32, #tpu.memory_space<vmem>> -> memref<16x128xf32, #tpu.memory_space<vmem>>
        tpu.wait_dma2 semaphore(%run_scoped3A : memref<!tpu.dma_semaphore, #tpu.memory_space<semaphore_mem>>) src(%dma_wait3A_97 : memref<16x128xf32, #tpu.memory_space<vmem>>) dst(%dma_wait3A_94 : memref<16x128xf32, #tpu.memory_space<vmem_shared>>)
        tpu.yield
      }) : () -> ()
    } else {
    }
    %barrier3A = arith.constant 0 : index
    tpu.barrier barrier_id(%barrier3A)
    %dma_start3A = arith.constant 0 : i32
    %dma_start3A_13 = tpu.memref_slice %arg13[%dma_start3A] : memref<10000xi32, #tpu.memory_space<vmem>> -> memref<40xi32, #tpu.memory_space<vmem>>
    %dma_start3A_14 = arith.constant 0 : i32
    %dma_start3A_15 = arith.constant 0 : i32
    %dma_start3A_16 = tpu.memref_slice %arg2[%dma_start3A_14, %dma_start3A_15] : memref<10000x128xf32, #tpu.memory_space<hbm>> -> memref<10000x128xf32, #tpu.memory_space<hbm>>
    tpu.enqueue_indirect_dma source(%dma_start3A_16 : memref<10000x128xf32, #tpu.memory_space<hbm>>) target(%arg7 : memref<40x128xf32, #tpu.memory_space<vmem>>) offsets(%dma_start3A_13 : memref<40xi32, #tpu.memory_space<vmem>>) semaphore(%arg16 : memref<!tpu.dma_semaphore, #tpu.memory_space<semaphore_mem>>)
    %dma_start3A_17 = arith.constant 40 : i32
    %dma_start3A_18 = tpu.memref_slice %arg13[%dma_start3A_17] : memref<10000xi32, #tpu.memory_space<vmem>> -> memref<40xi32, #tpu.memory_space<vmem>>
    %dma_start3A_19 = arith.constant 0 : i32
    %dma_start3A_20 = arith.constant 0 : i32
    %dma_start3A_21 = tpu.memref_slice %arg2[%dma_start3A_19, %dma_start3A_20] : memref<10000x128xf32, #tpu.memory_space<hbm>> -> memref<10000x128xf32, #tpu.memory_space<hbm>>
    tpu.enqueue_indirect_dma source(%dma_start3A_21 : memref<10000x128xf32, #tpu.memory_space<hbm>>) target(%arg8 : memref<40x128xf32, #tpu.memory_space<vmem>>) offsets(%dma_start3A_18 : memref<40xi32, #tpu.memory_space<vmem>>) semaphore(%arg17 : memref<!tpu.dma_semaphore, #tpu.memory_space<semaphore_mem>>)
    %dma_start3A_22 = arith.constant 80 : i32
    %dma_start3A_23 = tpu.memref_slice %arg13[%dma_start3A_22] : memref<10000xi32, #tpu.memory_space<vmem>> -> memref<40xi32, #tpu.memory_space<vmem>>
    %dma_start3A_24 = arith.constant 0 : i32
    %dma_start3A_25 = arith.constant 0 : i32
    %dma_start3A_26 = tpu.memref_slice %arg2[%dma_start3A_24, %dma_start3A_25] : memref<10000x128xf32, #tpu.memory_space<hbm>> -> memref<10000x128xf32, #tpu.memory_space<hbm>>
    tpu.enqueue_indirect_dma source(%dma_start3A_26 : memref<10000x128xf32, #tpu.memory_space<hbm>>) target(%arg9 : memref<40x128xf32, #tpu.memory_space<vmem>>) offsets(%dma_start3A_23 : memref<40xi32, #tpu.memory_space<vmem>>) semaphore(%arg18 : memref<!tpu.dma_semaphore, #tpu.memory_space<semaphore_mem>>)
    %dma_start3A_27 = arith.constant 120 : i32
    %dma_start3A_28 = tpu.memref_slice %arg13[%dma_start3A_27] : memref<10000xi32, #tpu.memory_space<vmem>> -> memref<40xi32, #tpu.memory_space<vmem>>
    %dma_start3A_29 = arith.constant 0 : i32
    %dma_start3A_30 = arith.constant 0 : i32
    %dma_start3A_31 = tpu.memref_slice %arg2[%dma_start3A_29, %dma_start3A_30] : memref<10000x128xf32, #tpu.memory_space<hbm>> -> memref<10000x128xf32, #tpu.memory_space<hbm>>
    tpu.enqueue_indirect_dma source(%dma_start3A_31 : memref<10000x128xf32, #tpu.memory_space<hbm>>) target(%arg10 : memref<40x128xf32, #tpu.memory_space<vmem>>) offsets(%dma_start3A_28 : memref<40xi32, #tpu.memory_space<vmem>>) semaphore(%arg19 : memref<!tpu.dma_semaphore, #tpu.memory_space<semaphore_mem>>)
    %scan3A_32 = arith.constant 0 : i32
    %scan3A_33 = arith.constant 42 : i32
    %scan3A_34 = arith.addi %scan3A_32, %scan3A_33 : i32
    %scan3A_35 = arith.constant 1 : i32
    scf.for %scan3A_74 = %scan3A_32 to %scan3A_34 step %scan3A_35  : i32 {
      %mul3A_75 = arith.constant 6 : i32
      %mul3A_76 = arith.muli %scan3A_74, %mul3A_75 : i32
      %add3A_77 = arith.constant 0 : i32
      %add3A_78 = arith.addi %add3A_77, %mul3A_76 : i32
      %add3A_79 = arith.constant 0 : i32
      %add3A_80 = arith.addi %add3A_78, %add3A_79 : i32
      %lt3A = arith.constant 250 : i32
      %lt3A_81 = arith.cmpi slt, %add3A_80, %lt3A : i32
      %convert_element_type3A_82 = arith.extui %lt3A_81 : i1 to i32
      %cond3A_83 = arith.constant 0 : i32
      %cond3A_84 = arith.cmpi ne, %convert_element_type3A_82, %cond3A_83 : i32
      scf.if %cond3A_84 {
        %add3A_120 = arith.constant 4 : i32
        %add3A_121 = arith.addi %add3A_80, %add3A_120 : i32
        %lt3A_122 = arith.constant 250 : i32
        %lt3A_123 = arith.cmpi slt, %add3A_121, %lt3A_122 : i32
        %convert_element_type3A_124 = arith.extui %lt3A_123 : i1 to i32
        %cond3A_125 = arith.constant 0 : i32
        %cond3A_126 = arith.cmpi ne, %convert_element_type3A_124, %cond3A_125 : i32
        scf.if %cond3A_126 {
          %add3A_139 = arith.constant 4 : i32
          %add3A_140 = arith.addi %add3A_80, %add3A_139 : i32
          %ge3A = arith.constant 6 : i32
          %ge3A_141 = arith.cmpi sge, %add3A_140, %ge3A : i32
          %convert_element_type3A_142 = arith.extui %ge3A_141 : i1 to i32
          %cond3A_143 = arith.constant 0 : i32
          %cond3A_144 = arith.cmpi ne, %convert_element_type3A_142, %cond3A_143 : i32
          scf.if %cond3A_144 {
            %add3A_153 = arith.constant 4 : i32
            %add3A_154 = arith.addi %add3A_80, %add3A_153 : i32
            %sub3A = arith.constant 6 : i32
            %sub3A_155 = arith.subi %add3A_154, %sub3A : i32
            %mul3A_156 = arith.constant 40 : i32
            %mul3A_157 = arith.muli %sub3A_155, %mul3A_156 : i32
            %dma_wait3A_158 = tpu.memref_slice %arg14[%mul3A_157] : memref<10000xi32, #tpu.memory_space<vmem>> -> memref<40xi32, #tpu.memory_space<vmem>>
            %dma_wait3A_159 = arith.constant 0 : i32
            %dma_wait3A_160 = arith.constant 0 : i32
            %dma_wait3A_161 = tpu.memref_slice %arg15[%dma_wait3A_159, %dma_wait3A_160] : memref<10000x128xf32, #tpu.memory_space<vmem_shared>> -> memref<10000x128xf32, #tpu.memory_space<vmem_shared>>
            tpu.wait_indirect_dma semaphore(%arg26 : memref<!tpu.dma_semaphore, #tpu.memory_space<semaphore_mem>>) src(%arg11 : memref<40x128xf32, #tpu.memory_space<vmem>>) dst(%dma_wait3A_161 : memref<10000x128xf32, #tpu.memory_space<vmem_shared>>)
          } else {
          }
          %add3A_145 = arith.constant 4 : i32
          %add3A_146 = arith.addi %add3A_80, %add3A_145 : i32
          %mul3A_147 = arith.constant 40 : i32
          %mul3A_148 = arith.muli %add3A_146, %mul3A_147 : i32
          %dma_start3A_149 = tpu.memref_slice %arg13[%mul3A_148] : memref<10000xi32, #tpu.memory_space<vmem>> -> memref<40xi32, #tpu.memory_space<vmem>>
          %dma_start3A_150 = arith.constant 0 : i32
          %dma_start3A_151 = arith.constant 0 : i32
          %dma_start3A_152 = tpu.memref_slice %arg2[%dma_start3A_150, %dma_start3A_151] : memref<10000x128xf32, #tpu.memory_space<hbm>> -> memref<10000x128xf32, #tpu.memory_space<hbm>>
          tpu.enqueue_indirect_dma source(%dma_start3A_152 : memref<10000x128xf32, #tpu.memory_space<hbm>>) target(%arg11 : memref<40x128xf32, #tpu.memory_space<vmem>>) offsets(%dma_start3A_149 : memref<40xi32, #tpu.memory_space<vmem>>) semaphore(%arg20 : memref<!tpu.dma_semaphore, #tpu.memory_space<semaphore_mem>>)
        } else {
        }
        %mul3A_127 = arith.constant 40 : i32
        %mul3A_128 = arith.muli %add3A_80, %mul3A_127 : i32
        %dma_wait3A_129 = tpu.memref_slice %arg13[%mul3A_128] : memref<10000xi32, #tpu.memory_space<vmem>> -> memref<40xi32, #tpu.memory_space<vmem>>
        %dma_wait3A_130 = arith.constant 0 : i32
        %dma_wait3A_131 = arith.constant 0 : i32
        %dma_wait3A_132 = tpu.memref_slice %arg2[%dma_wait3A_130, %dma_wait3A_131] : memref<10000x128xf32, #tpu.memory_space<hbm>> -> memref<10000x128xf32, #tpu.memory_space<hbm>>
        tpu.wait_indirect_dma semaphore(%arg16 : memref<!tpu.dma_semaphore, #tpu.memory_space<semaphore_mem>>) src(%dma_wait3A_132 : memref<10000x128xf32, #tpu.memory_space<hbm>>) dst(%arg7 : memref<40x128xf32, #tpu.memory_space<vmem>>)
        %mul3A_133 = arith.constant 40 : i32
        %mul3A_134 = arith.muli %add3A_80, %mul3A_133 : i32
        %dma_start3A_135 = tpu.memref_slice %arg14[%mul3A_134] : memref<10000xi32, #tpu.memory_space<vmem>> -> memref<40xi32, #tpu.memory_space<vmem>>
        %dma_start3A_136 = arith.constant 0 : i32
        %dma_start3A_137 = arith.constant 0 : i32
        %dma_start3A_138 = tpu.memref_slice %arg15[%dma_start3A_136, %dma_start3A_137] : memref<10000x128xf32, #tpu.memory_space<vmem_shared>> -> memref<10000x128xf32, #tpu.memory_space<vmem_shared>>
        tpu.enqueue_indirect_dma source(%arg7 : memref<40x128xf32, #tpu.memory_space<vmem>>) target(%dma_start3A_138 : memref<10000x128xf32, #tpu.memory_space<vmem_shared>>) offsets(%dma_start3A_135 : memref<40xi32, #tpu.memory_space<vmem>>) semaphore(%arg22 : memref<!tpu.dma_semaphore, #tpu.memory_space<semaphore_mem>>) {add = true}
      } else {
      }
      %add3A_85 = arith.constant 1 : i32
      %add3A_86 = arith.addi %add3A_78, %add3A_85 : i32
      %lt3A_87 = arith.constant 250 : i32
      %lt3A_88 = arith.cmpi slt, %add3A_86, %lt3A_87 : i32
      %convert_element_type3A_89 = arith.extui %lt3A_88 : i1 to i32
      %cond3A_90 = arith.constant 0 : i32
      %cond3A_91 = arith.cmpi ne, %convert_element_type3A_89, %cond3A_90 : i32
      scf.if %cond3A_91 {
        %add3A_120 = arith.constant 4 : i32
        %add3A_121 = arith.addi %add3A_86, %add3A_120 : i32
        %lt3A_122 = arith.constant 250 : i32
        %lt3A_123 = arith.cmpi slt, %add3A_121, %lt3A_122 : i32
        %convert_element_type3A_124 = arith.extui %lt3A_123 : i1 to i32
        %cond3A_125 = arith.constant 0 : i32
        %cond3A_126 = arith.cmpi ne, %convert_element_type3A_124, %cond3A_125 : i32
        scf.if %cond3A_126 {
          %add3A_139 = arith.constant 4 : i32
          %add3A_140 = arith.addi %add3A_86, %add3A_139 : i32
          %ge3A = arith.constant 6 : i32
          %ge3A_141 = arith.cmpi sge, %add3A_140, %ge3A : i32
          %convert_element_type3A_142 = arith.extui %ge3A_141 : i1 to i32
          %cond3A_143 = arith.constant 0 : i32
          %cond3A_144 = arith.cmpi ne, %convert_element_type3A_142, %cond3A_143 : i32
          scf.if %cond3A_144 {
            %add3A_153 = arith.constant 4 : i32
            %add3A_154 = arith.addi %add3A_86, %add3A_153 : i32
            %sub3A = arith.constant 6 : i32
            %sub3A_155 = arith.subi %add3A_154, %sub3A : i32
            %mul3A_156 = arith.constant 40 : i32
            %mul3A_157 = arith.muli %sub3A_155, %mul3A_156 : i32
            %dma_wait3A_158 = tpu.memref_slice %arg14[%mul3A_157] : memref<10000xi32, #tpu.memory_space<vmem>> -> memref<40xi32, #tpu.memory_space<vmem>>
            %dma_wait3A_159 = arith.constant 0 : i32
            %dma_wait3A_160 = arith.constant 0 : i32
            %dma_wait3A_161 = tpu.memref_slice %arg15[%dma_wait3A_159, %dma_wait3A_160] : memref<10000x128xf32, #tpu.memory_space<vmem_shared>> -> memref<10000x128xf32, #tpu.memory_space<vmem_shared>>
            tpu.wait_indirect_dma semaphore(%arg27 : memref<!tpu.dma_semaphore, #tpu.memory_space<semaphore_mem>>) src(%arg12 : memref<40x128xf32, #tpu.memory_space<vmem>>) dst(%dma_wait3A_161 : memref<10000x128xf32, #tpu.memory_space<vmem_shared>>)
          } else {
          }
          %add3A_145 = arith.constant 4 : i32
          %add3A_146 = arith.addi %add3A_86, %add3A_145 : i32
          %mul3A_147 = arith.constant 40 : i32
          %mul3A_148 = arith.muli %add3A_146, %mul3A_147 : i32
          %dma_start3A_149 = tpu.memref_slice %arg13[%mul3A_148] : memref<10000xi32, #tpu.memory_space<vmem>> -> memref<40xi32, #tpu.memory_space<vmem>>
          %dma_start3A_150 = arith.constant 0 : i32
          %dma_start3A_151 = arith.constant 0 : i32
          %dma_start3A_152 = tpu.memref_slice %arg2[%dma_start3A_150, %dma_start3A_151] : memref<10000x128xf32, #tpu.memory_space<hbm>> -> memref<10000x128xf32, #tpu.memory_space<hbm>>
          tpu.enqueue_indirect_dma source(%dma_start3A_152 : memref<10000x128xf32, #tpu.memory_space<hbm>>) target(%arg12 : memref<40x128xf32, #tpu.memory_space<vmem>>) offsets(%dma_start3A_149 : memref<40xi32, #tpu.memory_space<vmem>>) semaphore(%arg21 : memref<!tpu.dma_semaphore, #tpu.memory_space<semaphore_mem>>)
        } else {
        }
        %mul3A_127 = arith.constant 40 : i32
        %mul3A_128 = arith.muli %add3A_86, %mul3A_127 : i32
        %dma_wait3A_129 = tpu.memref_slice %arg13[%mul3A_128] : memref<10000xi32, #tpu.memory_space<vmem>> -> memref<40xi32, #tpu.memory_space<vmem>>
        %dma_wait3A_130 = arith.constant 0 : i32
        %dma_wait3A_131 = arith.constant 0 : i32
        %dma_wait3A_132 = tpu.memref_slice %arg2[%dma_wait3A_130, %dma_wait3A_131] : memref<10000x128xf32, #tpu.memory_space<hbm>> -> memref<10000x128xf32, #tpu.memory_space<hbm>>
        tpu.wait_indirect_dma semaphore(%arg17 : memref<!tpu.dma_semaphore, #tpu.memory_space<semaphore_mem>>) src(%dma_wait3A_132 : memref<10000x128xf32, #tpu.memory_space<hbm>>) dst(%arg8 : memref<40x128xf32, #tpu.memory_space<vmem>>)
        %mul3A_133 = arith.constant 40 : i32
        %mul3A_134 = arith.muli %add3A_86, %mul3A_133 : i32
        %dma_start3A_135 = tpu.memref_slice %arg14[%mul3A_134] : memref<10000xi32, #tpu.memory_space<vmem>> -> memref<40xi32, #tpu.memory_space<vmem>>
        %dma_start3A_136 = arith.constant 0 : i32
        %dma_start3A_137 = arith.constant 0 : i32
        %dma_start3A_138 = tpu.memref_slice %arg15[%dma_start3A_136, %dma_start3A_137] : memref<10000x128xf32, #tpu.memory_space<vmem_shared>> -> memref<10000x128xf32, #tpu.memory_space<vmem_shared>>
        tpu.enqueue_indirect_dma source(%arg8 : memref<40x128xf32, #tpu.memory_space<vmem>>) target(%dma_start3A_138 : memref<10000x128xf32, #tpu.memory_space<vmem_shared>>) offsets(%dma_start3A_135 : memref<40xi32, #tpu.memory_space<vmem>>) semaphore(%arg23 : memref<!tpu.dma_semaphore, #tpu.memory_space<semaphore_mem>>) {add = true}
      } else {
      }
      %add3A_92 = arith.constant 2 : i32
      %add3A_93 = arith.addi %add3A_78, %add3A_92 : i32
      %lt3A_94 = arith.constant 250 : i32
      %lt3A_95 = arith.cmpi slt, %add3A_93, %lt3A_94 : i32
      %convert_element_type3A_96 = arith.extui %lt3A_95 : i1 to i32
      %cond3A_97 = arith.constant 0 : i32
      %cond3A_98 = arith.cmpi ne, %convert_element_type3A_96, %cond3A_97 : i32
      scf.if %cond3A_98 {
        %add3A_120 = arith.constant 4 : i32
        %add3A_121 = arith.addi %add3A_93, %add3A_120 : i32
        %lt3A_122 = arith.constant 250 : i32
        %lt3A_123 = arith.cmpi slt, %add3A_121, %lt3A_122 : i32
        %convert_element_type3A_124 = arith.extui %lt3A_123 : i1 to i32
        %cond3A_125 = arith.constant 0 : i32
        %cond3A_126 = arith.cmpi ne, %convert_element_type3A_124, %cond3A_125 : i32
        scf.if %cond3A_126 {
          %add3A_139 = arith.constant 4 : i32
          %add3A_140 = arith.addi %add3A_93, %add3A_139 : i32
          %ge3A = arith.constant 6 : i32
          %ge3A_141 = arith.cmpi sge, %add3A_140, %ge3A : i32
          %convert_element_type3A_142 = arith.extui %ge3A_141 : i1 to i32
          %cond3A_143 = arith.constant 0 : i32
          %cond3A_144 = arith.cmpi ne, %convert_element_type3A_142, %cond3A_143 : i32
          scf.if %cond3A_144 {
            %add3A_153 = arith.constant 4 : i32
            %add3A_154 = arith.addi %add3A_93, %add3A_153 : i32
            %sub3A = arith.constant 6 : i32
            %sub3A_155 = arith.subi %add3A_154, %sub3A : i32
            %mul3A_156 = arith.constant 40 : i32
            %mul3A_157 = arith.muli %sub3A_155, %mul3A_156 : i32
            %dma_wait3A_158 = tpu.memref_slice %arg14[%mul3A_157] : memref<10000xi32, #tpu.memory_space<vmem>> -> memref<40xi32, #tpu.memory_space<vmem>>
            %dma_wait3A_159 = arith.constant 0 : i32
            %dma_wait3A_160 = arith.constant 0 : i32
            %dma_wait3A_161 = tpu.memref_slice %arg15[%dma_wait3A_159, %dma_wait3A_160] : memref<10000x128xf32, #tpu.memory_space<vmem_shared>> -> memref<10000x128xf32, #tpu.memory_space<vmem_shared>>
            tpu.wait_indirect_dma semaphore(%arg22 : memref<!tpu.dma_semaphore, #tpu.memory_space<semaphore_mem>>) src(%arg7 : memref<40x128xf32, #tpu.memory_space<vmem>>) dst(%dma_wait3A_161 : memref<10000x128xf32, #tpu.memory_space<vmem_shared>>)
          } else {
          }
          %add3A_145 = arith.constant 4 : i32
          %add3A_146 = arith.addi %add3A_93, %add3A_145 : i32
          %mul3A_147 = arith.constant 40 : i32
          %mul3A_148 = arith.muli %add3A_146, %mul3A_147 : i32
          %dma_start3A_149 = tpu.memref_slice %arg13[%mul3A_148] : memref<10000xi32, #tpu.memory_space<vmem>> -> memref<40xi32, #tpu.memory_space<vmem>>
          %dma_start3A_150 = arith.constant 0 : i32
          %dma_start3A_151 = arith.constant 0 : i32
          %dma_start3A_152 = tpu.memref_slice %arg2[%dma_start3A_150, %dma_start3A_151] : memref<10000x128xf32, #tpu.memory_space<hbm>> -> memref<10000x128xf32, #tpu.memory_space<hbm>>
          tpu.enqueue_indirect_dma source(%dma_start3A_152 : memref<10000x128xf32, #tpu.memory_space<hbm>>) target(%arg7 : memref<40x128xf32, #tpu.memory_space<vmem>>) offsets(%dma_start3A_149 : memref<40xi32, #tpu.memory_space<vmem>>) semaphore(%arg16 : memref<!tpu.dma_semaphore, #tpu.memory_space<semaphore_mem>>)
        } else {
        }
        %mul3A_127 = arith.constant 40 : i32
        %mul3A_128 = arith.muli %add3A_93, %mul3A_127 : i32
        %dma_wait3A_129 = tpu.memref_slice %arg13[%mul3A_128] : memref<10000xi32, #tpu.memory_space<vmem>> -> memref<40xi32, #tpu.memory_space<vmem>>
        %dma_wait3A_130 = arith.constant 0 : i32
        %dma_wait3A_131 = arith.constant 0 : i32
        %dma_wait3A_132 = tpu.memref_slice %arg2[%dma_wait3A_130, %dma_wait3A_131] : memref<10000x128xf32, #tpu.memory_space<hbm>> -> memref<10000x128xf32, #tpu.memory_space<hbm>>
        tpu.wait_indirect_dma semaphore(%arg18 : memref<!tpu.dma_semaphore, #tpu.memory_space<semaphore_mem>>) src(%dma_wait3A_132 : memref<10000x128xf32, #tpu.memory_space<hbm>>) dst(%arg9 : memref<40x128xf32, #tpu.memory_space<vmem>>)
        %mul3A_133 = arith.constant 40 : i32
        %mul3A_134 = arith.muli %add3A_93, %mul3A_133 : i32
        %dma_start3A_135 = tpu.memref_slice %arg14[%mul3A_134] : memref<10000xi32, #tpu.memory_space<vmem>> -> memref<40xi32, #tpu.memory_space<vmem>>
        %dma_start3A_136 = arith.constant 0 : i32
        %dma_start3A_137 = arith.constant 0 : i32
        %dma_start3A_138 = tpu.memref_slice %arg15[%dma_start3A_136, %dma_start3A_137] : memref<10000x128xf32, #tpu.memory_space<vmem_shared>> -> memref<10000x128xf32, #tpu.memory_space<vmem_shared>>
        tpu.enqueue_indirect_dma source(%arg9 : memref<40x128xf32, #tpu.memory_space<vmem>>) target(%dma_start3A_138 : memref<10000x128xf32, #tpu.memory_space<vmem_shared>>) offsets(%dma_start3A_135 : memref<40xi32, #tpu.memory_space<vmem>>) semaphore(%arg24 : memref<!tpu.dma_semaphore, #tpu.memory_space<semaphore_mem>>) {add = true}
      } else {
      }
      %add3A_99 = arith.constant 3 : i32
      %add3A_100 = arith.addi %add3A_78, %add3A_99 : i32
      %lt3A_101 = arith.constant 250 : i32
      %lt3A_102 = arith.cmpi slt, %add3A_100, %lt3A_101 : i32
      %convert_element_type3A_103 = arith.extui %lt3A_102 : i1 to i32
      %cond3A_104 = arith.constant 0 : i32
      %cond3A_105 = arith.cmpi ne, %convert_element_type3A_103, %cond3A_104 : i32
      scf.if %cond3A_105 {
        %add3A_120 = arith.constant 4 : i32
        %add3A_121 = arith.addi %add3A_100, %add3A_120 : i32
        %lt3A_122 = arith.constant 250 : i32
        %lt3A_123 = arith.cmpi slt, %add3A_121, %lt3A_122 : i32
        %convert_element_type3A_124 = arith.extui %lt3A_123 : i1 to i32
        %cond3A_125 = arith.constant 0 : i32
        %cond3A_126 = arith.cmpi ne, %convert_element_type3A_124, %cond3A_125 : i32
        scf.if %cond3A_126 {
          %add3A_139 = arith.constant 4 : i32
          %add3A_140 = arith.addi %add3A_100, %add3A_139 : i32
          %ge3A = arith.constant 6 : i32
          %ge3A_141 = arith.cmpi sge, %add3A_140, %ge3A : i32
          %convert_element_type3A_142 = arith.extui %ge3A_141 : i1 to i32
          %cond3A_143 = arith.constant 0 : i32
          %cond3A_144 = arith.cmpi ne, %convert_element_type3A_142, %cond3A_143 : i32
          scf.if %cond3A_144 {
            %add3A_153 = arith.constant 4 : i32
            %add3A_154 = arith.addi %add3A_100, %add3A_153 : i32
            %sub3A = arith.constant 6 : i32
            %sub3A_155 = arith.subi %add3A_154, %sub3A : i32
            %mul3A_156 = arith.constant 40 : i32
            %mul3A_157 = arith.muli %sub3A_155, %mul3A_156 : i32
            %dma_wait3A_158 = tpu.memref_slice %arg14[%mul3A_157] : memref<10000xi32, #tpu.memory_space<vmem>> -> memref<40xi32, #tpu.memory_space<vmem>>
            %dma_wait3A_159 = arith.constant 0 : i32
            %dma_wait3A_160 = arith.constant 0 : i32
            %dma_wait3A_161 = tpu.memref_slice %arg15[%dma_wait3A_159, %dma_wait3A_160] : memref<10000x128xf32, #tpu.memory_space<vmem_shared>> -> memref<10000x128xf32, #tpu.memory_space<vmem_shared>>
            tpu.wait_indirect_dma semaphore(%arg23 : memref<!tpu.dma_semaphore, #tpu.memory_space<semaphore_mem>>) src(%arg8 : memref<40x128xf32, #tpu.memory_space<vmem>>) dst(%dma_wait3A_161 : memref<10000x128xf32, #tpu.memory_space<vmem_shared>>)
          } else {
          }
          %add3A_145 = arith.constant 4 : i32
          %add3A_146 = arith.addi %add3A_100, %add3A_145 : i32
          %mul3A_147 = arith.constant 40 : i32
          %mul3A_148 = arith.muli %add3A_146, %mul3A_147 : i32
          %dma_start3A_149 = tpu.memref_slice %arg13[%mul3A_148] : memref<10000xi32, #tpu.memory_space<vmem>> -> memref<40xi32, #tpu.memory_space<vmem>>
          %dma_start3A_150 = arith.constant 0 : i32
          %dma_start3A_151 = arith.constant 0 : i32
          %dma_start3A_152 = tpu.memref_slice %arg2[%dma_start3A_150, %dma_start3A_151] : memref<10000x128xf32, #tpu.memory_space<hbm>> -> memref<10000x128xf32, #tpu.memory_space<hbm>>
          tpu.enqueue_indirect_dma source(%dma_start3A_152 : memref<10000x128xf32, #tpu.memory_space<hbm>>) target(%arg8 : memref<40x128xf32, #tpu.memory_space<vmem>>) offsets(%dma_start3A_149 : memref<40xi32, #tpu.memory_space<vmem>>) semaphore(%arg17 : memref<!tpu.dma_semaphore, #tpu.memory_space<semaphore_mem>>)
        } else {
        }
        %mul3A_127 = arith.constant 40 : i32
        %mul3A_128 = arith.muli %add3A_100, %mul3A_127 : i32
        %dma_wait3A_129 = tpu.memref_slice %arg13[%mul3A_128] : memref<10000xi32, #tpu.memory_space<vmem>> -> memref<40xi32, #tpu.memory_space<vmem>>
        %dma_wait3A_130 = arith.constant 0 : i32
        %dma_wait3A_131 = arith.constant 0 : i32
        %dma_wait3A_132 = tpu.memref_slice %arg2[%dma_wait3A_130, %dma_wait3A_131] : memref<10000x128xf32, #tpu.memory_space<hbm>> -> memref<10000x128xf32, #tpu.memory_space<hbm>>
        tpu.wait_indirect_dma semaphore(%arg19 : memref<!tpu.dma_semaphore, #tpu.memory_space<semaphore_mem>>) src(%dma_wait3A_132 : memref<10000x128xf32, #tpu.memory_space<hbm>>) dst(%arg10 : memref<40x128xf32, #tpu.memory_space<vmem>>)
        %mul3A_133 = arith.constant 40 : i32
        %mul3A_134 = arith.muli %add3A_100, %mul3A_133 : i32
        %dma_start3A_135 = tpu.memref_slice %arg14[%mul3A_134] : memref<10000xi32, #tpu.memory_space<vmem>> -> memref<40xi32, #tpu.memory_space<vmem>>
        %dma_start3A_136 = arith.constant 0 : i32
        %dma_start3A_137 = arith.constant 0 : i32
        %dma_start3A_138 = tpu.memref_slice %arg15[%dma_start3A_136, %dma_start3A_137] : memref<10000x128xf32, #tpu.memory_space<vmem_shared>> -> memref<10000x128xf32, #tpu.memory_space<vmem_shared>>
        tpu.enqueue_indirect_dma source(%arg10 : memref<40x128xf32, #tpu.memory_space<vmem>>) target(%dma_start3A_138 : memref<10000x128xf32, #tpu.memory_space<vmem_shared>>) offsets(%dma_start3A_135 : memref<40xi32, #tpu.memory_space<vmem>>) semaphore(%arg25 : memref<!tpu.dma_semaphore, #tpu.memory_space<semaphore_mem>>) {add = true}
      } else {
      }
      %add3A_106 = arith.constant 4 : i32
      %add3A_107 = arith.addi %add3A_78, %add3A_106 : i32
      %lt3A_108 = arith.constant 250 : i32
      %lt3A_109 = arith.cmpi slt, %add3A_107, %lt3A_108 : i32
      %convert_element_type3A_110 = arith.extui %lt3A_109 : i1 to i32
      %cond3A_111 = arith.constant 0 : i32
      %cond3A_112 = arith.cmpi ne, %convert_element_type3A_110, %cond3A_111 : i32
      scf.if %cond3A_112 {
        %add3A_120 = arith.constant 4 : i32
        %add3A_121 = arith.addi %add3A_107, %add3A_120 : i32
        %lt3A_122 = arith.constant 250 : i32
        %lt3A_123 = arith.cmpi slt, %add3A_121, %lt3A_122 : i32
        %convert_element_type3A_124 = arith.extui %lt3A_123 : i1 to i32
        %cond3A_125 = arith.constant 0 : i32
        %cond3A_126 = arith.cmpi ne, %convert_element_type3A_124, %cond3A_125 : i32
        scf.if %cond3A_126 {
          %add3A_139 = arith.constant 4 : i32
          %add3A_140 = arith.addi %add3A_107, %add3A_139 : i32
          %ge3A = arith.constant 6 : i32
          %ge3A_141 = arith.cmpi sge, %add3A_140, %ge3A : i32
          %convert_element_type3A_142 = arith.extui %ge3A_141 : i1 to i32
          %cond3A_143 = arith.constant 0 : i32
          %cond3A_144 = arith.cmpi ne, %convert_element_type3A_142, %cond3A_143 : i32
          scf.if %cond3A_144 {
            %add3A_153 = arith.constant 4 : i32
            %add3A_154 = arith.addi %add3A_107, %add3A_153 : i32
            %sub3A = arith.constant 6 : i32
            %sub3A_155 = arith.subi %add3A_154, %sub3A : i32
            %mul3A_156 = arith.constant 40 : i32
            %mul3A_157 = arith.muli %sub3A_155, %mul3A_156 : i32
            %dma_wait3A_158 = tpu.memref_slice %arg14[%mul3A_157] : memref<10000xi32, #tpu.memory_space<vmem>> -> memref<40xi32, #tpu.memory_space<vmem>>
            %dma_wait3A_159 = arith.constant 0 : i32
            %dma_wait3A_160 = arith.constant 0 : i32
            %dma_wait3A_161 = tpu.memref_slice %arg15[%dma_wait3A_159, %dma_wait3A_160] : memref<10000x128xf32, #tpu.memory_space<vmem_shared>> -> memref<10000x128xf32, #tpu.memory_space<vmem_shared>>
            tpu.wait_indirect_dma semaphore(%arg24 : memref<!tpu.dma_semaphore, #tpu.memory_space<semaphore_mem>>) src(%arg9 : memref<40x128xf32, #tpu.memory_space<vmem>>) dst(%dma_wait3A_161 : memref<10000x128xf32, #tpu.memory_space<vmem_shared>>)
          } else {
          }
          %add3A_145 = arith.constant 4 : i32
          %add3A_146 = arith.addi %add3A_107, %add3A_145 : i32
          %mul3A_147 = arith.constant 40 : i32
          %mul3A_148 = arith.muli %add3A_146, %mul3A_147 : i32
          %dma_start3A_149 = tpu.memref_slice %arg13[%mul3A_148] : memref<10000xi32, #tpu.memory_space<vmem>> -> memref<40xi32, #tpu.memory_space<vmem>>
          %dma_start3A_150 = arith.constant 0 : i32
          %dma_start3A_151 = arith.constant 0 : i32
          %dma_start3A_152 = tpu.memref_slice %arg2[%dma_start3A_150, %dma_start3A_151] : memref<10000x128xf32, #tpu.memory_space<hbm>> -> memref<10000x128xf32, #tpu.memory_space<hbm>>
          tpu.enqueue_indirect_dma source(%dma_start3A_152 : memref<10000x128xf32, #tpu.memory_space<hbm>>) target(%arg9 : memref<40x128xf32, #tpu.memory_space<vmem>>) offsets(%dma_start3A_149 : memref<40xi32, #tpu.memory_space<vmem>>) semaphore(%arg18 : memref<!tpu.dma_semaphore, #tpu.memory_space<semaphore_mem>>)
        } else {
        }
        %mul3A_127 = arith.constant 40 : i32
        %mul3A_128 = arith.muli %add3A_107, %mul3A_127 : i32
        %dma_wait3A_129 = tpu.memref_slice %arg13[%mul3A_128] : memref<10000xi32, #tpu.memory_space<vmem>> -> memref<40xi32, #tpu.memory_space<vmem>>
        %dma_wait3A_130 = arith.constant 0 : i32
        %dma_wait3A_131 = arith.constant 0 : i32
        %dma_wait3A_132 = tpu.memref_slice %arg2[%dma_wait3A_130, %dma_wait3A_131] : memref<10000x128xf32, #tpu.memory_space<hbm>> -> memref<10000x128xf32, #tpu.memory_space<hbm>>
        tpu.wait_indirect_dma semaphore(%arg20 : memref<!tpu.dma_semaphore, #tpu.memory_space<semaphore_mem>>) src(%dma_wait3A_132 : memref<10000x128xf32, #tpu.memory_space<hbm>>) dst(%arg11 : memref<40x128xf32, #tpu.memory_space<vmem>>)
        %mul3A_133 = arith.constant 40 : i32
        %mul3A_134 = arith.muli %add3A_107, %mul3A_133 : i32
        %dma_start3A_135 = tpu.memref_slice %arg14[%mul3A_134] : memref<10000xi32, #tpu.memory_space<vmem>> -> memref<40xi32, #tpu.memory_space<vmem>>
        %dma_start3A_136 = arith.constant 0 : i32
        %dma_start3A_137 = arith.constant 0 : i32
        %dma_start3A_138 = tpu.memref_slice %arg15[%dma_start3A_136, %dma_start3A_137] : memref<10000x128xf32, #tpu.memory_space<vmem_shared>> -> memref<10000x128xf32, #tpu.memory_space<vmem_shared>>
        tpu.enqueue_indirect_dma source(%arg11 : memref<40x128xf32, #tpu.memory_space<vmem>>) target(%dma_start3A_138 : memref<10000x128xf32, #tpu.memory_space<vmem_shared>>) offsets(%dma_start3A_135 : memref<40xi32, #tpu.memory_space<vmem>>) semaphore(%arg26 : memref<!tpu.dma_semaphore, #tpu.memory_space<semaphore_mem>>) {add = true}
      } else {
      }
      %add3A_113 = arith.constant 5 : i32
      %add3A_114 = arith.addi %add3A_78, %add3A_113 : i32
      %lt3A_115 = arith.constant 250 : i32
      %lt3A_116 = arith.cmpi slt, %add3A_114, %lt3A_115 : i32
      %convert_element_type3A_117 = arith.extui %lt3A_116 : i1 to i32
      %cond3A_118 = arith.constant 0 : i32
      %cond3A_119 = arith.cmpi ne, %convert_element_type3A_117, %cond3A_118 : i32
      scf.if %cond3A_119 {
        %add3A_120 = arith.constant 4 : i32
        %add3A_121 = arith.addi %add3A_114, %add3A_120 : i32
        %lt3A_122 = arith.constant 250 : i32
        %lt3A_123 = arith.cmpi slt, %add3A_121, %lt3A_122 : i32
        %convert_element_type3A_124 = arith.extui %lt3A_123 : i1 to i32
        %cond3A_125 = arith.constant 0 : i32
        %cond3A_126 = arith.cmpi ne, %convert_element_type3A_124, %cond3A_125 : i32
        scf.if %cond3A_126 {
          %add3A_139 = arith.constant 4 : i32
          %add3A_140 = arith.addi %add3A_114, %add3A_139 : i32
          %ge3A = arith.constant 6 : i32
          %ge3A_141 = arith.cmpi sge, %add3A_140, %ge3A : i32
          %convert_element_type3A_142 = arith.extui %ge3A_141 : i1 to i32
          %cond3A_143 = arith.constant 0 : i32
          %cond3A_144 = arith.cmpi ne, %convert_element_type3A_142, %cond3A_143 : i32
          scf.if %cond3A_144 {
            %add3A_153 = arith.constant 4 : i32
            %add3A_154 = arith.addi %add3A_114, %add3A_153 : i32
            %sub3A = arith.constant 6 : i32
            %sub3A_155 = arith.subi %add3A_154, %sub3A : i32
            %mul3A_156 = arith.constant 40 : i32
            %mul3A_157 = arith.muli %sub3A_155, %mul3A_156 : i32
            %dma_wait3A_158 = tpu.memref_slice %arg14[%mul3A_157] : memref<10000xi32, #tpu.memory_space<vmem>> -> memref<40xi32, #tpu.memory_space<vmem>>
            %dma_wait3A_159 = arith.constant 0 : i32
            %dma_wait3A_160 = arith.constant 0 : i32
            %dma_wait3A_161 = tpu.memref_slice %arg15[%dma_wait3A_159, %dma_wait3A_160] : memref<10000x128xf32, #tpu.memory_space<vmem_shared>> -> memref<10000x128xf32, #tpu.memory_space<vmem_shared>>
            tpu.wait_indirect_dma semaphore(%arg25 : memref<!tpu.dma_semaphore, #tpu.memory_space<semaphore_mem>>) src(%arg10 : memref<40x128xf32, #tpu.memory_space<vmem>>) dst(%dma_wait3A_161 : memref<10000x128xf32, #tpu.memory_space<vmem_shared>>)
          } else {
          }
          %add3A_145 = arith.constant 4 : i32
          %add3A_146 = arith.addi %add3A_114, %add3A_145 : i32
          %mul3A_147 = arith.constant 40 : i32
          %mul3A_148 = arith.muli %add3A_146, %mul3A_147 : i32
          %dma_start3A_149 = tpu.memref_slice %arg13[%mul3A_148] : memref<10000xi32, #tpu.memory_space<vmem>> -> memref<40xi32, #tpu.memory_space<vmem>>
          %dma_start3A_150 = arith.constant 0 : i32
          %dma_start3A_151 = arith.constant 0 : i32
          %dma_start3A_152 = tpu.memref_slice %arg2[%dma_start3A_150, %dma_start3A_151] : memref<10000x128xf32, #tpu.memory_space<hbm>> -> memref<10000x128xf32, #tpu.memory_space<hbm>>
          tpu.enqueue_indirect_dma source(%dma_start3A_152 : memref<10000x128xf32, #tpu.memory_space<hbm>>) target(%arg10 : memref<40x128xf32, #tpu.memory_space<vmem>>) offsets(%dma_start3A_149 : memref<40xi32, #tpu.memory_space<vmem>>) semaphore(%arg19 : memref<!tpu.dma_semaphore, #tpu.memory_space<semaphore_mem>>)
        } else {
        }
        %mul3A_127 = arith.constant 40 : i32
        %mul3A_128 = arith.muli %add3A_114, %mul3A_127 : i32
        %dma_wait3A_129 = tpu.memref_slice %arg13[%mul3A_128] : memref<10000xi32, #tpu.memory_space<vmem>> -> memref<40xi32, #tpu.memory_space<vmem>>
        %dma_wait3A_130 = arith.constant 0 : i32
        %dma_wait3A_131 = arith.constant 0 : i32
        %dma_wait3A_132 = tpu.memref_slice %arg2[%dma_wait3A_130, %dma_wait3A_131] : memref<10000x128xf32, #tpu.memory_space<hbm>> -> memref<10000x128xf32, #tpu.memory_space<hbm>>
        tpu.wait_indirect_dma semaphore(%arg21 : memref<!tpu.dma_semaphore, #tpu.memory_space<semaphore_mem>>) src(%dma_wait3A_132 : memref<10000x128xf32, #tpu.memory_space<hbm>>) dst(%arg12 : memref<40x128xf32, #tpu.memory_space<vmem>>)
        %mul3A_133 = arith.constant 40 : i32
        %mul3A_134 = arith.muli %add3A_114, %mul3A_133 : i32
        %dma_start3A_135 = tpu.memref_slice %arg14[%mul3A_134] : memref<10000xi32, #tpu.memory_space<vmem>> -> memref<40xi32, #tpu.memory_space<vmem>>
        %dma_start3A_136 = arith.constant 0 : i32
        %dma_start3A_137 = arith.constant 0 : i32
        %dma_start3A_138 = tpu.memref_slice %arg15[%dma_start3A_136, %dma_start3A_137] : memref<10000x128xf32, #tpu.memory_space<vmem_shared>> -> memref<10000x128xf32, #tpu.memory_space<vmem_shared>>
        tpu.enqueue_indirect_dma source(%arg12 : memref<40x128xf32, #tpu.memory_space<vmem>>) target(%dma_start3A_138 : memref<10000x128xf32, #tpu.memory_space<vmem_shared>>) offsets(%dma_start3A_135 : memref<40xi32, #tpu.memory_space<vmem>>) semaphore(%arg27 : memref<!tpu.dma_semaphore, #tpu.memory_space<semaphore_mem>>) {add = true}
      } else {
      }
    }
    %scan3A_36 = arith.constant 42 : i32
    %dma_wait3A = arith.constant 9760 : i32
    %dma_wait3A_37 = tpu.memref_slice %arg14[%dma_wait3A] : memref<10000xi32, #tpu.memory_space<vmem>> -> memref<40xi32, #tpu.memory_space<vmem>>
    %dma_wait3A_38 = arith.constant 0 : i32
    %dma_wait3A_39 = arith.constant 0 : i32
    %dma_wait3A_40 = tpu.memref_slice %arg15[%dma_wait3A_38, %dma_wait3A_39] : memref<10000x128xf32, #tpu.memory_space<vmem_shared>> -> memref<10000x128xf32, #tpu.memory_space<vmem_shared>>
    tpu.wait_indirect_dma semaphore(%arg26 : memref<!tpu.dma_semaphore, #tpu.memory_space<semaphore_mem>>) src(%arg11 : memref<40x128xf32, #tpu.memory_space<vmem>>) dst(%dma_wait3A_40 : memref<10000x128xf32, #tpu.memory_space<vmem_shared>>)
    %dma_wait3A_41 = arith.constant 9800 : i32
    %dma_wait3A_42 = tpu.memref_slice %arg14[%dma_wait3A_41] : memref<10000xi32, #tpu.memory_space<vmem>> -> memref<40xi32, #tpu.memory_space<vmem>>
    %dma_wait3A_43 = arith.constant 0 : i32
    %dma_wait3A_44 = arith.constant 0 : i32
    %dma_wait3A_45 = tpu.memref_slice %arg15[%dma_wait3A_43, %dma_wait3A_44] : memref<10000x128xf32, #tpu.memory_space<vmem_shared>> -> memref<10000x128xf32, #tpu.memory_space<vmem_shared>>
    tpu.wait_indirect_dma semaphore(%arg27 : memref<!tpu.dma_semaphore, #tpu.memory_space<semaphore_mem>>) src(%arg12 : memref<40x128xf32, #tpu.memory_space<vmem>>) dst(%dma_wait3A_45 : memref<10000x128xf32, #tpu.memory_space<vmem_shared>>)
    %dma_wait3A_46 = arith.constant 9840 : i32
    %dma_wait3A_47 = tpu.memref_slice %arg14[%dma_wait3A_46] : memref<10000xi32, #tpu.memory_space<vmem>> -> memref<40xi32, #tpu.memory_space<vmem>>
    %dma_wait3A_48 = arith.constant 0 : i32
    %dma_wait3A_49 = arith.constant 0 : i32
    %dma_wait3A_50 = tpu.memref_slice %arg15[%dma_wait3A_48, %dma_wait3A_49] : memref<10000x128xf32, #tpu.memory_space<vmem_shared>> -> memref<10000x128xf32, #tpu.memory_space<vmem_shared>>
    tpu.wait_indirect_dma semaphore(%arg22 : memref<!tpu.dma_semaphore, #tpu.memory_space<semaphore_mem>>) src(%arg7 : memref<40x128xf32, #tpu.memory_space<vmem>>) dst(%dma_wait3A_50 : memref<10000x128xf32, #tpu.memory_space<vmem_shared>>)
    %dma_wait3A_51 = arith.constant 9880 : i32
    %dma_wait3A_52 = tpu.memref_slice %arg14[%dma_wait3A_51] : memref<10000xi32, #tpu.memory_space<vmem>> -> memref<40xi32, #tpu.memory_space<vmem>>
    %dma_wait3A_53 = arith.constant 0 : i32
    %dma_wait3A_54 = arith.constant 0 : i32
    %dma_wait3A_55 = tpu.memref_slice %arg15[%dma_wait3A_53, %dma_wait3A_54] : memref<10000x128xf32, #tpu.memory_space<vmem_shared>> -> memref<10000x128xf32, #tpu.memory_space<vmem_shared>>
    tpu.wait_indirect_dma semaphore(%arg23 : memref<!tpu.dma_semaphore, #tpu.memory_space<semaphore_mem>>) src(%arg8 : memref<40x128xf32, #tpu.memory_space<vmem>>) dst(%dma_wait3A_55 : memref<10000x128xf32, #tpu.memory_space<vmem_shared>>)
    %dma_wait3A_56 = arith.constant 9920 : i32
    %dma_wait3A_57 = tpu.memref_slice %arg14[%dma_wait3A_56] : memref<10000xi32, #tpu.memory_space<vmem>> -> memref<40xi32, #tpu.memory_space<vmem>>
    %dma_wait3A_58 = arith.constant 0 : i32
    %dma_wait3A_59 = arith.constant 0 : i32
    %dma_wait3A_60 = tpu.memref_slice %arg15[%dma_wait3A_58, %dma_wait3A_59] : memref<10000x128xf32, #tpu.memory_space<vmem_shared>> -> memref<10000x128xf32, #tpu.memory_space<vmem_shared>>
    tpu.wait_indirect_dma semaphore(%arg24 : memref<!tpu.dma_semaphore, #tpu.memory_space<semaphore_mem>>) src(%arg9 : memref<40x128xf32, #tpu.memory_space<vmem>>) dst(%dma_wait3A_60 : memref<10000x128xf32, #tpu.memory_space<vmem_shared>>)
    %dma_wait3A_61 = arith.constant 9960 : i32
    %dma_wait3A_62 = tpu.memref_slice %arg14[%dma_wait3A_61] : memref<10000xi32, #tpu.memory_space<vmem>> -> memref<40xi32, #tpu.memory_space<vmem>>
    %dma_wait3A_63 = arith.constant 0 : i32
    %dma_wait3A_64 = arith.constant 0 : i32
    %dma_wait3A_65 = tpu.memref_slice %arg15[%dma_wait3A_63, %dma_wait3A_64] : memref<10000x128xf32, #tpu.memory_space<vmem_shared>> -> memref<10000x128xf32, #tpu.memory_space<vmem_shared>>
    tpu.wait_indirect_dma semaphore(%arg25 : memref<!tpu.dma_semaphore, #tpu.memory_space<semaphore_mem>>) src(%arg10 : memref<40x128xf32, #tpu.memory_space<vmem>>) dst(%dma_wait3A_65 : memref<10000x128xf32, #tpu.memory_space<vmem_shared>>)
    %barrier3A_66 = arith.constant 0 : index
    tpu.barrier barrier_id(%barrier3A_66)
    %mul3A_67 = arith.constant 624 : i32
    %mul3A_68 = arith.muli %arg1, %mul3A_67 : i32
    "tpu.region"() ({
      %run_scoped3A = tpu.sem_alloc : memref<!tpu.dma_semaphore, #tpu.memory_space<semaphore_mem>>
      %dma_start3A_74 = arith.constant 0 : i32
      %dma_start3A_75 = tpu.memref_slice %arg6[%arg0, %mul3A_68, %dma_start3A_74] : memref<2x10000x128xf32, #tpu.memory_space<hbm>> -> memref<1x624x128xf32, #tpu.memory_space<hbm>>
      %dma_start3A_76 = tpu.memref_squeeze %dma_start3A_75 : memref<1x624x128xf32, #tpu.memory_space<hbm>> -> memref<624x128xf32, #tpu.memory_space<hbm>>
      %dma_start3A_77 = arith.constant 0 : i32
      %dma_start3A_78 = tpu.memref_slice %arg15[%mul3A_68, %dma_start3A_77] : memref<10000x128xf32, #tpu.memory_space<vmem_shared>> -> memref<624x128xf32, #tpu.memory_space<vmem_shared>>
      tpu.enqueue_dma source(%dma_start3A_78 : memref<624x128xf32, #tpu.memory_space<vmem_shared>>) target(%dma_start3A_76 : memref<624x128xf32, #tpu.memory_space<hbm>>) target_semaphore(%run_scoped3A : memref<!tpu.dma_semaphore, #tpu.memory_space<semaphore_mem>>)
      %dma_wait3A_79 = arith.constant 0 : i32
      %dma_wait3A_80 = tpu.memref_slice %arg6[%arg0, %mul3A_68, %dma_wait3A_79] : memref<2x10000x128xf32, #tpu.memory_space<hbm>> -> memref<1x624x128xf32, #tpu.memory_space<hbm>>
      %dma_wait3A_81 = tpu.memref_squeeze %dma_wait3A_80 : memref<1x624x128xf32, #tpu.memory_space<hbm>> -> memref<624x128xf32, #tpu.memory_space<hbm>>
      %dma_wait3A_82 = arith.constant 0 : i32
      %dma_wait3A_83 = tpu.memref_slice %arg15[%mul3A_68, %dma_wait3A_82] : memref<10000x128xf32, #tpu.memory_space<vmem_shared>> -> memref<624x128xf32, #tpu.memory_space<vmem_shared>>
      tpu.wait_dma2 semaphore(%run_scoped3A : memref<!tpu.dma_semaphore, #tpu.memory_space<semaphore_mem>>) src(%dma_wait3A_83 : memref<624x128xf32, #tpu.memory_space<vmem_shared>>) dst(%dma_wait3A_81 : memref<624x128xf32, #tpu.memory_space<hbm>>)
      tpu.yield
    }) : () -> ()
    %eq3A_69 = arith.constant 15 : i32
    %eq3A_70 = arith.cmpi eq, %arg1, %eq3A_69 : i32
    %convert_element_type3A_71 = arith.extui %eq3A_70 : i1 to i32
    %cond3A_72 = arith.constant 0 : i32
    %cond3A_73 = arith.cmpi ne, %convert_element_type3A_71, %cond3A_72 : i32
    scf.if %cond3A_73 {
      "tpu.region"() ({
        %run_scoped3A = tpu.sem_alloc : memref<!tpu.dma_semaphore, #tpu.memory_space<semaphore_mem>>
        %dma_start3A_74 = arith.constant 9984 : i32
        %dma_start3A_75 = arith.constant 0 : i32
        %dma_start3A_76 = tpu.memref_slice %arg6[%arg0, %dma_start3A_74, %dma_start3A_75] : memref<2x10000x128xf32, #tpu.memory_space<hbm>> -> memref<1x16x128xf32, #tpu.memory_space<hbm>>
        %dma_start3A_77 = tpu.memref_squeeze %dma_start3A_76 : memref<1x16x128xf32, #tpu.memory_space<hbm>> -> memref<16x128xf32, #tpu.memory_space<hbm>>
        %dma_start3A_78 = arith.constant 9984 : i32
        %dma_start3A_79 = arith.constant 0 : i32
        %dma_start3A_80 = tpu.memref_slice %arg15[%dma_start3A_78, %dma_start3A_79] : memref<10000x128xf32, #tpu.memory_space<vmem_shared>> -> memref<16x128xf32, #tpu.memory_space<vmem_shared>>
        tpu.enqueue_dma source(%dma_start3A_80 : memref<16x128xf32, #tpu.memory_space<vmem_shared>>) target(%dma_start3A_77 : memref<16x128xf32, #tpu.memory_space<hbm>>) target_semaphore(%run_scoped3A : memref<!tpu.dma_semaphore, #tpu.memory_space<semaphore_mem>>)
        %dma_wait3A_81 = arith.constant 9984 : i32
        %dma_wait3A_82 = arith.constant 0 : i32
        %dma_wait3A_83 = tpu.memref_slice %arg6[%arg0, %dma_wait3A_81, %dma_wait3A_82] : memref<2x10000x128xf32, #tpu.memory_space<hbm>> -> memref<1x16x128xf32, #tpu.memory_space<hbm>>
        %dma_wait3A_84 = tpu.memref_squeeze %dma_wait3A_83 : memref<1x16x128xf32, #tpu.memory_space<hbm>> -> memref<16x128xf32, #tpu.memory_space<hbm>>
        %dma_wait3A_85 = arith.constant 9984 : i32
        %dma_wait3A_86 = arith.constant 0 : i32
        %dma_wait3A_87 = tpu.memref_slice %arg15[%dma_wait3A_85, %dma_wait3A_86] : memref<10000x128xf32, #tpu.memory_space<vmem_shared>> -> memref<16x128xf32, #tpu.memory_space<vmem_shared>>
        tpu.wait_dma2 semaphore(%run_scoped3A : memref<!tpu.dma_semaphore, #tpu.memory_space<semaphore_mem>>) src(%dma_wait3A_87 : memref<16x128xf32, #tpu.memory_space<vmem_shared>>) dst(%dma_wait3A_84 : memref<16x128xf32, #tpu.memory_space<hbm>>)
        tpu.yield
      }) : () -> ()
    } else {
    }
    return
  }
}

#map = affine_map<(d0, d1) -> (0, 0)>
#map1 = affine_map<(d0, d1) -> (0)>
#map2 = affine_map<(d0, d1) -> (0, 0, 0)>
module attributes {stable_mosaic.version = 14 : i64} {
  func.func @agg(%arg0: i32, %arg1: i32, %arg2: memref<10000x16xf32, #tpu.memory_space<hbm>>, %arg3: memref<320000xi32, #tpu.memory_space<hbm>>, %arg4: memref<320000xi32, #tpu.memory_space<hbm>>, %arg5: memref<400x16xf32, #tpu.memory_space<hbm>>, %arg6: memref<2x10000x16xf32, #tpu.memory_space<hbm>>, %arg7: memref<400x16xf32, #tpu.memory_space<vmem>>, %arg8: memref<400x16xf32, #tpu.memory_space<vmem>>, %arg9: memref<400x16xf32, #tpu.memory_space<vmem>>, %arg10: memref<400x16xf32, #tpu.memory_space<vmem>>, %arg11: memref<400x16xf32, #tpu.memory_space<vmem>>, %arg12: memref<400x16xf32, #tpu.memory_space<vmem>>, %arg13: memref<10000xi32, #tpu.memory_space<vmem>>, %arg14: memref<10000xi32, #tpu.memory_space<vmem>>, %arg15: memref<10000x16xf32, #tpu.memory_space<vmem_shared>>, %arg16: memref<!tpu.dma_semaphore, #tpu.memory_space<semaphore_mem>>, %arg17: memref<!tpu.dma_semaphore, #tpu.memory_space<semaphore_mem>>, %arg18: memref<!tpu.dma_semaphore, #tpu.memory_space<semaphore_mem>>, %arg19: memref<!tpu.dma_semaphore, #tpu.memory_space<semaphore_mem>>, %arg20: memref<!tpu.dma_semaphore, #tpu.memory_space<semaphore_mem>>, %arg21: memref<!tpu.dma_semaphore, #tpu.memory_space<semaphore_mem>>, %arg22: memref<!tpu.dma_semaphore, #tpu.memory_space<semaphore_mem>>, %arg23: memref<!tpu.dma_semaphore, #tpu.memory_space<semaphore_mem>>, %arg24: memref<!tpu.dma_semaphore, #tpu.memory_space<semaphore_mem>>, %arg25: memref<!tpu.dma_semaphore, #tpu.memory_space<semaphore_mem>>, %arg26: memref<!tpu.dma_semaphore, #tpu.memory_space<semaphore_mem>>, %arg27: memref<!tpu.dma_semaphore, #tpu.memory_space<semaphore_mem>>) attributes {dimension_semantics = [#tpu.dimension_semantics<core_parallel>, #tpu.dimension_semantics<subcore_parallel>], iteration_bounds = array<i64: 2, 16>, scalar_prefetch = 0 : i64, scratch_operands = 21 : i64, tpu.core_type = #tpu.core_type<sc_vector_subcore>, window_params = [{transform_indices = #map}, {transform_indices = #map1}, {transform_indices = #map1}, {transform_indices = #map}, {transform_indices = #map2}]} {
    %mul3A = arith.constant 2 : i32
    %mul3A_0 = arith.muli %arg1, %mul3A : i32
    %add3A = arith.addi %mul3A_0, %arg0 : i32
    %mul3A_1 = arith.constant 10000 : i32
    %mul3A_2 = arith.muli %add3A, %mul3A_1 : i32
    "tpu.region"() ({
      %run_scoped3A = tpu.sem_alloc : memref<!tpu.dma_semaphore, #tpu.memory_space<semaphore_mem>>
      %dma_start3A_73 = tpu.memref_slice %arg3[%mul3A_2] : memref<320000xi32, #tpu.memory_space<hbm>> -> memref<10000xi32, #tpu.memory_space<hbm>>
      %dma_start3A_74 = tpu.memref_slice %arg3[%mul3A_2] : memref<320000xi32, #tpu.memory_space<hbm>> -> memref<10000xi32, #tpu.memory_space<hbm>>
      tpu.enqueue_dma source(%dma_start3A_74 : memref<10000xi32, #tpu.memory_space<hbm>>) target(%arg13 : memref<10000xi32, #tpu.memory_space<vmem>>) target_semaphore(%run_scoped3A : memref<!tpu.dma_semaphore, #tpu.memory_space<semaphore_mem>>)
      %dma_wait3A_75 = tpu.memref_slice %arg3[%mul3A_2] : memref<320000xi32, #tpu.memory_space<hbm>> -> memref<10000xi32, #tpu.memory_space<hbm>>
      %dma_wait3A_76 = tpu.memref_slice %arg3[%mul3A_2] : memref<320000xi32, #tpu.memory_space<hbm>> -> memref<10000xi32, #tpu.memory_space<hbm>>
      tpu.wait_dma2 semaphore(%run_scoped3A : memref<!tpu.dma_semaphore, #tpu.memory_space<semaphore_mem>>) src(%dma_wait3A_76 : memref<10000xi32, #tpu.memory_space<hbm>>) dst(%arg13 : memref<10000xi32, #tpu.memory_space<vmem>>)
      tpu.yield
    }) : () -> ()
    "tpu.region"() ({
      %run_scoped3A = tpu.sem_alloc : memref<!tpu.dma_semaphore, #tpu.memory_space<semaphore_mem>>
      %dma_start3A_73 = tpu.memref_slice %arg4[%mul3A_2] : memref<320000xi32, #tpu.memory_space<hbm>> -> memref<10000xi32, #tpu.memory_space<hbm>>
      %dma_start3A_74 = tpu.memref_slice %arg4[%mul3A_2] : memref<320000xi32, #tpu.memory_space<hbm>> -> memref<10000xi32, #tpu.memory_space<hbm>>
      tpu.enqueue_dma source(%dma_start3A_74 : memref<10000xi32, #tpu.memory_space<hbm>>) target(%arg14 : memref<10000xi32, #tpu.memory_space<vmem>>) target_semaphore(%run_scoped3A : memref<!tpu.dma_semaphore, #tpu.memory_space<semaphore_mem>>)
      %dma_wait3A_75 = tpu.memref_slice %arg4[%mul3A_2] : memref<320000xi32, #tpu.memory_space<hbm>> -> memref<10000xi32, #tpu.memory_space<hbm>>
      %dma_wait3A_76 = tpu.memref_slice %arg4[%mul3A_2] : memref<320000xi32, #tpu.memory_space<hbm>> -> memref<10000xi32, #tpu.memory_space<hbm>>
      tpu.wait_dma2 semaphore(%run_scoped3A : memref<!tpu.dma_semaphore, #tpu.memory_space<semaphore_mem>>) src(%dma_wait3A_76 : memref<10000xi32, #tpu.memory_space<hbm>>) dst(%arg14 : memref<10000xi32, #tpu.memory_space<vmem>>)
      tpu.yield
    }) : () -> ()
    %mul3A_3 = arith.constant 624 : i32
    %mul3A_4 = arith.muli %arg1, %mul3A_3 : i32
    "tpu.region"() ({
      %run_scoped3A = tpu.sem_alloc : memref<!tpu.dma_semaphore, #tpu.memory_space<semaphore_mem>>
      tpu.enqueue_dma source(%arg5 : memref<400x16xf32, #tpu.memory_space<hbm>>) target(%arg7 : memref<400x16xf32, #tpu.memory_space<vmem>>) target_semaphore(%run_scoped3A : memref<!tpu.dma_semaphore, #tpu.memory_space<semaphore_mem>>)
      tpu.wait_dma2 semaphore(%run_scoped3A : memref<!tpu.dma_semaphore, #tpu.memory_space<semaphore_mem>>) src(%arg5 : memref<400x16xf32, #tpu.memory_space<hbm>>) dst(%arg7 : memref<400x16xf32, #tpu.memory_space<vmem>>)
      tpu.yield
    }) : () -> ()
    %scan3A = arith.constant 0 : i32
    %mul3A_5 = arith.constant 1 : i32
    %mul3A_6 = arith.muli %scan3A, %mul3A_5 : i32
    %add3A_7 = arith.constant 0 : i32
    %add3A_8 = arith.addi %add3A_7, %mul3A_6 : i32
    %mul3A_9 = arith.constant 400 : i32
    %mul3A_10 = arith.muli %add3A_8, %mul3A_9 : i32
    %add3A_11 = arith.addi %mul3A_4, %mul3A_10 : i32
    "tpu.region"() ({
      %run_scoped3A = tpu.sem_alloc : memref<!tpu.dma_semaphore, #tpu.memory_space<semaphore_mem>>
      %dma_start3A_73 = arith.constant 0 : i32
      %dma_start3A_74 = tpu.memref_slice %arg15[%add3A_11, %dma_start3A_73] : memref<10000x16xf32, #tpu.memory_space<vmem_shared>> -> memref<400x16xf32, #tpu.memory_space<vmem_shared>>
      %dma_start3A_75 = arith.constant 0 : i32
      %dma_start3A_76 = tpu.memref_slice %arg15[%add3A_11, %dma_start3A_75] : memref<10000x16xf32, #tpu.memory_space<vmem_shared>> -> memref<400x16xf32, #tpu.memory_space<vmem_shared>>
      tpu.enqueue_dma source(%arg7 : memref<400x16xf32, #tpu.memory_space<vmem>>) target(%dma_start3A_76 : memref<400x16xf32, #tpu.memory_space<vmem_shared>>) target_semaphore(%run_scoped3A : memref<!tpu.dma_semaphore, #tpu.memory_space<semaphore_mem>>)
      %dma_wait3A_77 = arith.constant 0 : i32
      %dma_wait3A_78 = tpu.memref_slice %arg15[%add3A_11, %dma_wait3A_77] : memref<10000x16xf32, #tpu.memory_space<vmem_shared>> -> memref<400x16xf32, #tpu.memory_space<vmem_shared>>
      %dma_wait3A_79 = arith.constant 0 : i32
      %dma_wait3A_80 = tpu.memref_slice %arg15[%add3A_11, %dma_wait3A_79] : memref<10000x16xf32, #tpu.memory_space<vmem_shared>> -> memref<400x16xf32, #tpu.memory_space<vmem_shared>>
      tpu.wait_dma2 semaphore(%run_scoped3A : memref<!tpu.dma_semaphore, #tpu.memory_space<semaphore_mem>>) src(%arg7 : memref<400x16xf32, #tpu.memory_space<vmem>>) dst(%dma_wait3A_80 : memref<400x16xf32, #tpu.memory_space<vmem_shared>>)
      tpu.yield
    }) : () -> ()
    %scan3A_12 = arith.constant 1 : i32
    %add3A_13 = arith.constant 400 : i32
    %add3A_14 = arith.addi %mul3A_4, %add3A_13 : i32
    "tpu.region"() ({
      %run_scoped3A = tpu.sem_alloc : memref<!tpu.dma_semaphore, #tpu.memory_space<semaphore_mem>>
      %dma_start3A_73 = arith.constant 0 : i32
      %dma_start3A_74 = arith.constant 0 : i32
      %dma_start3A_75 = tpu.memref_slice %arg7[%dma_start3A_73, %dma_start3A_74] : memref<400x16xf32, #tpu.memory_space<vmem>> -> memref<224x16xf32, #tpu.memory_space<vmem>>
      %dma_start3A_76 = arith.constant 0 : i32
      %dma_start3A_77 = tpu.memref_slice %arg15[%add3A_14, %dma_start3A_76] : memref<10000x16xf32, #tpu.memory_space<vmem_shared>> -> memref<224x16xf32, #tpu.memory_space<vmem_shared>>
      %dma_start3A_78 = arith.constant 0 : i32
      %dma_start3A_79 = tpu.memref_slice %arg15[%add3A_14, %dma_start3A_78] : memref<10000x16xf32, #tpu.memory_space<vmem_shared>> -> memref<224x16xf32, #tpu.memory_space<vmem_shared>>
      %dma_start3A_80 = arith.constant 0 : i32
      %dma_start3A_81 = arith.constant 0 : i32
      %dma_start3A_82 = tpu.memref_slice %arg7[%dma_start3A_80, %dma_start3A_81] : memref<400x16xf32, #tpu.memory_space<vmem>> -> memref<224x16xf32, #tpu.memory_space<vmem>>
      tpu.enqueue_dma source(%dma_start3A_82 : memref<224x16xf32, #tpu.memory_space<vmem>>) target(%dma_start3A_79 : memref<224x16xf32, #tpu.memory_space<vmem_shared>>) target_semaphore(%run_scoped3A : memref<!tpu.dma_semaphore, #tpu.memory_space<semaphore_mem>>)
      %dma_wait3A_83 = arith.constant 0 : i32
      %dma_wait3A_84 = arith.constant 0 : i32
      %dma_wait3A_85 = tpu.memref_slice %arg7[%dma_wait3A_83, %dma_wait3A_84] : memref<400x16xf32, #tpu.memory_space<vmem>> -> memref<224x16xf32, #tpu.memory_space<vmem>>
      %dma_wait3A_86 = arith.constant 0 : i32
      %dma_wait3A_87 = tpu.memref_slice %arg15[%add3A_14, %dma_wait3A_86] : memref<10000x16xf32, #tpu.memory_space<vmem_shared>> -> memref<224x16xf32, #tpu.memory_space<vmem_shared>>
      %dma_wait3A_88 = arith.constant 0 : i32
      %dma_wait3A_89 = tpu.memref_slice %arg15[%add3A_14, %dma_wait3A_88] : memref<10000x16xf32, #tpu.memory_space<vmem_shared>> -> memref<224x16xf32, #tpu.memory_space<vmem_shared>>
      %dma_wait3A_90 = arith.constant 0 : i32
      %dma_wait3A_91 = arith.constant 0 : i32
      %dma_wait3A_92 = tpu.memref_slice %arg7[%dma_wait3A_90, %dma_wait3A_91] : memref<400x16xf32, #tpu.memory_space<vmem>> -> memref<224x16xf32, #tpu.memory_space<vmem>>
      tpu.wait_dma2 semaphore(%run_scoped3A : memref<!tpu.dma_semaphore, #tpu.memory_space<semaphore_mem>>) src(%dma_wait3A_92 : memref<224x16xf32, #tpu.memory_space<vmem>>) dst(%dma_wait3A_89 : memref<224x16xf32, #tpu.memory_space<vmem_shared>>)
      tpu.yield
    }) : () -> ()
    %eq3A = arith.constant 15 : i32
    %eq3A_15 = arith.cmpi eq, %arg1, %eq3A : i32
    %convert_element_type3A = arith.extui %eq3A_15 : i1 to i32
    %cond3A = arith.constant 0 : i32
    %cond3A_16 = arith.cmpi ne, %convert_element_type3A, %cond3A : i32
    scf.if %cond3A_16 {
      "tpu.region"() ({
        %run_scoped3A = tpu.sem_alloc : memref<!tpu.dma_semaphore, #tpu.memory_space<semaphore_mem>>
        %dma_start3A_73 = arith.constant 0 : i32
        %dma_start3A_74 = arith.constant 0 : i32
        %dma_start3A_75 = tpu.memref_slice %arg7[%dma_start3A_73, %dma_start3A_74] : memref<400x16xf32, #tpu.memory_space<vmem>> -> memref<16x16xf32, #tpu.memory_space<vmem>>
        %dma_start3A_76 = arith.constant 9984 : i32
        %dma_start3A_77 = arith.constant 0 : i32
        %dma_start3A_78 = tpu.memref_slice %arg15[%dma_start3A_76, %dma_start3A_77] : memref<10000x16xf32, #tpu.memory_space<vmem_shared>> -> memref<16x16xf32, #tpu.memory_space<vmem_shared>>
        %dma_start3A_79 = arith.constant 9984 : i32
        %dma_start3A_80 = arith.constant 0 : i32
        %dma_start3A_81 = tpu.memref_slice %arg15[%dma_start3A_79, %dma_start3A_80] : memref<10000x16xf32, #tpu.memory_space<vmem_shared>> -> memref<16x16xf32, #tpu.memory_space<vmem_shared>>
        %dma_start3A_82 = arith.constant 0 : i32
        %dma_start3A_83 = arith.constant 0 : i32
        %dma_start3A_84 = tpu.memref_slice %arg7[%dma_start3A_82, %dma_start3A_83] : memref<400x16xf32, #tpu.memory_space<vmem>> -> memref<16x16xf32, #tpu.memory_space<vmem>>
        tpu.enqueue_dma source(%dma_start3A_84 : memref<16x16xf32, #tpu.memory_space<vmem>>) target(%dma_start3A_81 : memref<16x16xf32, #tpu.memory_space<vmem_shared>>) target_semaphore(%run_scoped3A : memref<!tpu.dma_semaphore, #tpu.memory_space<semaphore_mem>>)
        %dma_wait3A_85 = arith.constant 0 : i32
        %dma_wait3A_86 = arith.constant 0 : i32
        %dma_wait3A_87 = tpu.memref_slice %arg7[%dma_wait3A_85, %dma_wait3A_86] : memref<400x16xf32, #tpu.memory_space<vmem>> -> memref<16x16xf32, #tpu.memory_space<vmem>>
        %dma_wait3A_88 = arith.constant 9984 : i32
        %dma_wait3A_89 = arith.constant 0 : i32
        %dma_wait3A_90 = tpu.memref_slice %arg15[%dma_wait3A_88, %dma_wait3A_89] : memref<10000x16xf32, #tpu.memory_space<vmem_shared>> -> memref<16x16xf32, #tpu.memory_space<vmem_shared>>
        %dma_wait3A_91 = arith.constant 9984 : i32
        %dma_wait3A_92 = arith.constant 0 : i32
        %dma_wait3A_93 = tpu.memref_slice %arg15[%dma_wait3A_91, %dma_wait3A_92] : memref<10000x16xf32, #tpu.memory_space<vmem_shared>> -> memref<16x16xf32, #tpu.memory_space<vmem_shared>>
        %dma_wait3A_94 = arith.constant 0 : i32
        %dma_wait3A_95 = arith.constant 0 : i32
        %dma_wait3A_96 = tpu.memref_slice %arg7[%dma_wait3A_94, %dma_wait3A_95] : memref<400x16xf32, #tpu.memory_space<vmem>> -> memref<16x16xf32, #tpu.memory_space<vmem>>
        tpu.wait_dma2 semaphore(%run_scoped3A : memref<!tpu.dma_semaphore, #tpu.memory_space<semaphore_mem>>) src(%dma_wait3A_96 : memref<16x16xf32, #tpu.memory_space<vmem>>) dst(%dma_wait3A_93 : memref<16x16xf32, #tpu.memory_space<vmem_shared>>)
        tpu.yield
      }) : () -> ()
    } else {
    }
    %barrier3A = arith.constant 0 : index
    tpu.barrier barrier_id(%barrier3A)
    %dma_start3A = arith.constant 0 : i32
    %dma_start3A_17 = tpu.memref_slice %arg13[%dma_start3A] : memref<10000xi32, #tpu.memory_space<vmem>> -> memref<400xi32, #tpu.memory_space<vmem>>
    %dma_start3A_18 = arith.constant 0 : i32
    %dma_start3A_19 = arith.constant 0 : i32
    %dma_start3A_20 = tpu.memref_slice %arg2[%dma_start3A_18, %dma_start3A_19] : memref<10000x16xf32, #tpu.memory_space<hbm>> -> memref<10000x16xf32, #tpu.memory_space<hbm>>
    tpu.enqueue_indirect_dma source(%dma_start3A_20 : memref<10000x16xf32, #tpu.memory_space<hbm>>) target(%arg7 : memref<400x16xf32, #tpu.memory_space<vmem>>) offsets(%dma_start3A_17 : memref<400xi32, #tpu.memory_space<vmem>>) semaphore(%arg16 : memref<!tpu.dma_semaphore, #tpu.memory_space<semaphore_mem>>)
    %dma_start3A_21 = arith.constant 400 : i32
    %dma_start3A_22 = tpu.memref_slice %arg13[%dma_start3A_21] : memref<10000xi32, #tpu.memory_space<vmem>> -> memref<400xi32, #tpu.memory_space<vmem>>
    %dma_start3A_23 = arith.constant 0 : i32
    %dma_start3A_24 = arith.constant 0 : i32
    %dma_start3A_25 = tpu.memref_slice %arg2[%dma_start3A_23, %dma_start3A_24] : memref<10000x16xf32, #tpu.memory_space<hbm>> -> memref<10000x16xf32, #tpu.memory_space<hbm>>
    tpu.enqueue_indirect_dma source(%dma_start3A_25 : memref<10000x16xf32, #tpu.memory_space<hbm>>) target(%arg8 : memref<400x16xf32, #tpu.memory_space<vmem>>) offsets(%dma_start3A_22 : memref<400xi32, #tpu.memory_space<vmem>>) semaphore(%arg17 : memref<!tpu.dma_semaphore, #tpu.memory_space<semaphore_mem>>)
    %dma_start3A_26 = arith.constant 800 : i32
    %dma_start3A_27 = tpu.memref_slice %arg13[%dma_start3A_26] : memref<10000xi32, #tpu.memory_space<vmem>> -> memref<400xi32, #tpu.memory_space<vmem>>
    %dma_start3A_28 = arith.constant 0 : i32
    %dma_start3A_29 = arith.constant 0 : i32
    %dma_start3A_30 = tpu.memref_slice %arg2[%dma_start3A_28, %dma_start3A_29] : memref<10000x16xf32, #tpu.memory_space<hbm>> -> memref<10000x16xf32, #tpu.memory_space<hbm>>
    tpu.enqueue_indirect_dma source(%dma_start3A_30 : memref<10000x16xf32, #tpu.memory_space<hbm>>) target(%arg9 : memref<400x16xf32, #tpu.memory_space<vmem>>) offsets(%dma_start3A_27 : memref<400xi32, #tpu.memory_space<vmem>>) semaphore(%arg18 : memref<!tpu.dma_semaphore, #tpu.memory_space<semaphore_mem>>)
    %scan3A_31 = arith.constant 0 : i32
    %scan3A_32 = arith.constant 5 : i32
    %scan3A_33 = arith.addi %scan3A_31, %scan3A_32 : i32
    %scan3A_34 = arith.constant 1 : i32
    scf.for %scan3A_73 = %scan3A_31 to %scan3A_33 step %scan3A_34  : i32 {
      %mul3A_74 = arith.constant 6 : i32
      %mul3A_75 = arith.muli %scan3A_73, %mul3A_74 : i32
      %add3A_76 = arith.constant 0 : i32
      %add3A_77 = arith.addi %add3A_76, %mul3A_75 : i32
      %add3A_78 = arith.constant 0 : i32
      %add3A_79 = arith.addi %add3A_77, %add3A_78 : i32
      %lt3A = arith.constant 25 : i32
      %lt3A_80 = arith.cmpi slt, %add3A_79, %lt3A : i32
      %convert_element_type3A_81 = arith.extui %lt3A_80 : i1 to i32
      %cond3A_82 = arith.constant 0 : i32
      %cond3A_83 = arith.cmpi ne, %convert_element_type3A_81, %cond3A_82 : i32
      scf.if %cond3A_83 {
        %add3A_119 = arith.constant 3 : i32
        %add3A_120 = arith.addi %add3A_79, %add3A_119 : i32
        %lt3A_121 = arith.constant 25 : i32
        %lt3A_122 = arith.cmpi slt, %add3A_120, %lt3A_121 : i32
        %convert_element_type3A_123 = arith.extui %lt3A_122 : i1 to i32
        %cond3A_124 = arith.constant 0 : i32
        %cond3A_125 = arith.cmpi ne, %convert_element_type3A_123, %cond3A_124 : i32
        scf.if %cond3A_125 {
          %add3A_138 = arith.constant 3 : i32
          %add3A_139 = arith.addi %add3A_79, %add3A_138 : i32
          %ge3A = arith.constant 6 : i32
          %ge3A_140 = arith.cmpi sge, %add3A_139, %ge3A : i32
          %convert_element_type3A_141 = arith.extui %ge3A_140 : i1 to i32
          %cond3A_142 = arith.constant 0 : i32
          %cond3A_143 = arith.cmpi ne, %convert_element_type3A_141, %cond3A_142 : i32
          scf.if %cond3A_143 {
            %add3A_152 = arith.constant 3 : i32
            %add3A_153 = arith.addi %add3A_79, %add3A_152 : i32
            %sub3A = arith.constant 6 : i32
            %sub3A_154 = arith.subi %add3A_153, %sub3A : i32
            %mul3A_155 = arith.constant 400 : i32
            %mul3A_156 = arith.muli %sub3A_154, %mul3A_155 : i32
            %dma_wait3A_157 = tpu.memref_slice %arg14[%mul3A_156] : memref<10000xi32, #tpu.memory_space<vmem>> -> memref<400xi32, #tpu.memory_space<vmem>>
            %dma_wait3A_158 = arith.constant 0 : i32
            %dma_wait3A_159 = arith.constant 0 : i32
            %dma_wait3A_160 = tpu.memref_slice %arg15[%dma_wait3A_158, %dma_wait3A_159] : memref<10000x16xf32, #tpu.memory_space<vmem_shared>> -> memref<10000x16xf32, #tpu.memory_space<vmem_shared>>
            tpu.wait_indirect_dma semaphore(%arg25 : memref<!tpu.dma_semaphore, #tpu.memory_space<semaphore_mem>>) src(%arg10 : memref<400x16xf32, #tpu.memory_space<vmem>>) dst(%dma_wait3A_160 : memref<10000x16xf32, #tpu.memory_space<vmem_shared>>)
          } else {
          }
          %add3A_144 = arith.constant 3 : i32
          %add3A_145 = arith.addi %add3A_79, %add3A_144 : i32
          %mul3A_146 = arith.constant 400 : i32
          %mul3A_147 = arith.muli %add3A_145, %mul3A_146 : i32
          %dma_start3A_148 = tpu.memref_slice %arg13[%mul3A_147] : memref<10000xi32, #tpu.memory_space<vmem>> -> memref<400xi32, #tpu.memory_space<vmem>>
          %dma_start3A_149 = arith.constant 0 : i32
          %dma_start3A_150 = arith.constant 0 : i32
          %dma_start3A_151 = tpu.memref_slice %arg2[%dma_start3A_149, %dma_start3A_150] : memref<10000x16xf32, #tpu.memory_space<hbm>> -> memref<10000x16xf32, #tpu.memory_space<hbm>>
          tpu.enqueue_indirect_dma source(%dma_start3A_151 : memref<10000x16xf32, #tpu.memory_space<hbm>>) target(%arg10 : memref<400x16xf32, #tpu.memory_space<vmem>>) offsets(%dma_start3A_148 : memref<400xi32, #tpu.memory_space<vmem>>) semaphore(%arg19 : memref<!tpu.dma_semaphore, #tpu.memory_space<semaphore_mem>>)
        } else {
        }
        %mul3A_126 = arith.constant 400 : i32
        %mul3A_127 = arith.muli %add3A_79, %mul3A_126 : i32
        %dma_wait3A_128 = tpu.memref_slice %arg13[%mul3A_127] : memref<10000xi32, #tpu.memory_space<vmem>> -> memref<400xi32, #tpu.memory_space<vmem>>
        %dma_wait3A_129 = arith.constant 0 : i32
        %dma_wait3A_130 = arith.constant 0 : i32
        %dma_wait3A_131 = tpu.memref_slice %arg2[%dma_wait3A_129, %dma_wait3A_130] : memref<10000x16xf32, #tpu.memory_space<hbm>> -> memref<10000x16xf32, #tpu.memory_space<hbm>>
        tpu.wait_indirect_dma semaphore(%arg16 : memref<!tpu.dma_semaphore, #tpu.memory_space<semaphore_mem>>) src(%dma_wait3A_131 : memref<10000x16xf32, #tpu.memory_space<hbm>>) dst(%arg7 : memref<400x16xf32, #tpu.memory_space<vmem>>)
        %mul3A_132 = arith.constant 400 : i32
        %mul3A_133 = arith.muli %add3A_79, %mul3A_132 : i32
        %dma_start3A_134 = tpu.memref_slice %arg14[%mul3A_133] : memref<10000xi32, #tpu.memory_space<vmem>> -> memref<400xi32, #tpu.memory_space<vmem>>
        %dma_start3A_135 = arith.constant 0 : i32
        %dma_start3A_136 = arith.constant 0 : i32
        %dma_start3A_137 = tpu.memref_slice %arg15[%dma_start3A_135, %dma_start3A_136] : memref<10000x16xf32, #tpu.memory_space<vmem_shared>> -> memref<10000x16xf32, #tpu.memory_space<vmem_shared>>
        tpu.enqueue_indirect_dma source(%arg7 : memref<400x16xf32, #tpu.memory_space<vmem>>) target(%dma_start3A_137 : memref<10000x16xf32, #tpu.memory_space<vmem_shared>>) offsets(%dma_start3A_134 : memref<400xi32, #tpu.memory_space<vmem>>) semaphore(%arg22 : memref<!tpu.dma_semaphore, #tpu.memory_space<semaphore_mem>>) {add = true}
      } else {
      }
      %add3A_84 = arith.constant 1 : i32
      %add3A_85 = arith.addi %add3A_77, %add3A_84 : i32
      %lt3A_86 = arith.constant 25 : i32
      %lt3A_87 = arith.cmpi slt, %add3A_85, %lt3A_86 : i32
      %convert_element_type3A_88 = arith.extui %lt3A_87 : i1 to i32
      %cond3A_89 = arith.constant 0 : i32
      %cond3A_90 = arith.cmpi ne, %convert_element_type3A_88, %cond3A_89 : i32
      scf.if %cond3A_90 {
        %add3A_119 = arith.constant 3 : i32
        %add3A_120 = arith.addi %add3A_85, %add3A_119 : i32
        %lt3A_121 = arith.constant 25 : i32
        %lt3A_122 = arith.cmpi slt, %add3A_120, %lt3A_121 : i32
        %convert_element_type3A_123 = arith.extui %lt3A_122 : i1 to i32
        %cond3A_124 = arith.constant 0 : i32
        %cond3A_125 = arith.cmpi ne, %convert_element_type3A_123, %cond3A_124 : i32
        scf.if %cond3A_125 {
          %add3A_138 = arith.constant 3 : i32
          %add3A_139 = arith.addi %add3A_85, %add3A_138 : i32
          %ge3A = arith.constant 6 : i32
          %ge3A_140 = arith.cmpi sge, %add3A_139, %ge3A : i32
          %convert_element_type3A_141 = arith.extui %ge3A_140 : i1 to i32
          %cond3A_142 = arith.constant 0 : i32
          %cond3A_143 = arith.cmpi ne, %convert_element_type3A_141, %cond3A_142 : i32
          scf.if %cond3A_143 {
            %add3A_152 = arith.constant 3 : i32
            %add3A_153 = arith.addi %add3A_85, %add3A_152 : i32
            %sub3A = arith.constant 6 : i32
            %sub3A_154 = arith.subi %add3A_153, %sub3A : i32
            %mul3A_155 = arith.constant 400 : i32
            %mul3A_156 = arith.muli %sub3A_154, %mul3A_155 : i32
            %dma_wait3A_157 = tpu.memref_slice %arg14[%mul3A_156] : memref<10000xi32, #tpu.memory_space<vmem>> -> memref<400xi32, #tpu.memory_space<vmem>>
            %dma_wait3A_158 = arith.constant 0 : i32
            %dma_wait3A_159 = arith.constant 0 : i32
            %dma_wait3A_160 = tpu.memref_slice %arg15[%dma_wait3A_158, %dma_wait3A_159] : memref<10000x16xf32, #tpu.memory_space<vmem_shared>> -> memref<10000x16xf32, #tpu.memory_space<vmem_shared>>
            tpu.wait_indirect_dma semaphore(%arg26 : memref<!tpu.dma_semaphore, #tpu.memory_space<semaphore_mem>>) src(%arg11 : memref<400x16xf32, #tpu.memory_space<vmem>>) dst(%dma_wait3A_160 : memref<10000x16xf32, #tpu.memory_space<vmem_shared>>)
          } else {
          }
          %add3A_144 = arith.constant 3 : i32
          %add3A_145 = arith.addi %add3A_85, %add3A_144 : i32
          %mul3A_146 = arith.constant 400 : i32
          %mul3A_147 = arith.muli %add3A_145, %mul3A_146 : i32
          %dma_start3A_148 = tpu.memref_slice %arg13[%mul3A_147] : memref<10000xi32, #tpu.memory_space<vmem>> -> memref<400xi32, #tpu.memory_space<vmem>>
          %dma_start3A_149 = arith.constant 0 : i32
          %dma_start3A_150 = arith.constant 0 : i32
          %dma_start3A_151 = tpu.memref_slice %arg2[%dma_start3A_149, %dma_start3A_150] : memref<10000x16xf32, #tpu.memory_space<hbm>> -> memref<10000x16xf32, #tpu.memory_space<hbm>>
          tpu.enqueue_indirect_dma source(%dma_start3A_151 : memref<10000x16xf32, #tpu.memory_space<hbm>>) target(%arg11 : memref<400x16xf32, #tpu.memory_space<vmem>>) offsets(%dma_start3A_148 : memref<400xi32, #tpu.memory_space<vmem>>) semaphore(%arg20 : memref<!tpu.dma_semaphore, #tpu.memory_space<semaphore_mem>>)
        } else {
        }
        %mul3A_126 = arith.constant 400 : i32
        %mul3A_127 = arith.muli %add3A_85, %mul3A_126 : i32
        %dma_wait3A_128 = tpu.memref_slice %arg13[%mul3A_127] : memref<10000xi32, #tpu.memory_space<vmem>> -> memref<400xi32, #tpu.memory_space<vmem>>
        %dma_wait3A_129 = arith.constant 0 : i32
        %dma_wait3A_130 = arith.constant 0 : i32
        %dma_wait3A_131 = tpu.memref_slice %arg2[%dma_wait3A_129, %dma_wait3A_130] : memref<10000x16xf32, #tpu.memory_space<hbm>> -> memref<10000x16xf32, #tpu.memory_space<hbm>>
        tpu.wait_indirect_dma semaphore(%arg17 : memref<!tpu.dma_semaphore, #tpu.memory_space<semaphore_mem>>) src(%dma_wait3A_131 : memref<10000x16xf32, #tpu.memory_space<hbm>>) dst(%arg8 : memref<400x16xf32, #tpu.memory_space<vmem>>)
        %mul3A_132 = arith.constant 400 : i32
        %mul3A_133 = arith.muli %add3A_85, %mul3A_132 : i32
        %dma_start3A_134 = tpu.memref_slice %arg14[%mul3A_133] : memref<10000xi32, #tpu.memory_space<vmem>> -> memref<400xi32, #tpu.memory_space<vmem>>
        %dma_start3A_135 = arith.constant 0 : i32
        %dma_start3A_136 = arith.constant 0 : i32
        %dma_start3A_137 = tpu.memref_slice %arg15[%dma_start3A_135, %dma_start3A_136] : memref<10000x16xf32, #tpu.memory_space<vmem_shared>> -> memref<10000x16xf32, #tpu.memory_space<vmem_shared>>
        tpu.enqueue_indirect_dma source(%arg8 : memref<400x16xf32, #tpu.memory_space<vmem>>) target(%dma_start3A_137 : memref<10000x16xf32, #tpu.memory_space<vmem_shared>>) offsets(%dma_start3A_134 : memref<400xi32, #tpu.memory_space<vmem>>) semaphore(%arg23 : memref<!tpu.dma_semaphore, #tpu.memory_space<semaphore_mem>>) {add = true}
      } else {
      }
      %add3A_91 = arith.constant 2 : i32
      %add3A_92 = arith.addi %add3A_77, %add3A_91 : i32
      %lt3A_93 = arith.constant 25 : i32
      %lt3A_94 = arith.cmpi slt, %add3A_92, %lt3A_93 : i32
      %convert_element_type3A_95 = arith.extui %lt3A_94 : i1 to i32
      %cond3A_96 = arith.constant 0 : i32
      %cond3A_97 = arith.cmpi ne, %convert_element_type3A_95, %cond3A_96 : i32
      scf.if %cond3A_97 {
        %add3A_119 = arith.constant 3 : i32
        %add3A_120 = arith.addi %add3A_92, %add3A_119 : i32
        %lt3A_121 = arith.constant 25 : i32
        %lt3A_122 = arith.cmpi slt, %add3A_120, %lt3A_121 : i32
        %convert_element_type3A_123 = arith.extui %lt3A_122 : i1 to i32
        %cond3A_124 = arith.constant 0 : i32
        %cond3A_125 = arith.cmpi ne, %convert_element_type3A_123, %cond3A_124 : i32
        scf.if %cond3A_125 {
          %add3A_138 = arith.constant 3 : i32
          %add3A_139 = arith.addi %add3A_92, %add3A_138 : i32
          %ge3A = arith.constant 6 : i32
          %ge3A_140 = arith.cmpi sge, %add3A_139, %ge3A : i32
          %convert_element_type3A_141 = arith.extui %ge3A_140 : i1 to i32
          %cond3A_142 = arith.constant 0 : i32
          %cond3A_143 = arith.cmpi ne, %convert_element_type3A_141, %cond3A_142 : i32
          scf.if %cond3A_143 {
            %add3A_152 = arith.constant 3 : i32
            %add3A_153 = arith.addi %add3A_92, %add3A_152 : i32
            %sub3A = arith.constant 6 : i32
            %sub3A_154 = arith.subi %add3A_153, %sub3A : i32
            %mul3A_155 = arith.constant 400 : i32
            %mul3A_156 = arith.muli %sub3A_154, %mul3A_155 : i32
            %dma_wait3A_157 = tpu.memref_slice %arg14[%mul3A_156] : memref<10000xi32, #tpu.memory_space<vmem>> -> memref<400xi32, #tpu.memory_space<vmem>>
            %dma_wait3A_158 = arith.constant 0 : i32
            %dma_wait3A_159 = arith.constant 0 : i32
            %dma_wait3A_160 = tpu.memref_slice %arg15[%dma_wait3A_158, %dma_wait3A_159] : memref<10000x16xf32, #tpu.memory_space<vmem_shared>> -> memref<10000x16xf32, #tpu.memory_space<vmem_shared>>
            tpu.wait_indirect_dma semaphore(%arg27 : memref<!tpu.dma_semaphore, #tpu.memory_space<semaphore_mem>>) src(%arg12 : memref<400x16xf32, #tpu.memory_space<vmem>>) dst(%dma_wait3A_160 : memref<10000x16xf32, #tpu.memory_space<vmem_shared>>)
          } else {
          }
          %add3A_144 = arith.constant 3 : i32
          %add3A_145 = arith.addi %add3A_92, %add3A_144 : i32
          %mul3A_146 = arith.constant 400 : i32
          %mul3A_147 = arith.muli %add3A_145, %mul3A_146 : i32
          %dma_start3A_148 = tpu.memref_slice %arg13[%mul3A_147] : memref<10000xi32, #tpu.memory_space<vmem>> -> memref<400xi32, #tpu.memory_space<vmem>>
          %dma_start3A_149 = arith.constant 0 : i32
          %dma_start3A_150 = arith.constant 0 : i32
          %dma_start3A_151 = tpu.memref_slice %arg2[%dma_start3A_149, %dma_start3A_150] : memref<10000x16xf32, #tpu.memory_space<hbm>> -> memref<10000x16xf32, #tpu.memory_space<hbm>>
          tpu.enqueue_indirect_dma source(%dma_start3A_151 : memref<10000x16xf32, #tpu.memory_space<hbm>>) target(%arg12 : memref<400x16xf32, #tpu.memory_space<vmem>>) offsets(%dma_start3A_148 : memref<400xi32, #tpu.memory_space<vmem>>) semaphore(%arg21 : memref<!tpu.dma_semaphore, #tpu.memory_space<semaphore_mem>>)
        } else {
        }
        %mul3A_126 = arith.constant 400 : i32
        %mul3A_127 = arith.muli %add3A_92, %mul3A_126 : i32
        %dma_wait3A_128 = tpu.memref_slice %arg13[%mul3A_127] : memref<10000xi32, #tpu.memory_space<vmem>> -> memref<400xi32, #tpu.memory_space<vmem>>
        %dma_wait3A_129 = arith.constant 0 : i32
        %dma_wait3A_130 = arith.constant 0 : i32
        %dma_wait3A_131 = tpu.memref_slice %arg2[%dma_wait3A_129, %dma_wait3A_130] : memref<10000x16xf32, #tpu.memory_space<hbm>> -> memref<10000x16xf32, #tpu.memory_space<hbm>>
        tpu.wait_indirect_dma semaphore(%arg18 : memref<!tpu.dma_semaphore, #tpu.memory_space<semaphore_mem>>) src(%dma_wait3A_131 : memref<10000x16xf32, #tpu.memory_space<hbm>>) dst(%arg9 : memref<400x16xf32, #tpu.memory_space<vmem>>)
        %mul3A_132 = arith.constant 400 : i32
        %mul3A_133 = arith.muli %add3A_92, %mul3A_132 : i32
        %dma_start3A_134 = tpu.memref_slice %arg14[%mul3A_133] : memref<10000xi32, #tpu.memory_space<vmem>> -> memref<400xi32, #tpu.memory_space<vmem>>
        %dma_start3A_135 = arith.constant 0 : i32
        %dma_start3A_136 = arith.constant 0 : i32
        %dma_start3A_137 = tpu.memref_slice %arg15[%dma_start3A_135, %dma_start3A_136] : memref<10000x16xf32, #tpu.memory_space<vmem_shared>> -> memref<10000x16xf32, #tpu.memory_space<vmem_shared>>
        tpu.enqueue_indirect_dma source(%arg9 : memref<400x16xf32, #tpu.memory_space<vmem>>) target(%dma_start3A_137 : memref<10000x16xf32, #tpu.memory_space<vmem_shared>>) offsets(%dma_start3A_134 : memref<400xi32, #tpu.memory_space<vmem>>) semaphore(%arg24 : memref<!tpu.dma_semaphore, #tpu.memory_space<semaphore_mem>>) {add = true}
      } else {
      }
      %add3A_98 = arith.constant 3 : i32
      %add3A_99 = arith.addi %add3A_77, %add3A_98 : i32
      %lt3A_100 = arith.constant 25 : i32
      %lt3A_101 = arith.cmpi slt, %add3A_99, %lt3A_100 : i32
      %convert_element_type3A_102 = arith.extui %lt3A_101 : i1 to i32
      %cond3A_103 = arith.constant 0 : i32
      %cond3A_104 = arith.cmpi ne, %convert_element_type3A_102, %cond3A_103 : i32
      scf.if %cond3A_104 {
        %add3A_119 = arith.constant 3 : i32
        %add3A_120 = arith.addi %add3A_99, %add3A_119 : i32
        %lt3A_121 = arith.constant 25 : i32
        %lt3A_122 = arith.cmpi slt, %add3A_120, %lt3A_121 : i32
        %convert_element_type3A_123 = arith.extui %lt3A_122 : i1 to i32
        %cond3A_124 = arith.constant 0 : i32
        %cond3A_125 = arith.cmpi ne, %convert_element_type3A_123, %cond3A_124 : i32
        scf.if %cond3A_125 {
          %add3A_138 = arith.constant 3 : i32
          %add3A_139 = arith.addi %add3A_99, %add3A_138 : i32
          %ge3A = arith.constant 6 : i32
          %ge3A_140 = arith.cmpi sge, %add3A_139, %ge3A : i32
          %convert_element_type3A_141 = arith.extui %ge3A_140 : i1 to i32
          %cond3A_142 = arith.constant 0 : i32
          %cond3A_143 = arith.cmpi ne, %convert_element_type3A_141, %cond3A_142 : i32
          scf.if %cond3A_143 {
            %add3A_152 = arith.constant 3 : i32
            %add3A_153 = arith.addi %add3A_99, %add3A_152 : i32
            %sub3A = arith.constant 6 : i32
            %sub3A_154 = arith.subi %add3A_153, %sub3A : i32
            %mul3A_155 = arith.constant 400 : i32
            %mul3A_156 = arith.muli %sub3A_154, %mul3A_155 : i32
            %dma_wait3A_157 = tpu.memref_slice %arg14[%mul3A_156] : memref<10000xi32, #tpu.memory_space<vmem>> -> memref<400xi32, #tpu.memory_space<vmem>>
            %dma_wait3A_158 = arith.constant 0 : i32
            %dma_wait3A_159 = arith.constant 0 : i32
            %dma_wait3A_160 = tpu.memref_slice %arg15[%dma_wait3A_158, %dma_wait3A_159] : memref<10000x16xf32, #tpu.memory_space<vmem_shared>> -> memref<10000x16xf32, #tpu.memory_space<vmem_shared>>
            tpu.wait_indirect_dma semaphore(%arg22 : memref<!tpu.dma_semaphore, #tpu.memory_space<semaphore_mem>>) src(%arg7 : memref<400x16xf32, #tpu.memory_space<vmem>>) dst(%dma_wait3A_160 : memref<10000x16xf32, #tpu.memory_space<vmem_shared>>)
          } else {
          }
          %add3A_144 = arith.constant 3 : i32
          %add3A_145 = arith.addi %add3A_99, %add3A_144 : i32
          %mul3A_146 = arith.constant 400 : i32
          %mul3A_147 = arith.muli %add3A_145, %mul3A_146 : i32
          %dma_start3A_148 = tpu.memref_slice %arg13[%mul3A_147] : memref<10000xi32, #tpu.memory_space<vmem>> -> memref<400xi32, #tpu.memory_space<vmem>>
          %dma_start3A_149 = arith.constant 0 : i32
          %dma_start3A_150 = arith.constant 0 : i32
          %dma_start3A_151 = tpu.memref_slice %arg2[%dma_start3A_149, %dma_start3A_150] : memref<10000x16xf32, #tpu.memory_space<hbm>> -> memref<10000x16xf32, #tpu.memory_space<hbm>>
          tpu.enqueue_indirect_dma source(%dma_start3A_151 : memref<10000x16xf32, #tpu.memory_space<hbm>>) target(%arg7 : memref<400x16xf32, #tpu.memory_space<vmem>>) offsets(%dma_start3A_148 : memref<400xi32, #tpu.memory_space<vmem>>) semaphore(%arg16 : memref<!tpu.dma_semaphore, #tpu.memory_space<semaphore_mem>>)
        } else {
        }
        %mul3A_126 = arith.constant 400 : i32
        %mul3A_127 = arith.muli %add3A_99, %mul3A_126 : i32
        %dma_wait3A_128 = tpu.memref_slice %arg13[%mul3A_127] : memref<10000xi32, #tpu.memory_space<vmem>> -> memref<400xi32, #tpu.memory_space<vmem>>
        %dma_wait3A_129 = arith.constant 0 : i32
        %dma_wait3A_130 = arith.constant 0 : i32
        %dma_wait3A_131 = tpu.memref_slice %arg2[%dma_wait3A_129, %dma_wait3A_130] : memref<10000x16xf32, #tpu.memory_space<hbm>> -> memref<10000x16xf32, #tpu.memory_space<hbm>>
        tpu.wait_indirect_dma semaphore(%arg19 : memref<!tpu.dma_semaphore, #tpu.memory_space<semaphore_mem>>) src(%dma_wait3A_131 : memref<10000x16xf32, #tpu.memory_space<hbm>>) dst(%arg10 : memref<400x16xf32, #tpu.memory_space<vmem>>)
        %mul3A_132 = arith.constant 400 : i32
        %mul3A_133 = arith.muli %add3A_99, %mul3A_132 : i32
        %dma_start3A_134 = tpu.memref_slice %arg14[%mul3A_133] : memref<10000xi32, #tpu.memory_space<vmem>> -> memref<400xi32, #tpu.memory_space<vmem>>
        %dma_start3A_135 = arith.constant 0 : i32
        %dma_start3A_136 = arith.constant 0 : i32
        %dma_start3A_137 = tpu.memref_slice %arg15[%dma_start3A_135, %dma_start3A_136] : memref<10000x16xf32, #tpu.memory_space<vmem_shared>> -> memref<10000x16xf32, #tpu.memory_space<vmem_shared>>
        tpu.enqueue_indirect_dma source(%arg10 : memref<400x16xf32, #tpu.memory_space<vmem>>) target(%dma_start3A_137 : memref<10000x16xf32, #tpu.memory_space<vmem_shared>>) offsets(%dma_start3A_134 : memref<400xi32, #tpu.memory_space<vmem>>) semaphore(%arg25 : memref<!tpu.dma_semaphore, #tpu.memory_space<semaphore_mem>>) {add = true}
      } else {
      }
      %add3A_105 = arith.constant 4 : i32
      %add3A_106 = arith.addi %add3A_77, %add3A_105 : i32
      %lt3A_107 = arith.constant 25 : i32
      %lt3A_108 = arith.cmpi slt, %add3A_106, %lt3A_107 : i32
      %convert_element_type3A_109 = arith.extui %lt3A_108 : i1 to i32
      %cond3A_110 = arith.constant 0 : i32
      %cond3A_111 = arith.cmpi ne, %convert_element_type3A_109, %cond3A_110 : i32
      scf.if %cond3A_111 {
        %add3A_119 = arith.constant 3 : i32
        %add3A_120 = arith.addi %add3A_106, %add3A_119 : i32
        %lt3A_121 = arith.constant 25 : i32
        %lt3A_122 = arith.cmpi slt, %add3A_120, %lt3A_121 : i32
        %convert_element_type3A_123 = arith.extui %lt3A_122 : i1 to i32
        %cond3A_124 = arith.constant 0 : i32
        %cond3A_125 = arith.cmpi ne, %convert_element_type3A_123, %cond3A_124 : i32
        scf.if %cond3A_125 {
          %add3A_138 = arith.constant 3 : i32
          %add3A_139 = arith.addi %add3A_106, %add3A_138 : i32
          %ge3A = arith.constant 6 : i32
          %ge3A_140 = arith.cmpi sge, %add3A_139, %ge3A : i32
          %convert_element_type3A_141 = arith.extui %ge3A_140 : i1 to i32
          %cond3A_142 = arith.constant 0 : i32
          %cond3A_143 = arith.cmpi ne, %convert_element_type3A_141, %cond3A_142 : i32
          scf.if %cond3A_143 {
            %add3A_152 = arith.constant 3 : i32
            %add3A_153 = arith.addi %add3A_106, %add3A_152 : i32
            %sub3A = arith.constant 6 : i32
            %sub3A_154 = arith.subi %add3A_153, %sub3A : i32
            %mul3A_155 = arith.constant 400 : i32
            %mul3A_156 = arith.muli %sub3A_154, %mul3A_155 : i32
            %dma_wait3A_157 = tpu.memref_slice %arg14[%mul3A_156] : memref<10000xi32, #tpu.memory_space<vmem>> -> memref<400xi32, #tpu.memory_space<vmem>>
            %dma_wait3A_158 = arith.constant 0 : i32
            %dma_wait3A_159 = arith.constant 0 : i32
            %dma_wait3A_160 = tpu.memref_slice %arg15[%dma_wait3A_158, %dma_wait3A_159] : memref<10000x16xf32, #tpu.memory_space<vmem_shared>> -> memref<10000x16xf32, #tpu.memory_space<vmem_shared>>
            tpu.wait_indirect_dma semaphore(%arg23 : memref<!tpu.dma_semaphore, #tpu.memory_space<semaphore_mem>>) src(%arg8 : memref<400x16xf32, #tpu.memory_space<vmem>>) dst(%dma_wait3A_160 : memref<10000x16xf32, #tpu.memory_space<vmem_shared>>)
          } else {
          }
          %add3A_144 = arith.constant 3 : i32
          %add3A_145 = arith.addi %add3A_106, %add3A_144 : i32
          %mul3A_146 = arith.constant 400 : i32
          %mul3A_147 = arith.muli %add3A_145, %mul3A_146 : i32
          %dma_start3A_148 = tpu.memref_slice %arg13[%mul3A_147] : memref<10000xi32, #tpu.memory_space<vmem>> -> memref<400xi32, #tpu.memory_space<vmem>>
          %dma_start3A_149 = arith.constant 0 : i32
          %dma_start3A_150 = arith.constant 0 : i32
          %dma_start3A_151 = tpu.memref_slice %arg2[%dma_start3A_149, %dma_start3A_150] : memref<10000x16xf32, #tpu.memory_space<hbm>> -> memref<10000x16xf32, #tpu.memory_space<hbm>>
          tpu.enqueue_indirect_dma source(%dma_start3A_151 : memref<10000x16xf32, #tpu.memory_space<hbm>>) target(%arg8 : memref<400x16xf32, #tpu.memory_space<vmem>>) offsets(%dma_start3A_148 : memref<400xi32, #tpu.memory_space<vmem>>) semaphore(%arg17 : memref<!tpu.dma_semaphore, #tpu.memory_space<semaphore_mem>>)
        } else {
        }
        %mul3A_126 = arith.constant 400 : i32
        %mul3A_127 = arith.muli %add3A_106, %mul3A_126 : i32
        %dma_wait3A_128 = tpu.memref_slice %arg13[%mul3A_127] : memref<10000xi32, #tpu.memory_space<vmem>> -> memref<400xi32, #tpu.memory_space<vmem>>
        %dma_wait3A_129 = arith.constant 0 : i32
        %dma_wait3A_130 = arith.constant 0 : i32
        %dma_wait3A_131 = tpu.memref_slice %arg2[%dma_wait3A_129, %dma_wait3A_130] : memref<10000x16xf32, #tpu.memory_space<hbm>> -> memref<10000x16xf32, #tpu.memory_space<hbm>>
        tpu.wait_indirect_dma semaphore(%arg20 : memref<!tpu.dma_semaphore, #tpu.memory_space<semaphore_mem>>) src(%dma_wait3A_131 : memref<10000x16xf32, #tpu.memory_space<hbm>>) dst(%arg11 : memref<400x16xf32, #tpu.memory_space<vmem>>)
        %mul3A_132 = arith.constant 400 : i32
        %mul3A_133 = arith.muli %add3A_106, %mul3A_132 : i32
        %dma_start3A_134 = tpu.memref_slice %arg14[%mul3A_133] : memref<10000xi32, #tpu.memory_space<vmem>> -> memref<400xi32, #tpu.memory_space<vmem>>
        %dma_start3A_135 = arith.constant 0 : i32
        %dma_start3A_136 = arith.constant 0 : i32
        %dma_start3A_137 = tpu.memref_slice %arg15[%dma_start3A_135, %dma_start3A_136] : memref<10000x16xf32, #tpu.memory_space<vmem_shared>> -> memref<10000x16xf32, #tpu.memory_space<vmem_shared>>
        tpu.enqueue_indirect_dma source(%arg11 : memref<400x16xf32, #tpu.memory_space<vmem>>) target(%dma_start3A_137 : memref<10000x16xf32, #tpu.memory_space<vmem_shared>>) offsets(%dma_start3A_134 : memref<400xi32, #tpu.memory_space<vmem>>) semaphore(%arg26 : memref<!tpu.dma_semaphore, #tpu.memory_space<semaphore_mem>>) {add = true}
      } else {
      }
      %add3A_112 = arith.constant 5 : i32
      %add3A_113 = arith.addi %add3A_77, %add3A_112 : i32
      %lt3A_114 = arith.constant 25 : i32
      %lt3A_115 = arith.cmpi slt, %add3A_113, %lt3A_114 : i32
      %convert_element_type3A_116 = arith.extui %lt3A_115 : i1 to i32
      %cond3A_117 = arith.constant 0 : i32
      %cond3A_118 = arith.cmpi ne, %convert_element_type3A_116, %cond3A_117 : i32
      scf.if %cond3A_118 {
        %add3A_119 = arith.constant 3 : i32
        %add3A_120 = arith.addi %add3A_113, %add3A_119 : i32
        %lt3A_121 = arith.constant 25 : i32
        %lt3A_122 = arith.cmpi slt, %add3A_120, %lt3A_121 : i32
        %convert_element_type3A_123 = arith.extui %lt3A_122 : i1 to i32
        %cond3A_124 = arith.constant 0 : i32
        %cond3A_125 = arith.cmpi ne, %convert_element_type3A_123, %cond3A_124 : i32
        scf.if %cond3A_125 {
          %add3A_138 = arith.constant 3 : i32
          %add3A_139 = arith.addi %add3A_113, %add3A_138 : i32
          %ge3A = arith.constant 6 : i32
          %ge3A_140 = arith.cmpi sge, %add3A_139, %ge3A : i32
          %convert_element_type3A_141 = arith.extui %ge3A_140 : i1 to i32
          %cond3A_142 = arith.constant 0 : i32
          %cond3A_143 = arith.cmpi ne, %convert_element_type3A_141, %cond3A_142 : i32
          scf.if %cond3A_143 {
            %add3A_152 = arith.constant 3 : i32
            %add3A_153 = arith.addi %add3A_113, %add3A_152 : i32
            %sub3A = arith.constant 6 : i32
            %sub3A_154 = arith.subi %add3A_153, %sub3A : i32
            %mul3A_155 = arith.constant 400 : i32
            %mul3A_156 = arith.muli %sub3A_154, %mul3A_155 : i32
            %dma_wait3A_157 = tpu.memref_slice %arg14[%mul3A_156] : memref<10000xi32, #tpu.memory_space<vmem>> -> memref<400xi32, #tpu.memory_space<vmem>>
            %dma_wait3A_158 = arith.constant 0 : i32
            %dma_wait3A_159 = arith.constant 0 : i32
            %dma_wait3A_160 = tpu.memref_slice %arg15[%dma_wait3A_158, %dma_wait3A_159] : memref<10000x16xf32, #tpu.memory_space<vmem_shared>> -> memref<10000x16xf32, #tpu.memory_space<vmem_shared>>
            tpu.wait_indirect_dma semaphore(%arg24 : memref<!tpu.dma_semaphore, #tpu.memory_space<semaphore_mem>>) src(%arg9 : memref<400x16xf32, #tpu.memory_space<vmem>>) dst(%dma_wait3A_160 : memref<10000x16xf32, #tpu.memory_space<vmem_shared>>)
          } else {
          }
          %add3A_144 = arith.constant 3 : i32
          %add3A_145 = arith.addi %add3A_113, %add3A_144 : i32
          %mul3A_146 = arith.constant 400 : i32
          %mul3A_147 = arith.muli %add3A_145, %mul3A_146 : i32
          %dma_start3A_148 = tpu.memref_slice %arg13[%mul3A_147] : memref<10000xi32, #tpu.memory_space<vmem>> -> memref<400xi32, #tpu.memory_space<vmem>>
          %dma_start3A_149 = arith.constant 0 : i32
          %dma_start3A_150 = arith.constant 0 : i32
          %dma_start3A_151 = tpu.memref_slice %arg2[%dma_start3A_149, %dma_start3A_150] : memref<10000x16xf32, #tpu.memory_space<hbm>> -> memref<10000x16xf32, #tpu.memory_space<hbm>>
          tpu.enqueue_indirect_dma source(%dma_start3A_151 : memref<10000x16xf32, #tpu.memory_space<hbm>>) target(%arg9 : memref<400x16xf32, #tpu.memory_space<vmem>>) offsets(%dma_start3A_148 : memref<400xi32, #tpu.memory_space<vmem>>) semaphore(%arg18 : memref<!tpu.dma_semaphore, #tpu.memory_space<semaphore_mem>>)
        } else {
        }
        %mul3A_126 = arith.constant 400 : i32
        %mul3A_127 = arith.muli %add3A_113, %mul3A_126 : i32
        %dma_wait3A_128 = tpu.memref_slice %arg13[%mul3A_127] : memref<10000xi32, #tpu.memory_space<vmem>> -> memref<400xi32, #tpu.memory_space<vmem>>
        %dma_wait3A_129 = arith.constant 0 : i32
        %dma_wait3A_130 = arith.constant 0 : i32
        %dma_wait3A_131 = tpu.memref_slice %arg2[%dma_wait3A_129, %dma_wait3A_130] : memref<10000x16xf32, #tpu.memory_space<hbm>> -> memref<10000x16xf32, #tpu.memory_space<hbm>>
        tpu.wait_indirect_dma semaphore(%arg21 : memref<!tpu.dma_semaphore, #tpu.memory_space<semaphore_mem>>) src(%dma_wait3A_131 : memref<10000x16xf32, #tpu.memory_space<hbm>>) dst(%arg12 : memref<400x16xf32, #tpu.memory_space<vmem>>)
        %mul3A_132 = arith.constant 400 : i32
        %mul3A_133 = arith.muli %add3A_113, %mul3A_132 : i32
        %dma_start3A_134 = tpu.memref_slice %arg14[%mul3A_133] : memref<10000xi32, #tpu.memory_space<vmem>> -> memref<400xi32, #tpu.memory_space<vmem>>
        %dma_start3A_135 = arith.constant 0 : i32
        %dma_start3A_136 = arith.constant 0 : i32
        %dma_start3A_137 = tpu.memref_slice %arg15[%dma_start3A_135, %dma_start3A_136] : memref<10000x16xf32, #tpu.memory_space<vmem_shared>> -> memref<10000x16xf32, #tpu.memory_space<vmem_shared>>
        tpu.enqueue_indirect_dma source(%arg12 : memref<400x16xf32, #tpu.memory_space<vmem>>) target(%dma_start3A_137 : memref<10000x16xf32, #tpu.memory_space<vmem_shared>>) offsets(%dma_start3A_134 : memref<400xi32, #tpu.memory_space<vmem>>) semaphore(%arg27 : memref<!tpu.dma_semaphore, #tpu.memory_space<semaphore_mem>>) {add = true}
      } else {
      }
    }
    %scan3A_35 = arith.constant 5 : i32
    %dma_wait3A = arith.constant 7600 : i32
    %dma_wait3A_36 = tpu.memref_slice %arg14[%dma_wait3A] : memref<10000xi32, #tpu.memory_space<vmem>> -> memref<400xi32, #tpu.memory_space<vmem>>
    %dma_wait3A_37 = arith.constant 0 : i32
    %dma_wait3A_38 = arith.constant 0 : i32
    %dma_wait3A_39 = tpu.memref_slice %arg15[%dma_wait3A_37, %dma_wait3A_38] : memref<10000x16xf32, #tpu.memory_space<vmem_shared>> -> memref<10000x16xf32, #tpu.memory_space<vmem_shared>>
    tpu.wait_indirect_dma semaphore(%arg23 : memref<!tpu.dma_semaphore, #tpu.memory_space<semaphore_mem>>) src(%arg8 : memref<400x16xf32, #tpu.memory_space<vmem>>) dst(%dma_wait3A_39 : memref<10000x16xf32, #tpu.memory_space<vmem_shared>>)
    %dma_wait3A_40 = arith.constant 8000 : i32
    %dma_wait3A_41 = tpu.memref_slice %arg14[%dma_wait3A_40] : memref<10000xi32, #tpu.memory_space<vmem>> -> memref<400xi32, #tpu.memory_space<vmem>>
    %dma_wait3A_42 = arith.constant 0 : i32
    %dma_wait3A_43 = arith.constant 0 : i32
    %dma_wait3A_44 = tpu.memref_slice %arg15[%dma_wait3A_42, %dma_wait3A_43] : memref<10000x16xf32, #tpu.memory_space<vmem_shared>> -> memref<10000x16xf32, #tpu.memory_space<vmem_shared>>
    tpu.wait_indirect_dma semaphore(%arg24 : memref<!tpu.dma_semaphore, #tpu.memory_space<semaphore_mem>>) src(%arg9 : memref<400x16xf32, #tpu.memory_space<vmem>>) dst(%dma_wait3A_44 : memref<10000x16xf32, #tpu.memory_space<vmem_shared>>)
    %dma_wait3A_45 = arith.constant 8400 : i32
    %dma_wait3A_46 = tpu.memref_slice %arg14[%dma_wait3A_45] : memref<10000xi32, #tpu.memory_space<vmem>> -> memref<400xi32, #tpu.memory_space<vmem>>
    %dma_wait3A_47 = arith.constant 0 : i32
    %dma_wait3A_48 = arith.constant 0 : i32
    %dma_wait3A_49 = tpu.memref_slice %arg15[%dma_wait3A_47, %dma_wait3A_48] : memref<10000x16xf32, #tpu.memory_space<vmem_shared>> -> memref<10000x16xf32, #tpu.memory_space<vmem_shared>>
    tpu.wait_indirect_dma semaphore(%arg25 : memref<!tpu.dma_semaphore, #tpu.memory_space<semaphore_mem>>) src(%arg10 : memref<400x16xf32, #tpu.memory_space<vmem>>) dst(%dma_wait3A_49 : memref<10000x16xf32, #tpu.memory_space<vmem_shared>>)
    %dma_wait3A_50 = arith.constant 8800 : i32
    %dma_wait3A_51 = tpu.memref_slice %arg14[%dma_wait3A_50] : memref<10000xi32, #tpu.memory_space<vmem>> -> memref<400xi32, #tpu.memory_space<vmem>>
    %dma_wait3A_52 = arith.constant 0 : i32
    %dma_wait3A_53 = arith.constant 0 : i32
    %dma_wait3A_54 = tpu.memref_slice %arg15[%dma_wait3A_52, %dma_wait3A_53] : memref<10000x16xf32, #tpu.memory_space<vmem_shared>> -> memref<10000x16xf32, #tpu.memory_space<vmem_shared>>
    tpu.wait_indirect_dma semaphore(%arg26 : memref<!tpu.dma_semaphore, #tpu.memory_space<semaphore_mem>>) src(%arg11 : memref<400x16xf32, #tpu.memory_space<vmem>>) dst(%dma_wait3A_54 : memref<10000x16xf32, #tpu.memory_space<vmem_shared>>)
    %dma_wait3A_55 = arith.constant 9200 : i32
    %dma_wait3A_56 = tpu.memref_slice %arg14[%dma_wait3A_55] : memref<10000xi32, #tpu.memory_space<vmem>> -> memref<400xi32, #tpu.memory_space<vmem>>
    %dma_wait3A_57 = arith.constant 0 : i32
    %dma_wait3A_58 = arith.constant 0 : i32
    %dma_wait3A_59 = tpu.memref_slice %arg15[%dma_wait3A_57, %dma_wait3A_58] : memref<10000x16xf32, #tpu.memory_space<vmem_shared>> -> memref<10000x16xf32, #tpu.memory_space<vmem_shared>>
    tpu.wait_indirect_dma semaphore(%arg27 : memref<!tpu.dma_semaphore, #tpu.memory_space<semaphore_mem>>) src(%arg12 : memref<400x16xf32, #tpu.memory_space<vmem>>) dst(%dma_wait3A_59 : memref<10000x16xf32, #tpu.memory_space<vmem_shared>>)
    %dma_wait3A_60 = arith.constant 9600 : i32
    %dma_wait3A_61 = tpu.memref_slice %arg14[%dma_wait3A_60] : memref<10000xi32, #tpu.memory_space<vmem>> -> memref<400xi32, #tpu.memory_space<vmem>>
    %dma_wait3A_62 = arith.constant 0 : i32
    %dma_wait3A_63 = arith.constant 0 : i32
    %dma_wait3A_64 = tpu.memref_slice %arg15[%dma_wait3A_62, %dma_wait3A_63] : memref<10000x16xf32, #tpu.memory_space<vmem_shared>> -> memref<10000x16xf32, #tpu.memory_space<vmem_shared>>
    tpu.wait_indirect_dma semaphore(%arg22 : memref<!tpu.dma_semaphore, #tpu.memory_space<semaphore_mem>>) src(%arg7 : memref<400x16xf32, #tpu.memory_space<vmem>>) dst(%dma_wait3A_64 : memref<10000x16xf32, #tpu.memory_space<vmem_shared>>)
    %barrier3A_65 = arith.constant 0 : index
    tpu.barrier barrier_id(%barrier3A_65)
    %mul3A_66 = arith.constant 624 : i32
    %mul3A_67 = arith.muli %arg1, %mul3A_66 : i32
    "tpu.region"() ({
      %run_scoped3A = tpu.sem_alloc : memref<!tpu.dma_semaphore, #tpu.memory_space<semaphore_mem>>
      %dma_start3A_73 = arith.constant 0 : i32
      %dma_start3A_74 = tpu.memref_slice %arg6[%arg0, %mul3A_67, %dma_start3A_73] : memref<2x10000x16xf32, #tpu.memory_space<hbm>> -> memref<1x624x16xf32, #tpu.memory_space<hbm>>
      %dma_start3A_75 = tpu.memref_squeeze %dma_start3A_74 : memref<1x624x16xf32, #tpu.memory_space<hbm>> -> memref<624x16xf32, #tpu.memory_space<hbm>>
      %dma_start3A_76 = arith.constant 0 : i32
      %dma_start3A_77 = tpu.memref_slice %arg15[%mul3A_67, %dma_start3A_76] : memref<10000x16xf32, #tpu.memory_space<vmem_shared>> -> memref<624x16xf32, #tpu.memory_space<vmem_shared>>
      tpu.enqueue_dma source(%dma_start3A_77 : memref<624x16xf32, #tpu.memory_space<vmem_shared>>) target(%dma_start3A_75 : memref<624x16xf32, #tpu.memory_space<hbm>>) target_semaphore(%run_scoped3A : memref<!tpu.dma_semaphore, #tpu.memory_space<semaphore_mem>>)
      %dma_wait3A_78 = arith.constant 0 : i32
      %dma_wait3A_79 = tpu.memref_slice %arg6[%arg0, %mul3A_67, %dma_wait3A_78] : memref<2x10000x16xf32, #tpu.memory_space<hbm>> -> memref<1x624x16xf32, #tpu.memory_space<hbm>>
      %dma_wait3A_80 = tpu.memref_squeeze %dma_wait3A_79 : memref<1x624x16xf32, #tpu.memory_space<hbm>> -> memref<624x16xf32, #tpu.memory_space<hbm>>
      %dma_wait3A_81 = arith.constant 0 : i32
      %dma_wait3A_82 = tpu.memref_slice %arg15[%mul3A_67, %dma_wait3A_81] : memref<10000x16xf32, #tpu.memory_space<vmem_shared>> -> memref<624x16xf32, #tpu.memory_space<vmem_shared>>
      tpu.wait_dma2 semaphore(%run_scoped3A : memref<!tpu.dma_semaphore, #tpu.memory_space<semaphore_mem>>) src(%dma_wait3A_82 : memref<624x16xf32, #tpu.memory_space<vmem_shared>>) dst(%dma_wait3A_80 : memref<624x16xf32, #tpu.memory_space<hbm>>)
      tpu.yield
    }) : () -> ()
    %eq3A_68 = arith.constant 15 : i32
    %eq3A_69 = arith.cmpi eq, %arg1, %eq3A_68 : i32
    %convert_element_type3A_70 = arith.extui %eq3A_69 : i1 to i32
    %cond3A_71 = arith.constant 0 : i32
    %cond3A_72 = arith.cmpi ne, %convert_element_type3A_70, %cond3A_71 : i32
    scf.if %cond3A_72 {
      "tpu.region"() ({
        %run_scoped3A = tpu.sem_alloc : memref<!tpu.dma_semaphore, #tpu.memory_space<semaphore_mem>>
        %dma_start3A_73 = arith.constant 9984 : i32
        %dma_start3A_74 = arith.constant 0 : i32
        %dma_start3A_75 = tpu.memref_slice %arg6[%arg0, %dma_start3A_73, %dma_start3A_74] : memref<2x10000x16xf32, #tpu.memory_space<hbm>> -> memref<1x16x16xf32, #tpu.memory_space<hbm>>
        %dma_start3A_76 = tpu.memref_squeeze %dma_start3A_75 : memref<1x16x16xf32, #tpu.memory_space<hbm>> -> memref<16x16xf32, #tpu.memory_space<hbm>>
        %dma_start3A_77 = arith.constant 9984 : i32
        %dma_start3A_78 = arith.constant 0 : i32
        %dma_start3A_79 = tpu.memref_slice %arg15[%dma_start3A_77, %dma_start3A_78] : memref<10000x16xf32, #tpu.memory_space<vmem_shared>> -> memref<16x16xf32, #tpu.memory_space<vmem_shared>>
        tpu.enqueue_dma source(%dma_start3A_79 : memref<16x16xf32, #tpu.memory_space<vmem_shared>>) target(%dma_start3A_76 : memref<16x16xf32, #tpu.memory_space<hbm>>) target_semaphore(%run_scoped3A : memref<!tpu.dma_semaphore, #tpu.memory_space<semaphore_mem>>)
        %dma_wait3A_80 = arith.constant 9984 : i32
        %dma_wait3A_81 = arith.constant 0 : i32
        %dma_wait3A_82 = tpu.memref_slice %arg6[%arg0, %dma_wait3A_80, %dma_wait3A_81] : memref<2x10000x16xf32, #tpu.memory_space<hbm>> -> memref<1x16x16xf32, #tpu.memory_space<hbm>>
        %dma_wait3A_83 = tpu.memref_squeeze %dma_wait3A_82 : memref<1x16x16xf32, #tpu.memory_space<hbm>> -> memref<16x16xf32, #tpu.memory_space<hbm>>
        %dma_wait3A_84 = arith.constant 9984 : i32
        %dma_wait3A_85 = arith.constant 0 : i32
        %dma_wait3A_86 = tpu.memref_slice %arg15[%dma_wait3A_84, %dma_wait3A_85] : memref<10000x16xf32, #tpu.memory_space<vmem_shared>> -> memref<16x16xf32, #tpu.memory_space<vmem_shared>>
        tpu.wait_dma2 semaphore(%run_scoped3A : memref<!tpu.dma_semaphore, #tpu.memory_space<semaphore_mem>>) src(%dma_wait3A_86 : memref<16x16xf32, #tpu.memory_space<vmem_shared>>) dst(%dma_wait3A_83 : memref<16x16xf32, #tpu.memory_space<hbm>>)
        tpu.yield
      }) : () -> ()
    } else {
    }
    return
  }
}

#map = affine_map<(d0, d1) -> (0, 0)>
#map1 = affine_map<(d0, d1) -> (0)>
#map2 = affine_map<(d0, d1) -> (0, 0, 0)>
module attributes {stable_mosaic.version = 14 : i64} {
  func.func @deg(%arg0: i32, %arg1: i32, %arg2: memref<400x16xf32, #tpu.memory_space<hbm>>, %arg3: memref<320000xi32, #tpu.memory_space<hbm>>, %arg4: memref<400x16xf32, #tpu.memory_space<hbm>>, %arg5: memref<2x10000x16xf32, #tpu.memory_space<hbm>>, %arg6: memref<400x16xf32, #tpu.memory_space<vmem>>, %arg7: memref<10000xi32, #tpu.memory_space<vmem>>, %arg8: memref<10000x16xf32, #tpu.memory_space<vmem_shared>>, %arg9: memref<!tpu.dma_semaphore, #tpu.memory_space<semaphore_mem>>, %arg10: memref<!tpu.dma_semaphore, #tpu.memory_space<semaphore_mem>>, %arg11: memref<!tpu.dma_semaphore, #tpu.memory_space<semaphore_mem>>, %arg12: memref<!tpu.dma_semaphore, #tpu.memory_space<semaphore_mem>>, %arg13: memref<!tpu.dma_semaphore, #tpu.memory_space<semaphore_mem>>, %arg14: memref<!tpu.dma_semaphore, #tpu.memory_space<semaphore_mem>>) attributes {dimension_semantics = [#tpu.dimension_semantics<core_parallel>, #tpu.dimension_semantics<subcore_parallel>], iteration_bounds = array<i64: 2, 16>, scalar_prefetch = 0 : i64, scratch_operands = 9 : i64, tpu.core_type = #tpu.core_type<sc_vector_subcore>, window_params = [{transform_indices = #map}, {transform_indices = #map1}, {transform_indices = #map}, {transform_indices = #map2}]} {
    %mul3A = arith.constant 2 : i32
    %mul3A_0 = arith.muli %arg1, %mul3A : i32
    %add3A = arith.addi %mul3A_0, %arg0 : i32
    %mul3A_1 = arith.constant 10000 : i32
    %mul3A_2 = arith.muli %add3A, %mul3A_1 : i32
    "tpu.region"() ({
      %run_scoped3A = tpu.sem_alloc : memref<!tpu.dma_semaphore, #tpu.memory_space<semaphore_mem>>
      %dma_start3A = tpu.memref_slice %arg3[%mul3A_2] : memref<320000xi32, #tpu.memory_space<hbm>> -> memref<10000xi32, #tpu.memory_space<hbm>>
      %dma_start3A_49 = tpu.memref_slice %arg3[%mul3A_2] : memref<320000xi32, #tpu.memory_space<hbm>> -> memref<10000xi32, #tpu.memory_space<hbm>>
      tpu.enqueue_dma source(%dma_start3A_49 : memref<10000xi32, #tpu.memory_space<hbm>>) target(%arg7 : memref<10000xi32, #tpu.memory_space<vmem>>) target_semaphore(%run_scoped3A : memref<!tpu.dma_semaphore, #tpu.memory_space<semaphore_mem>>)
      %dma_wait3A_50 = tpu.memref_slice %arg3[%mul3A_2] : memref<320000xi32, #tpu.memory_space<hbm>> -> memref<10000xi32, #tpu.memory_space<hbm>>
      %dma_wait3A_51 = tpu.memref_slice %arg3[%mul3A_2] : memref<320000xi32, #tpu.memory_space<hbm>> -> memref<10000xi32, #tpu.memory_space<hbm>>
      tpu.wait_dma2 semaphore(%run_scoped3A : memref<!tpu.dma_semaphore, #tpu.memory_space<semaphore_mem>>) src(%dma_wait3A_51 : memref<10000xi32, #tpu.memory_space<hbm>>) dst(%arg7 : memref<10000xi32, #tpu.memory_space<vmem>>)
      tpu.yield
    }) : () -> ()
    %mul3A_3 = arith.constant 624 : i32
    %mul3A_4 = arith.muli %arg1, %mul3A_3 : i32
    "tpu.region"() ({
      %run_scoped3A = tpu.sem_alloc : memref<!tpu.dma_semaphore, #tpu.memory_space<semaphore_mem>>
      tpu.enqueue_dma source(%arg4 : memref<400x16xf32, #tpu.memory_space<hbm>>) target(%arg6 : memref<400x16xf32, #tpu.memory_space<vmem>>) target_semaphore(%run_scoped3A : memref<!tpu.dma_semaphore, #tpu.memory_space<semaphore_mem>>)
      tpu.wait_dma2 semaphore(%run_scoped3A : memref<!tpu.dma_semaphore, #tpu.memory_space<semaphore_mem>>) src(%arg4 : memref<400x16xf32, #tpu.memory_space<hbm>>) dst(%arg6 : memref<400x16xf32, #tpu.memory_space<vmem>>)
      tpu.yield
    }) : () -> ()
    %scan3A = arith.constant 0 : i32
    %mul3A_5 = arith.constant 1 : i32
    %mul3A_6 = arith.muli %scan3A, %mul3A_5 : i32
    %add3A_7 = arith.constant 0 : i32
    %add3A_8 = arith.addi %add3A_7, %mul3A_6 : i32
    %mul3A_9 = arith.constant 400 : i32
    %mul3A_10 = arith.muli %add3A_8, %mul3A_9 : i32
    %add3A_11 = arith.addi %mul3A_4, %mul3A_10 : i32
    "tpu.region"() ({
      %run_scoped3A = tpu.sem_alloc : memref<!tpu.dma_semaphore, #tpu.memory_space<semaphore_mem>>
      %dma_start3A = arith.constant 0 : i32
      %dma_start3A_49 = tpu.memref_slice %arg8[%add3A_11, %dma_start3A] : memref<10000x16xf32, #tpu.memory_space<vmem_shared>> -> memref<400x16xf32, #tpu.memory_space<vmem_shared>>
      %dma_start3A_50 = arith.constant 0 : i32
      %dma_start3A_51 = tpu.memref_slice %arg8[%add3A_11, %dma_start3A_50] : memref<10000x16xf32, #tpu.memory_space<vmem_shared>> -> memref<400x16xf32, #tpu.memory_space<vmem_shared>>
      tpu.enqueue_dma source(%arg6 : memref<400x16xf32, #tpu.memory_space<vmem>>) target(%dma_start3A_51 : memref<400x16xf32, #tpu.memory_space<vmem_shared>>) target_semaphore(%run_scoped3A : memref<!tpu.dma_semaphore, #tpu.memory_space<semaphore_mem>>)
      %dma_wait3A_52 = arith.constant 0 : i32
      %dma_wait3A_53 = tpu.memref_slice %arg8[%add3A_11, %dma_wait3A_52] : memref<10000x16xf32, #tpu.memory_space<vmem_shared>> -> memref<400x16xf32, #tpu.memory_space<vmem_shared>>
      %dma_wait3A_54 = arith.constant 0 : i32
      %dma_wait3A_55 = tpu.memref_slice %arg8[%add3A_11, %dma_wait3A_54] : memref<10000x16xf32, #tpu.memory_space<vmem_shared>> -> memref<400x16xf32, #tpu.memory_space<vmem_shared>>
      tpu.wait_dma2 semaphore(%run_scoped3A : memref<!tpu.dma_semaphore, #tpu.memory_space<semaphore_mem>>) src(%arg6 : memref<400x16xf32, #tpu.memory_space<vmem>>) dst(%dma_wait3A_55 : memref<400x16xf32, #tpu.memory_space<vmem_shared>>)
      tpu.yield
    }) : () -> ()
    %scan3A_12 = arith.constant 1 : i32
    %add3A_13 = arith.constant 400 : i32
    %add3A_14 = arith.addi %mul3A_4, %add3A_13 : i32
    "tpu.region"() ({
      %run_scoped3A = tpu.sem_alloc : memref<!tpu.dma_semaphore, #tpu.memory_space<semaphore_mem>>
      %dma_start3A = arith.constant 0 : i32
      %dma_start3A_49 = arith.constant 0 : i32
      %dma_start3A_50 = tpu.memref_slice %arg6[%dma_start3A, %dma_start3A_49] : memref<400x16xf32, #tpu.memory_space<vmem>> -> memref<224x16xf32, #tpu.memory_space<vmem>>
      %dma_start3A_51 = arith.constant 0 : i32
      %dma_start3A_52 = tpu.memref_slice %arg8[%add3A_14, %dma_start3A_51] : memref<10000x16xf32, #tpu.memory_space<vmem_shared>> -> memref<224x16xf32, #tpu.memory_space<vmem_shared>>
      %dma_start3A_53 = arith.constant 0 : i32
      %dma_start3A_54 = tpu.memref_slice %arg8[%add3A_14, %dma_start3A_53] : memref<10000x16xf32, #tpu.memory_space<vmem_shared>> -> memref<224x16xf32, #tpu.memory_space<vmem_shared>>
      %dma_start3A_55 = arith.constant 0 : i32
      %dma_start3A_56 = arith.constant 0 : i32
      %dma_start3A_57 = tpu.memref_slice %arg6[%dma_start3A_55, %dma_start3A_56] : memref<400x16xf32, #tpu.memory_space<vmem>> -> memref<224x16xf32, #tpu.memory_space<vmem>>
      tpu.enqueue_dma source(%dma_start3A_57 : memref<224x16xf32, #tpu.memory_space<vmem>>) target(%dma_start3A_54 : memref<224x16xf32, #tpu.memory_space<vmem_shared>>) target_semaphore(%run_scoped3A : memref<!tpu.dma_semaphore, #tpu.memory_space<semaphore_mem>>)
      %dma_wait3A_58 = arith.constant 0 : i32
      %dma_wait3A_59 = arith.constant 0 : i32
      %dma_wait3A_60 = tpu.memref_slice %arg6[%dma_wait3A_58, %dma_wait3A_59] : memref<400x16xf32, #tpu.memory_space<vmem>> -> memref<224x16xf32, #tpu.memory_space<vmem>>
      %dma_wait3A_61 = arith.constant 0 : i32
      %dma_wait3A_62 = tpu.memref_slice %arg8[%add3A_14, %dma_wait3A_61] : memref<10000x16xf32, #tpu.memory_space<vmem_shared>> -> memref<224x16xf32, #tpu.memory_space<vmem_shared>>
      %dma_wait3A_63 = arith.constant 0 : i32
      %dma_wait3A_64 = tpu.memref_slice %arg8[%add3A_14, %dma_wait3A_63] : memref<10000x16xf32, #tpu.memory_space<vmem_shared>> -> memref<224x16xf32, #tpu.memory_space<vmem_shared>>
      %dma_wait3A_65 = arith.constant 0 : i32
      %dma_wait3A_66 = arith.constant 0 : i32
      %dma_wait3A_67 = tpu.memref_slice %arg6[%dma_wait3A_65, %dma_wait3A_66] : memref<400x16xf32, #tpu.memory_space<vmem>> -> memref<224x16xf32, #tpu.memory_space<vmem>>
      tpu.wait_dma2 semaphore(%run_scoped3A : memref<!tpu.dma_semaphore, #tpu.memory_space<semaphore_mem>>) src(%dma_wait3A_67 : memref<224x16xf32, #tpu.memory_space<vmem>>) dst(%dma_wait3A_64 : memref<224x16xf32, #tpu.memory_space<vmem_shared>>)
      tpu.yield
    }) : () -> ()
    %eq3A = arith.constant 15 : i32
    %eq3A_15 = arith.cmpi eq, %arg1, %eq3A : i32
    %convert_element_type3A = arith.extui %eq3A_15 : i1 to i32
    %cond3A = arith.constant 0 : i32
    %cond3A_16 = arith.cmpi ne, %convert_element_type3A, %cond3A : i32
    scf.if %cond3A_16 {
      "tpu.region"() ({
        %run_scoped3A = tpu.sem_alloc : memref<!tpu.dma_semaphore, #tpu.memory_space<semaphore_mem>>
        %dma_start3A = arith.constant 0 : i32
        %dma_start3A_49 = arith.constant 0 : i32
        %dma_start3A_50 = tpu.memref_slice %arg6[%dma_start3A, %dma_start3A_49] : memref<400x16xf32, #tpu.memory_space<vmem>> -> memref<16x16xf32, #tpu.memory_space<vmem>>
        %dma_start3A_51 = arith.constant 9984 : i32
        %dma_start3A_52 = arith.constant 0 : i32
        %dma_start3A_53 = tpu.memref_slice %arg8[%dma_start3A_51, %dma_start3A_52] : memref<10000x16xf32, #tpu.memory_space<vmem_shared>> -> memref<16x16xf32, #tpu.memory_space<vmem_shared>>
        %dma_start3A_54 = arith.constant 9984 : i32
        %dma_start3A_55 = arith.constant 0 : i32
        %dma_start3A_56 = tpu.memref_slice %arg8[%dma_start3A_54, %dma_start3A_55] : memref<10000x16xf32, #tpu.memory_space<vmem_shared>> -> memref<16x16xf32, #tpu.memory_space<vmem_shared>>
        %dma_start3A_57 = arith.constant 0 : i32
        %dma_start3A_58 = arith.constant 0 : i32
        %dma_start3A_59 = tpu.memref_slice %arg6[%dma_start3A_57, %dma_start3A_58] : memref<400x16xf32, #tpu.memory_space<vmem>> -> memref<16x16xf32, #tpu.memory_space<vmem>>
        tpu.enqueue_dma source(%dma_start3A_59 : memref<16x16xf32, #tpu.memory_space<vmem>>) target(%dma_start3A_56 : memref<16x16xf32, #tpu.memory_space<vmem_shared>>) target_semaphore(%run_scoped3A : memref<!tpu.dma_semaphore, #tpu.memory_space<semaphore_mem>>)
        %dma_wait3A_60 = arith.constant 0 : i32
        %dma_wait3A_61 = arith.constant 0 : i32
        %dma_wait3A_62 = tpu.memref_slice %arg6[%dma_wait3A_60, %dma_wait3A_61] : memref<400x16xf32, #tpu.memory_space<vmem>> -> memref<16x16xf32, #tpu.memory_space<vmem>>
        %dma_wait3A_63 = arith.constant 9984 : i32
        %dma_wait3A_64 = arith.constant 0 : i32
        %dma_wait3A_65 = tpu.memref_slice %arg8[%dma_wait3A_63, %dma_wait3A_64] : memref<10000x16xf32, #tpu.memory_space<vmem_shared>> -> memref<16x16xf32, #tpu.memory_space<vmem_shared>>
        %dma_wait3A_66 = arith.constant 9984 : i32
        %dma_wait3A_67 = arith.constant 0 : i32
        %dma_wait3A_68 = tpu.memref_slice %arg8[%dma_wait3A_66, %dma_wait3A_67] : memref<10000x16xf32, #tpu.memory_space<vmem_shared>> -> memref<16x16xf32, #tpu.memory_space<vmem_shared>>
        %dma_wait3A_69 = arith.constant 0 : i32
        %dma_wait3A_70 = arith.constant 0 : i32
        %dma_wait3A_71 = tpu.memref_slice %arg6[%dma_wait3A_69, %dma_wait3A_70] : memref<400x16xf32, #tpu.memory_space<vmem>> -> memref<16x16xf32, #tpu.memory_space<vmem>>
        tpu.wait_dma2 semaphore(%run_scoped3A : memref<!tpu.dma_semaphore, #tpu.memory_space<semaphore_mem>>) src(%dma_wait3A_71 : memref<16x16xf32, #tpu.memory_space<vmem>>) dst(%dma_wait3A_68 : memref<16x16xf32, #tpu.memory_space<vmem_shared>>)
        tpu.yield
      }) : () -> ()
    } else {
    }
    "tpu.region"() ({
      %run_scoped3A = tpu.sem_alloc : memref<!tpu.dma_semaphore, #tpu.memory_space<semaphore_mem>>
      tpu.enqueue_dma source(%arg2 : memref<400x16xf32, #tpu.memory_space<hbm>>) target(%arg6 : memref<400x16xf32, #tpu.memory_space<vmem>>) target_semaphore(%run_scoped3A : memref<!tpu.dma_semaphore, #tpu.memory_space<semaphore_mem>>)
      tpu.wait_dma2 semaphore(%run_scoped3A : memref<!tpu.dma_semaphore, #tpu.memory_space<semaphore_mem>>) src(%arg2 : memref<400x16xf32, #tpu.memory_space<hbm>>) dst(%arg6 : memref<400x16xf32, #tpu.memory_space<vmem>>)
      tpu.yield
    }) : () -> ()
    %barrier3A = arith.constant 0 : index
    tpu.barrier barrier_id(%barrier3A)
    %scan3A_17 = arith.constant 0 : i32
    %scan3A_18 = arith.constant 7 : i32
    %scan3A_19 = arith.addi %scan3A_17, %scan3A_18 : i32
    %scan3A_20 = arith.constant 1 : i32
    scf.for %scan3A_49 = %scan3A_17 to %scan3A_19 step %scan3A_20  : i32 {
      %mul3A_50 = arith.constant 4 : i32
      %mul3A_51 = arith.muli %scan3A_49, %mul3A_50 : i32
      %add3A_52 = arith.constant 0 : i32
      %add3A_53 = arith.addi %add3A_52, %mul3A_51 : i32
      %add3A_54 = arith.constant 0 : i32
      %add3A_55 = arith.addi %add3A_53, %add3A_54 : i32
      %lt3A = arith.constant 25 : i32
      %lt3A_56 = arith.cmpi slt, %add3A_55, %lt3A : i32
      %convert_element_type3A_57 = arith.extui %lt3A_56 : i1 to i32
      %cond3A_58 = arith.constant 0 : i32
      %cond3A_59 = arith.cmpi ne, %convert_element_type3A_57, %cond3A_58 : i32
      scf.if %cond3A_59 {
        %ge3A = arith.constant 4 : i32
        %ge3A_81 = arith.cmpi sge, %add3A_55, %ge3A : i32
        %convert_element_type3A_82 = arith.extui %ge3A_81 : i1 to i32
        %cond3A_83 = arith.constant 0 : i32
        %cond3A_84 = arith.cmpi ne, %convert_element_type3A_82, %cond3A_83 : i32
        scf.if %cond3A_84 {
          %sub3A = arith.constant 4 : i32
          %sub3A_90 = arith.subi %add3A_55, %sub3A : i32
          %mul3A_91 = arith.constant 400 : i32
          %mul3A_92 = arith.muli %sub3A_90, %mul3A_91 : i32
          %dma_wait3A_93 = tpu.memref_slice %arg7[%mul3A_92] : memref<10000xi32, #tpu.memory_space<vmem>> -> memref<400xi32, #tpu.memory_space<vmem>>
          %dma_wait3A_94 = arith.constant 0 : i32
          %dma_wait3A_95 = arith.constant 0 : i32
          %dma_wait3A_96 = tpu.memref_slice %arg8[%dma_wait3A_94, %dma_wait3A_95] : memref<10000x16xf32, #tpu.memory_space<vmem_shared>> -> memref<10000x16xf32, #tpu.memory_space<vmem_shared>>
          tpu.wait_indirect_dma semaphore(%arg9 : memref<!tpu.dma_semaphore, #tpu.memory_space<semaphore_mem>>) src(%arg6 : memref<400x16xf32, #tpu.memory_space<vmem>>) dst(%dma_wait3A_96 : memref<10000x16xf32, #tpu.memory_space<vmem_shared>>)
        } else {
        }
        %mul3A_85 = arith.constant 400 : i32
        %mul3A_86 = arith.muli %add3A_55, %mul3A_85 : i32
        %dma_start3A = tpu.memref_slice %arg7[%mul3A_86] : memref<10000xi32, #tpu.memory_space<vmem>> -> memref<400xi32, #tpu.memory_space<vmem>>
        %dma_start3A_87 = arith.constant 0 : i32
        %dma_start3A_88 = arith.constant 0 : i32
        %dma_start3A_89 = tpu.memref_slice %arg8[%dma_start3A_87, %dma_start3A_88] : memref<10000x16xf32, #tpu.memory_space<vmem_shared>> -> memref<10000x16xf32, #tpu.memory_space<vmem_shared>>
        tpu.enqueue_indirect_dma source(%arg6 : memref<400x16xf32, #tpu.memory_space<vmem>>) target(%dma_start3A_89 : memref<10000x16xf32, #tpu.memory_space<vmem_shared>>) offsets(%dma_start3A : memref<400xi32, #tpu.memory_space<vmem>>) semaphore(%arg9 : memref<!tpu.dma_semaphore, #tpu.memory_space<semaphore_mem>>) {add = true}
      } else {
      }
      %add3A_60 = arith.constant 1 : i32
      %add3A_61 = arith.addi %add3A_53, %add3A_60 : i32
      %lt3A_62 = arith.constant 25 : i32
      %lt3A_63 = arith.cmpi slt, %add3A_61, %lt3A_62 : i32
      %convert_element_type3A_64 = arith.extui %lt3A_63 : i1 to i32
      %cond3A_65 = arith.constant 0 : i32
      %cond3A_66 = arith.cmpi ne, %convert_element_type3A_64, %cond3A_65 : i32
      scf.if %cond3A_66 {
        %ge3A = arith.constant 4 : i32
        %ge3A_81 = arith.cmpi sge, %add3A_61, %ge3A : i32
        %convert_element_type3A_82 = arith.extui %ge3A_81 : i1 to i32
        %cond3A_83 = arith.constant 0 : i32
        %cond3A_84 = arith.cmpi ne, %convert_element_type3A_82, %cond3A_83 : i32
        scf.if %cond3A_84 {
          %sub3A = arith.constant 4 : i32
          %sub3A_90 = arith.subi %add3A_61, %sub3A : i32
          %mul3A_91 = arith.constant 400 : i32
          %mul3A_92 = arith.muli %sub3A_90, %mul3A_91 : i32
          %dma_wait3A_93 = tpu.memref_slice %arg7[%mul3A_92] : memref<10000xi32, #tpu.memory_space<vmem>> -> memref<400xi32, #tpu.memory_space<vmem>>
          %dma_wait3A_94 = arith.constant 0 : i32
          %dma_wait3A_95 = arith.constant 0 : i32
          %dma_wait3A_96 = tpu.memref_slice %arg8[%dma_wait3A_94, %dma_wait3A_95] : memref<10000x16xf32, #tpu.memory_space<vmem_shared>> -> memref<10000x16xf32, #tpu.memory_space<vmem_shared>>
          tpu.wait_indirect_dma semaphore(%arg10 : memref<!tpu.dma_semaphore, #tpu.memory_space<semaphore_mem>>) src(%arg6 : memref<400x16xf32, #tpu.memory_space<vmem>>) dst(%dma_wait3A_96 : memref<10000x16xf32, #tpu.memory_space<vmem_shared>>)
        } else {
        }
        %mul3A_85 = arith.constant 400 : i32
        %mul3A_86 = arith.muli %add3A_61, %mul3A_85 : i32
        %dma_start3A = tpu.memref_slice %arg7[%mul3A_86] : memref<10000xi32, #tpu.memory_space<vmem>> -> memref<400xi32, #tpu.memory_space<vmem>>
        %dma_start3A_87 = arith.constant 0 : i32
        %dma_start3A_88 = arith.constant 0 : i32
        %dma_start3A_89 = tpu.memref_slice %arg8[%dma_start3A_87, %dma_start3A_88] : memref<10000x16xf32, #tpu.memory_space<vmem_shared>> -> memref<10000x16xf32, #tpu.memory_space<vmem_shared>>
        tpu.enqueue_indirect_dma source(%arg6 : memref<400x16xf32, #tpu.memory_space<vmem>>) target(%dma_start3A_89 : memref<10000x16xf32, #tpu.memory_space<vmem_shared>>) offsets(%dma_start3A : memref<400xi32, #tpu.memory_space<vmem>>) semaphore(%arg10 : memref<!tpu.dma_semaphore, #tpu.memory_space<semaphore_mem>>) {add = true}
      } else {
      }
      %add3A_67 = arith.constant 2 : i32
      %add3A_68 = arith.addi %add3A_53, %add3A_67 : i32
      %lt3A_69 = arith.constant 25 : i32
      %lt3A_70 = arith.cmpi slt, %add3A_68, %lt3A_69 : i32
      %convert_element_type3A_71 = arith.extui %lt3A_70 : i1 to i32
      %cond3A_72 = arith.constant 0 : i32
      %cond3A_73 = arith.cmpi ne, %convert_element_type3A_71, %cond3A_72 : i32
      scf.if %cond3A_73 {
        %ge3A = arith.constant 4 : i32
        %ge3A_81 = arith.cmpi sge, %add3A_68, %ge3A : i32
        %convert_element_type3A_82 = arith.extui %ge3A_81 : i1 to i32
        %cond3A_83 = arith.constant 0 : i32
        %cond3A_84 = arith.cmpi ne, %convert_element_type3A_82, %cond3A_83 : i32
        scf.if %cond3A_84 {
          %sub3A = arith.constant 4 : i32
          %sub3A_90 = arith.subi %add3A_68, %sub3A : i32
          %mul3A_91 = arith.constant 400 : i32
          %mul3A_92 = arith.muli %sub3A_90, %mul3A_91 : i32
          %dma_wait3A_93 = tpu.memref_slice %arg7[%mul3A_92] : memref<10000xi32, #tpu.memory_space<vmem>> -> memref<400xi32, #tpu.memory_space<vmem>>
          %dma_wait3A_94 = arith.constant 0 : i32
          %dma_wait3A_95 = arith.constant 0 : i32
          %dma_wait3A_96 = tpu.memref_slice %arg8[%dma_wait3A_94, %dma_wait3A_95] : memref<10000x16xf32, #tpu.memory_space<vmem_shared>> -> memref<10000x16xf32, #tpu.memory_space<vmem_shared>>
          tpu.wait_indirect_dma semaphore(%arg11 : memref<!tpu.dma_semaphore, #tpu.memory_space<semaphore_mem>>) src(%arg6 : memref<400x16xf32, #tpu.memory_space<vmem>>) dst(%dma_wait3A_96 : memref<10000x16xf32, #tpu.memory_space<vmem_shared>>)
        } else {
        }
        %mul3A_85 = arith.constant 400 : i32
        %mul3A_86 = arith.muli %add3A_68, %mul3A_85 : i32
        %dma_start3A = tpu.memref_slice %arg7[%mul3A_86] : memref<10000xi32, #tpu.memory_space<vmem>> -> memref<400xi32, #tpu.memory_space<vmem>>
        %dma_start3A_87 = arith.constant 0 : i32
        %dma_start3A_88 = arith.constant 0 : i32
        %dma_start3A_89 = tpu.memref_slice %arg8[%dma_start3A_87, %dma_start3A_88] : memref<10000x16xf32, #tpu.memory_space<vmem_shared>> -> memref<10000x16xf32, #tpu.memory_space<vmem_shared>>
        tpu.enqueue_indirect_dma source(%arg6 : memref<400x16xf32, #tpu.memory_space<vmem>>) target(%dma_start3A_89 : memref<10000x16xf32, #tpu.memory_space<vmem_shared>>) offsets(%dma_start3A : memref<400xi32, #tpu.memory_space<vmem>>) semaphore(%arg11 : memref<!tpu.dma_semaphore, #tpu.memory_space<semaphore_mem>>) {add = true}
      } else {
      }
      %add3A_74 = arith.constant 3 : i32
      %add3A_75 = arith.addi %add3A_53, %add3A_74 : i32
      %lt3A_76 = arith.constant 25 : i32
      %lt3A_77 = arith.cmpi slt, %add3A_75, %lt3A_76 : i32
      %convert_element_type3A_78 = arith.extui %lt3A_77 : i1 to i32
      %cond3A_79 = arith.constant 0 : i32
      %cond3A_80 = arith.cmpi ne, %convert_element_type3A_78, %cond3A_79 : i32
      scf.if %cond3A_80 {
        %ge3A = arith.constant 4 : i32
        %ge3A_81 = arith.cmpi sge, %add3A_75, %ge3A : i32
        %convert_element_type3A_82 = arith.extui %ge3A_81 : i1 to i32
        %cond3A_83 = arith.constant 0 : i32
        %cond3A_84 = arith.cmpi ne, %convert_element_type3A_82, %cond3A_83 : i32
        scf.if %cond3A_84 {
          %sub3A = arith.constant 4 : i32
          %sub3A_90 = arith.subi %add3A_75, %sub3A : i32
          %mul3A_91 = arith.constant 400 : i32
          %mul3A_92 = arith.muli %sub3A_90, %mul3A_91 : i32
          %dma_wait3A_93 = tpu.memref_slice %arg7[%mul3A_92] : memref<10000xi32, #tpu.memory_space<vmem>> -> memref<400xi32, #tpu.memory_space<vmem>>
          %dma_wait3A_94 = arith.constant 0 : i32
          %dma_wait3A_95 = arith.constant 0 : i32
          %dma_wait3A_96 = tpu.memref_slice %arg8[%dma_wait3A_94, %dma_wait3A_95] : memref<10000x16xf32, #tpu.memory_space<vmem_shared>> -> memref<10000x16xf32, #tpu.memory_space<vmem_shared>>
          tpu.wait_indirect_dma semaphore(%arg12 : memref<!tpu.dma_semaphore, #tpu.memory_space<semaphore_mem>>) src(%arg6 : memref<400x16xf32, #tpu.memory_space<vmem>>) dst(%dma_wait3A_96 : memref<10000x16xf32, #tpu.memory_space<vmem_shared>>)
        } else {
        }
        %mul3A_85 = arith.constant 400 : i32
        %mul3A_86 = arith.muli %add3A_75, %mul3A_85 : i32
        %dma_start3A = tpu.memref_slice %arg7[%mul3A_86] : memref<10000xi32, #tpu.memory_space<vmem>> -> memref<400xi32, #tpu.memory_space<vmem>>
        %dma_start3A_87 = arith.constant 0 : i32
        %dma_start3A_88 = arith.constant 0 : i32
        %dma_start3A_89 = tpu.memref_slice %arg8[%dma_start3A_87, %dma_start3A_88] : memref<10000x16xf32, #tpu.memory_space<vmem_shared>> -> memref<10000x16xf32, #tpu.memory_space<vmem_shared>>
        tpu.enqueue_indirect_dma source(%arg6 : memref<400x16xf32, #tpu.memory_space<vmem>>) target(%dma_start3A_89 : memref<10000x16xf32, #tpu.memory_space<vmem_shared>>) offsets(%dma_start3A : memref<400xi32, #tpu.memory_space<vmem>>) semaphore(%arg12 : memref<!tpu.dma_semaphore, #tpu.memory_space<semaphore_mem>>) {add = true}
      } else {
      }
    }
    %scan3A_21 = arith.constant 7 : i32
    %dma_wait3A = arith.constant 8400 : i32
    %dma_wait3A_22 = tpu.memref_slice %arg7[%dma_wait3A] : memref<10000xi32, #tpu.memory_space<vmem>> -> memref<400xi32, #tpu.memory_space<vmem>>
    %dma_wait3A_23 = arith.constant 0 : i32
    %dma_wait3A_24 = arith.constant 0 : i32
    %dma_wait3A_25 = tpu.memref_slice %arg8[%dma_wait3A_23, %dma_wait3A_24] : memref<10000x16xf32, #tpu.memory_space<vmem_shared>> -> memref<10000x16xf32, #tpu.memory_space<vmem_shared>>
    tpu.wait_indirect_dma semaphore(%arg10 : memref<!tpu.dma_semaphore, #tpu.memory_space<semaphore_mem>>) src(%arg6 : memref<400x16xf32, #tpu.memory_space<vmem>>) dst(%dma_wait3A_25 : memref<10000x16xf32, #tpu.memory_space<vmem_shared>>)
    %dma_wait3A_26 = arith.constant 8800 : i32
    %dma_wait3A_27 = tpu.memref_slice %arg7[%dma_wait3A_26] : memref<10000xi32, #tpu.memory_space<vmem>> -> memref<400xi32, #tpu.memory_space<vmem>>
    %dma_wait3A_28 = arith.constant 0 : i32
    %dma_wait3A_29 = arith.constant 0 : i32
    %dma_wait3A_30 = tpu.memref_slice %arg8[%dma_wait3A_28, %dma_wait3A_29] : memref<10000x16xf32, #tpu.memory_space<vmem_shared>> -> memref<10000x16xf32, #tpu.memory_space<vmem_shared>>
    tpu.wait_indirect_dma semaphore(%arg11 : memref<!tpu.dma_semaphore, #tpu.memory_space<semaphore_mem>>) src(%arg6 : memref<400x16xf32, #tpu.memory_space<vmem>>) dst(%dma_wait3A_30 : memref<10000x16xf32, #tpu.memory_space<vmem_shared>>)
    %dma_wait3A_31 = arith.constant 9200 : i32
    %dma_wait3A_32 = tpu.memref_slice %arg7[%dma_wait3A_31] : memref<10000xi32, #tpu.memory_space<vmem>> -> memref<400xi32, #tpu.memory_space<vmem>>
    %dma_wait3A_33 = arith.constant 0 : i32
    %dma_wait3A_34 = arith.constant 0 : i32
    %dma_wait3A_35 = tpu.memref_slice %arg8[%dma_wait3A_33, %dma_wait3A_34] : memref<10000x16xf32, #tpu.memory_space<vmem_shared>> -> memref<10000x16xf32, #tpu.memory_space<vmem_shared>>
    tpu.wait_indirect_dma semaphore(%arg12 : memref<!tpu.dma_semaphore, #tpu.memory_space<semaphore_mem>>) src(%arg6 : memref<400x16xf32, #tpu.memory_space<vmem>>) dst(%dma_wait3A_35 : memref<10000x16xf32, #tpu.memory_space<vmem_shared>>)
    %dma_wait3A_36 = arith.constant 9600 : i32
    %dma_wait3A_37 = tpu.memref_slice %arg7[%dma_wait3A_36] : memref<10000xi32, #tpu.memory_space<vmem>> -> memref<400xi32, #tpu.memory_space<vmem>>
    %dma_wait3A_38 = arith.constant 0 : i32
    %dma_wait3A_39 = arith.constant 0 : i32
    %dma_wait3A_40 = tpu.memref_slice %arg8[%dma_wait3A_38, %dma_wait3A_39] : memref<10000x16xf32, #tpu.memory_space<vmem_shared>> -> memref<10000x16xf32, #tpu.memory_space<vmem_shared>>
    tpu.wait_indirect_dma semaphore(%arg9 : memref<!tpu.dma_semaphore, #tpu.memory_space<semaphore_mem>>) src(%arg6 : memref<400x16xf32, #tpu.memory_space<vmem>>) dst(%dma_wait3A_40 : memref<10000x16xf32, #tpu.memory_space<vmem_shared>>)
    %barrier3A_41 = arith.constant 0 : index
    tpu.barrier barrier_id(%barrier3A_41)
    %mul3A_42 = arith.constant 624 : i32
    %mul3A_43 = arith.muli %arg1, %mul3A_42 : i32
    "tpu.region"() ({
      %run_scoped3A = tpu.sem_alloc : memref<!tpu.dma_semaphore, #tpu.memory_space<semaphore_mem>>
      %dma_start3A = arith.constant 0 : i32
      %dma_start3A_49 = tpu.memref_slice %arg5[%arg0, %mul3A_43, %dma_start3A] : memref<2x10000x16xf32, #tpu.memory_space<hbm>> -> memref<1x624x16xf32, #tpu.memory_space<hbm>>
      %dma_start3A_50 = tpu.memref_squeeze %dma_start3A_49 : memref<1x624x16xf32, #tpu.memory_space<hbm>> -> memref<624x16xf32, #tpu.memory_space<hbm>>
      %dma_start3A_51 = arith.constant 0 : i32
      %dma_start3A_52 = tpu.memref_slice %arg8[%mul3A_43, %dma_start3A_51] : memref<10000x16xf32, #tpu.memory_space<vmem_shared>> -> memref<624x16xf32, #tpu.memory_space<vmem_shared>>
      tpu.enqueue_dma source(%dma_start3A_52 : memref<624x16xf32, #tpu.memory_space<vmem_shared>>) target(%dma_start3A_50 : memref<624x16xf32, #tpu.memory_space<hbm>>) target_semaphore(%run_scoped3A : memref<!tpu.dma_semaphore, #tpu.memory_space<semaphore_mem>>)
      %dma_wait3A_53 = arith.constant 0 : i32
      %dma_wait3A_54 = tpu.memref_slice %arg5[%arg0, %mul3A_43, %dma_wait3A_53] : memref<2x10000x16xf32, #tpu.memory_space<hbm>> -> memref<1x624x16xf32, #tpu.memory_space<hbm>>
      %dma_wait3A_55 = tpu.memref_squeeze %dma_wait3A_54 : memref<1x624x16xf32, #tpu.memory_space<hbm>> -> memref<624x16xf32, #tpu.memory_space<hbm>>
      %dma_wait3A_56 = arith.constant 0 : i32
      %dma_wait3A_57 = tpu.memref_slice %arg8[%mul3A_43, %dma_wait3A_56] : memref<10000x16xf32, #tpu.memory_space<vmem_shared>> -> memref<624x16xf32, #tpu.memory_space<vmem_shared>>
      tpu.wait_dma2 semaphore(%run_scoped3A : memref<!tpu.dma_semaphore, #tpu.memory_space<semaphore_mem>>) src(%dma_wait3A_57 : memref<624x16xf32, #tpu.memory_space<vmem_shared>>) dst(%dma_wait3A_55 : memref<624x16xf32, #tpu.memory_space<hbm>>)
      tpu.yield
    }) : () -> ()
    %eq3A_44 = arith.constant 15 : i32
    %eq3A_45 = arith.cmpi eq, %arg1, %eq3A_44 : i32
    %convert_element_type3A_46 = arith.extui %eq3A_45 : i1 to i32
    %cond3A_47 = arith.constant 0 : i32
    %cond3A_48 = arith.cmpi ne, %convert_element_type3A_46, %cond3A_47 : i32
    scf.if %cond3A_48 {
      "tpu.region"() ({
        %run_scoped3A = tpu.sem_alloc : memref<!tpu.dma_semaphore, #tpu.memory_space<semaphore_mem>>
        %dma_start3A = arith.constant 9984 : i32
        %dma_start3A_49 = arith.constant 0 : i32
        %dma_start3A_50 = tpu.memref_slice %arg5[%arg0, %dma_start3A, %dma_start3A_49] : memref<2x10000x16xf32, #tpu.memory_space<hbm>> -> memref<1x16x16xf32, #tpu.memory_space<hbm>>
        %dma_start3A_51 = tpu.memref_squeeze %dma_start3A_50 : memref<1x16x16xf32, #tpu.memory_space<hbm>> -> memref<16x16xf32, #tpu.memory_space<hbm>>
        %dma_start3A_52 = arith.constant 9984 : i32
        %dma_start3A_53 = arith.constant 0 : i32
        %dma_start3A_54 = tpu.memref_slice %arg8[%dma_start3A_52, %dma_start3A_53] : memref<10000x16xf32, #tpu.memory_space<vmem_shared>> -> memref<16x16xf32, #tpu.memory_space<vmem_shared>>
        tpu.enqueue_dma source(%dma_start3A_54 : memref<16x16xf32, #tpu.memory_space<vmem_shared>>) target(%dma_start3A_51 : memref<16x16xf32, #tpu.memory_space<hbm>>) target_semaphore(%run_scoped3A : memref<!tpu.dma_semaphore, #tpu.memory_space<semaphore_mem>>)
        %dma_wait3A_55 = arith.constant 9984 : i32
        %dma_wait3A_56 = arith.constant 0 : i32
        %dma_wait3A_57 = tpu.memref_slice %arg5[%arg0, %dma_wait3A_55, %dma_wait3A_56] : memref<2x10000x16xf32, #tpu.memory_space<hbm>> -> memref<1x16x16xf32, #tpu.memory_space<hbm>>
        %dma_wait3A_58 = tpu.memref_squeeze %dma_wait3A_57 : memref<1x16x16xf32, #tpu.memory_space<hbm>> -> memref<16x16xf32, #tpu.memory_space<hbm>>
        %dma_wait3A_59 = arith.constant 9984 : i32
        %dma_wait3A_60 = arith.constant 0 : i32
        %dma_wait3A_61 = tpu.memref_slice %arg8[%dma_wait3A_59, %dma_wait3A_60] : memref<10000x16xf32, #tpu.memory_space<vmem_shared>> -> memref<16x16xf32, #tpu.memory_space<vmem_shared>>
        tpu.wait_dma2 semaphore(%run_scoped3A : memref<!tpu.dma_semaphore, #tpu.memory_space<semaphore_mem>>) src(%dma_wait3A_61 : memref<16x16xf32, #tpu.memory_space<vmem_shared>>) dst(%dma_wait3A_58 : memref<16x16xf32, #tpu.memory_space<hbm>>)
        tpu.yield
      }) : () -> ()
    } else {
    }
    return
  }
}

module attributes {stable_mosaic.version = 14 : i64} {
  func.func @_tc0_body(%arg0: i32, %arg1: memref<2x320000xi32, #tpu.memory_space<vmem>>, %arg2: memref<320000xi32, #tpu.memory_space<vmem>>, %arg3: memref<320000xi32, #tpu.memory_space<vmem>>) attributes {dimension_semantics = [#tpu.dimension_semantics<arbitrary>], iteration_bounds = array<i64: 1>, scalar_prefetch = 0 : i64, scratch_operands = 0 : i64, tpu.core_type = #tpu.core_type<tc>, window_params = [{pipeline_mode = #tpu.pipeline_mode<synchronous>, transform_indices = @transform_0, window_bounds = array<i64: 2, 320000>}, {pipeline_mode = #tpu.pipeline_mode<synchronous>, transform_indices = @transform_1, window_bounds = array<i64: 320000>}, {pipeline_mode = #tpu.pipeline_mode<synchronous>, transform_indices = @transform_2, window_bounds = array<i64: 320000>}]} {
    %get3A = arith.constant 0 : index
    %get3A_0 = arith.constant 0 : index
    %get3A_1 = vector.load %arg1[%get3A, %get3A_0] : memref<2x320000xi32, #tpu.memory_space<vmem>>, vector<1x320000xi32>
    %get3A_2 = vector.shape_cast %get3A_1 : vector<1x320000xi32> to vector<320000xi32>
    %swap3A = arith.constant 0 : index
    %swap3A_3 = vector.load %arg2[%swap3A] : memref<320000xi32, #tpu.memory_space<vmem>>, vector<320000xi32>
    tpu.vector_store %arg2[%swap3A], %get3A_2 {strides = array<i32>} : memref<320000xi32, #tpu.memory_space<vmem>>, vector<320000xi32>,
    %get3A_4 = arith.constant 1 : index
    %get3A_5 = arith.constant 0 : index
    %get3A_6 = vector.load %arg1[%get3A_4, %get3A_5] : memref<2x320000xi32, #tpu.memory_space<vmem>>, vector<1x320000xi32>
    %get3A_7 = vector.shape_cast %get3A_6 : vector<1x320000xi32> to vector<320000xi32>
    %swap3A_8 = arith.constant 0 : index
    %swap3A_9 = vector.load %arg3[%swap3A_8] : memref<320000xi32, #tpu.memory_space<vmem>>, vector<320000xi32>
    tpu.vector_store %arg3[%swap3A_8], %get3A_7 {strides = array<i32>} : memref<320000xi32, #tpu.memory_space<vmem>>, vector<320000xi32>,
    return
  }
  func.func @transform_0(%arg0: i32) -> (i32, i32) {
    %c0_i32 = arith.constant 0 : i32
    %c0_i32_0 = arith.constant 0 : i32
    %c0_i32_1 = arith.constant 0 : i32
    return %c0_i32, %c0_i32_0 : i32, i32
  }
  func.func @transform_1(%arg0: i32) -> i32 {
    %c0_i32 = arith.constant 0 : i32
    %c0_i32_0 = arith.constant 0 : i32
    return %c0_i32 : i32
  }
  func.func @transform_2(%arg0: i32) -> i32 {
    %c0_i32 = arith.constant 0 : i32
    %c0_i32_0 = arith.constant 0 : i32
    return %c0_i32 : i32
  }
}

module attributes {stable_mosaic.version = 14 : i64} {
  func.func @_tc1_body(%arg0: i32, %arg1: memref<2x2000x16xf32, #tpu.memory_space<vmem>>, %arg2: memref<2000x128xf32, #tpu.memory_space<vmem>>, %arg3: memref<128x128xf32, #tpu.memory_space<vmem>>, %arg4: memref<16x128xf32, #tpu.memory_space<vmem>>, %arg5: memref<2000x128xf32, #tpu.memory_space<vmem>>, %arg6: memref<2000x128xf32, #tpu.memory_space<vmem>>) attributes {dimension_semantics = [#tpu.dimension_semantics<arbitrary>], iteration_bounds = array<i64: 5>, scalar_prefetch = 0 : i64, scratch_operands = 0 : i64, tpu.core_type = #tpu.core_type<tc>, window_params = [{transform_indices = @transform_0, window_bounds = array<i64: 2, 2000, 16>}, {transform_indices = @transform_1, window_bounds = array<i64: 2000, 128>}, {pipeline_mode = #tpu.pipeline_mode<synchronous>, transform_indices = @transform_2, window_bounds = array<i64: 128, 128>}, {pipeline_mode = #tpu.pipeline_mode<synchronous>, transform_indices = @transform_3, window_bounds = array<i64: 16, 128>}, {transform_indices = @transform_4, window_bounds = array<i64: 2000, 128>}, {transform_indices = @transform_5, window_bounds = array<i64: 2000, 128>}]} {
    %get3A = arith.constant 0 : index
    %get3A_0 = arith.constant 0 : index
    %get3A_1 = arith.constant 0 : index
    %get3A_2 = vector.load %arg1[%get3A, %get3A_0, %get3A_1] : memref<2x2000x16xf32, #tpu.memory_space<vmem>>, vector<1x2000x16xf32>
    %get3A_3 = vector.shape_cast %get3A_2 : vector<1x2000x16xf32> to vector<2000x16xf32>
    %get3A_4 = arith.constant 1 : index
    %get3A_5 = arith.constant 0 : index
    %get3A_6 = arith.constant 0 : index
    %get3A_7 = vector.load %arg1[%get3A_4, %get3A_5, %get3A_6] : memref<2x2000x16xf32, #tpu.memory_space<vmem>>, vector<1x2000x16xf32>
    %get3A_8 = vector.shape_cast %get3A_7 : vector<1x2000x16xf32> to vector<2000x16xf32>
    %add3A = arith.addf %get3A_3, %get3A_8 : vector<2000x16xf32>
    %add3A_9 = arith.constant 1.000000e+00 : f32
    %add3A_10 = vector.broadcast %add3A_9 : f32 to vector<2000x16xf32>
    %add3A_11 = arith.addf %add3A, %add3A_10 : vector<2000x16xf32>
    %rsqrt3A = math.rsqrt %add3A_11 : vector<2000x16xf32>
    %get3A_12 = arith.constant 0 : index
    %get3A_13 = arith.constant 0 : index
    %get3A_14 = vector.load %arg4[%get3A_12, %get3A_13] : memref<16x128xf32, #tpu.memory_space<vmem>>, vector<16x128xf32>
    %dot_general3A = arith.constant dense<0.000000e+00> : vector<2000x128xf32>
    %dot_general3A_15 = tpu.matmul %rsqrt3A, %get3A_14, %dot_general3A {dimension_numbers = #tpu.dot_dimension_numbers<[1], [0], [0], [1], [0, 0, 1, 1], [], []>, precision = #tpu.contract_precision<fp32>, transpose_lhs_hint = false} : vector<2000x16xf32>, vector<16x128xf32>, vector<2000x128xf32> -> vector<2000x128xf32>
    %get3A_16 = arith.constant 0 : index
    %get3A_17 = arith.constant 0 : index
    %get3A_18 = vector.load %arg2[%get3A_16, %get3A_17] : memref<2000x128xf32, #tpu.memory_space<vmem>>, vector<2000x128xf32>
    %get3A_19 = arith.constant 0 : index
    %get3A_20 = arith.constant 0 : index
    %get3A_21 = vector.load %arg3[%get3A_19, %get3A_20] : memref<128x128xf32, #tpu.memory_space<vmem>>, vector<128x128xf32>
    %dot_general3A_22 = arith.constant dense<0.000000e+00> : vector<2000x128xf32>
    %dot_general3A_23 = tpu.matmul %get3A_18, %get3A_21, %dot_general3A_22 {dimension_numbers = #tpu.dot_dimension_numbers<[1], [0], [0], [1], [0, 0, 1, 1], [], []>, transpose_lhs_hint = false} : vector<2000x128xf32>, vector<128x128xf32>, vector<2000x128xf32> -> vector<2000x128xf32>
    %mul3A = arith.mulf %dot_general3A_23, %dot_general3A_15 : vector<2000x128xf32>
    %swap3A = arith.constant 0 : index
    %swap3A_24 = arith.constant 0 : index
    %swap3A_25 = vector.load %arg5[%swap3A, %swap3A_24] : memref<2000x128xf32, #tpu.memory_space<vmem>>, vector<2000x128xf32>
    tpu.vector_store %arg5[%swap3A, %swap3A_24], %mul3A {strides = array<i32>} : memref<2000x128xf32, #tpu.memory_space<vmem>>, vector<2000x128xf32>,
    %swap3A_26 = arith.constant 0 : index
    %swap3A_27 = arith.constant 0 : index
    %swap3A_28 = vector.load %arg6[%swap3A_26, %swap3A_27] : memref<2000x128xf32, #tpu.memory_space<vmem>>, vector<2000x128xf32>
    tpu.vector_store %arg6[%swap3A_26, %swap3A_27], %dot_general3A_15 {strides = array<i32>} : memref<2000x128xf32, #tpu.memory_space<vmem>>, vector<2000x128xf32>,
    return
  }
  func.func @transform_0(%arg0: i32) -> (i32, i32, i32) {
    %c0_i32 = arith.constant 0 : i32
    %c0_i32_0 = arith.constant 0 : i32
    %c0_i32_1 = arith.constant 0 : i32
    return %c0_i32, %arg0, %c0_i32_0 : i32, i32, i32
  }
  func.func @transform_1(%arg0: i32) -> (i32, i32) {
    %c0_i32 = arith.constant 0 : i32
    %c0_i32_0 = arith.constant 0 : i32
    return %arg0, %c0_i32 : i32, i32
  }
  func.func @transform_2(%arg0: i32) -> (i32, i32) {
    %c0_i32 = arith.constant 0 : i32
    %c0_i32_0 = arith.constant 0 : i32
    %c0_i32_1 = arith.constant 0 : i32
    return %c0_i32, %c0_i32_0 : i32, i32
  }
  func.func @transform_3(%arg0: i32) -> (i32, i32) {
    %c0_i32 = arith.constant 0 : i32
    %c0_i32_0 = arith.constant 0 : i32
    %c0_i32_1 = arith.constant 0 : i32
    return %c0_i32, %c0_i32_0 : i32, i32
  }
  func.func @transform_4(%arg0: i32) -> (i32, i32) {
    %c0_i32 = arith.constant 0 : i32
    %c0_i32_0 = arith.constant 0 : i32
    return %arg0, %c0_i32 : i32, i32
  }
  func.func @transform_5(%arg0: i32) -> (i32, i32) {
    %c0_i32 = arith.constant 0 : i32
    %c0_i32_0 = arith.constant 0 : i32
    return %arg0, %c0_i32 : i32, i32
  }
}

module attributes {stable_mosaic.version = 14 : i64} {
  func.func @_tc2_body(%arg0: i32, %arg1: memref<2000x128xf32, #tpu.memory_space<vmem>>, %arg2: memref<2x2000x128xf32, #tpu.memory_space<vmem>>, %arg3: memref<2000x128xf32, #tpu.memory_space<vmem>>, %arg4: memref<1x128xf32, #tpu.memory_space<vmem>>, %arg5: memref<128x16xf32, #tpu.memory_space<vmem>>, %arg6: memref<2000x16xf32, #tpu.memory_space<vmem>>) attributes {dimension_semantics = [#tpu.dimension_semantics<arbitrary>], iteration_bounds = array<i64: 5>, scalar_prefetch = 0 : i64, scratch_operands = 0 : i64, tpu.core_type = #tpu.core_type<tc>, window_params = [{transform_indices = @transform_0, window_bounds = array<i64: 2000, 128>}, {transform_indices = @transform_1, window_bounds = array<i64: 2, 2000, 128>}, {transform_indices = @transform_2, window_bounds = array<i64: 2000, 128>}, {pipeline_mode = #tpu.pipeline_mode<synchronous>, transform_indices = @transform_3, window_bounds = array<i64: 1, 128>}, {pipeline_mode = #tpu.pipeline_mode<synchronous>, transform_indices = @transform_4, window_bounds = array<i64: 128, 16>}, {transform_indices = @transform_5, window_bounds = array<i64: 2000, 16>}]} {
    %get3A = arith.constant 0 : index
    %get3A_0 = arith.constant 0 : index
    %get3A_1 = vector.load %arg1[%get3A, %get3A_0] : memref<2000x128xf32, #tpu.memory_space<vmem>>, vector<2000x128xf32>
    %get3A_2 = arith.constant 0 : index
    %get3A_3 = arith.constant 0 : index
    %get3A_4 = arith.constant 0 : index
    %get3A_5 = vector.load %arg2[%get3A_2, %get3A_3, %get3A_4] : memref<2x2000x128xf32, #tpu.memory_space<vmem>>, vector<1x2000x128xf32>
    %get3A_6 = vector.shape_cast %get3A_5 : vector<1x2000x128xf32> to vector<2000x128xf32>
    %get3A_7 = arith.constant 1 : index
    %get3A_8 = arith.constant 0 : index
    %get3A_9 = arith.constant 0 : index
    %get3A_10 = vector.load %arg2[%get3A_7, %get3A_8, %get3A_9] : memref<2x2000x128xf32, #tpu.memory_space<vmem>>, vector<1x2000x128xf32>
    %get3A_11 = vector.shape_cast %get3A_10 : vector<1x2000x128xf32> to vector<2000x128xf32>
    %add3A = arith.addf %get3A_6, %get3A_11 : vector<2000x128xf32>
    %get3A_12 = arith.constant 0 : index
    %get3A_13 = arith.constant 0 : index
    %get3A_14 = vector.load %arg3[%get3A_12, %get3A_13] : memref<2000x128xf32, #tpu.memory_space<vmem>>, vector<2000x128xf32>
    %add3A_15 = arith.addf %add3A, %get3A_14 : vector<2000x128xf32>
    %mul3A = arith.mulf %add3A_15, %get3A_1 : vector<2000x128xf32>
    %get3A_16 = arith.constant 0 : index
    %get3A_17 = arith.constant 0 : index
    %get3A_18 = vector.load %arg4[%get3A_16, %get3A_17] : memref<1x128xf32, #tpu.memory_space<vmem>>, vector<1x128xf32>
    %add3A_19 = vector.broadcast %get3A_18 : vector<1x128xf32> to vector<2000x128xf32>
    %add3A_20 = arith.addf %mul3A, %add3A_19 : vector<2000x128xf32>
    %max3A = arith.constant 0.000000e+00 : f32
    %max3A_21 = vector.broadcast %max3A : f32 to vector<2000x128xf32>
    %max3A_22 = arith.maximumf %add3A_20, %max3A_21 : vector<2000x128xf32>
    %get3A_23 = arith.constant 0 : index
    %get3A_24 = arith.constant 0 : index
    %get3A_25 = vector.load %arg5[%get3A_23, %get3A_24] : memref<128x16xf32, #tpu.memory_space<vmem>>, vector<128x16xf32>
    %dot_general3A = arith.constant dense<0.000000e+00> : vector<2000x16xf32>
    %dot_general3A_26 = tpu.matmul %max3A_22, %get3A_25, %dot_general3A {dimension_numbers = #tpu.dot_dimension_numbers<[1], [0], [0], [1], [0, 0, 1, 1], [], []>, transpose_lhs_hint = false} : vector<2000x128xf32>, vector<128x16xf32>, vector<2000x16xf32> -> vector<2000x16xf32>
    %slice3A = vector.extract_strided_slice %get3A_1 {offsets = [0, 0], sizes = [2000, 16], strides = [1, 1]} : vector<2000x128xf32> to vector<2000x16xf32>
    %mul3A_27 = arith.mulf %dot_general3A_26, %slice3A : vector<2000x16xf32>
    %swap3A = arith.constant 0 : index
    %swap3A_28 = arith.constant 0 : index
    %swap3A_29 = vector.load %arg6[%swap3A, %swap3A_28] : memref<2000x16xf32, #tpu.memory_space<vmem>>, vector<2000x16xf32>
    tpu.vector_store %arg6[%swap3A, %swap3A_28], %mul3A_27 {strides = array<i32>} : memref<2000x16xf32, #tpu.memory_space<vmem>>, vector<2000x16xf32>,
    return
  }
  func.func @transform_0(%arg0: i32) -> (i32, i32) {
    %c0_i32 = arith.constant 0 : i32
    %c0_i32_0 = arith.constant 0 : i32
    return %arg0, %c0_i32 : i32, i32
  }
  func.func @transform_1(%arg0: i32) -> (i32, i32, i32) {
    %c0_i32 = arith.constant 0 : i32
    %c0_i32_0 = arith.constant 0 : i32
    %c0_i32_1 = arith.constant 0 : i32
    return %c0_i32, %arg0, %c0_i32_0 : i32, i32, i32
  }
  func.func @transform_2(%arg0: i32) -> (i32, i32) {
    %c0_i32 = arith.constant 0 : i32
    %c0_i32_0 = arith.constant 0 : i32
    return %arg0, %c0_i32 : i32, i32
  }
  func.func @transform_3(%arg0: i32) -> (i32, i32) {
    %c0_i32 = arith.constant 0 : i32
    %c0_i32_0 = arith.constant 0 : i32
    %c0_i32_1 = arith.constant 0 : i32
    return %c0_i32, %c0_i32_0 : i32, i32
  }
  func.func @transform_4(%arg0: i32) -> (i32, i32) {
    %c0_i32 = arith.constant 0 : i32
    %c0_i32_0 = arith.constant 0 : i32
    %c0_i32_1 = arith.constant 0 : i32
    return %c0_i32, %c0_i32_0 : i32, i32
  }
  func.func @transform_5(%arg0: i32) -> (i32, i32) {
    %c0_i32 = arith.constant 0 : i32
    %c0_i32_0 = arith.constant 0 : i32
    return %arg0, %c0_i32 : i32, i32
  }
}

module attributes {stable_mosaic.version = 14 : i64} {
  func.func @_tc3_body(%arg0: i32, %arg1: memref<2x1250x128xf32, #tpu.memory_space<vmem>>, %arg2: memref<2x1250x128xf32, #tpu.memory_space<vmem>>, %arg3: memref<1250x128xf32, #tpu.memory_space<vmem>>, %arg4: memref<1x128xf32, #tpu.memory_space<vmem>>, %arg5: memref<1250x128xf32, #tpu.memory_space<vmem>>) attributes {dimension_semantics = [#tpu.dimension_semantics<arbitrary>], iteration_bounds = array<i64: 1>, scalar_prefetch = 0 : i64, scratch_operands = 0 : i64, tpu.core_type = #tpu.core_type<tc>, window_params = [{transform_indices = @transform_0, window_bounds = array<i64: 2, 1250, 128>}, {transform_indices = @transform_1, window_bounds = array<i64: 2, 1250, 128>}, {transform_indices = @transform_2, window_bounds = array<i64: 1250, 128>}, {pipeline_mode = #tpu.pipeline_mode<synchronous>, transform_indices = @transform_3, window_bounds = array<i64: 1, 128>}, {transform_indices = @transform_4, window_bounds = array<i64: 1250, 128>}]} {
    %get3A = arith.constant 0 : index
    %get3A_0 = arith.constant 0 : index
    %get3A_1 = arith.constant 0 : index
    %get3A_2 = vector.load %arg1[%get3A, %get3A_0, %get3A_1] : memref<2x1250x128xf32, #tpu.memory_space<vmem>>, vector<1x1250x128xf32>
    %get3A_3 = vector.shape_cast %get3A_2 : vector<1x1250x128xf32> to vector<1250x128xf32>
    %get3A_4 = arith.constant 1 : index
    %get3A_5 = arith.constant 0 : index
    %get3A_6 = arith.constant 0 : index
    %get3A_7 = vector.load %arg1[%get3A_4, %get3A_5, %get3A_6] : memref<2x1250x128xf32, #tpu.memory_space<vmem>>, vector<1x1250x128xf32>
    %get3A_8 = vector.shape_cast %get3A_7 : vector<1x1250x128xf32> to vector<1250x128xf32>
    %add3A = arith.addf %get3A_3, %get3A_8 : vector<1250x128xf32>
    %add3A_9 = arith.constant 1.000000e+00 : f32
    %add3A_10 = vector.broadcast %add3A_9 : f32 to vector<1250x128xf32>
    %add3A_11 = arith.addf %add3A, %add3A_10 : vector<1250x128xf32>
    %rsqrt3A = math.rsqrt %add3A_11 : vector<1250x128xf32>
    %get3A_12 = arith.constant 0 : index
    %get3A_13 = arith.constant 0 : index
    %get3A_14 = arith.constant 0 : index
    %get3A_15 = vector.load %arg2[%get3A_12, %get3A_13, %get3A_14] : memref<2x1250x128xf32, #tpu.memory_space<vmem>>, vector<1x1250x128xf32>
    %get3A_16 = vector.shape_cast %get3A_15 : vector<1x1250x128xf32> to vector<1250x128xf32>
    %get3A_17 = arith.constant 1 : index
    %get3A_18 = arith.constant 0 : index
    %get3A_19 = arith.constant 0 : index
    %get3A_20 = vector.load %arg2[%get3A_17, %get3A_18, %get3A_19] : memref<2x1250x128xf32, #tpu.memory_space<vmem>>, vector<1x1250x128xf32>
    %get3A_21 = vector.shape_cast %get3A_20 : vector<1x1250x128xf32> to vector<1250x128xf32>
    %add3A_22 = arith.addf %get3A_16, %get3A_21 : vector<1250x128xf32>
    %get3A_23 = arith.constant 0 : index
    %get3A_24 = arith.constant 0 : index
    %get3A_25 = vector.load %arg3[%get3A_23, %get3A_24] : memref<1250x128xf32, #tpu.memory_space<vmem>>, vector<1250x128xf32>
    %add3A_26 = arith.addf %add3A_22, %get3A_25 : vector<1250x128xf32>
    %mul3A = arith.mulf %add3A_26, %rsqrt3A : vector<1250x128xf32>
    %get3A_27 = arith.constant 0 : index
    %get3A_28 = arith.constant 0 : index
    %get3A_29 = vector.load %arg4[%get3A_27, %get3A_28] : memref<1x128xf32, #tpu.memory_space<vmem>>, vector<1x128xf32>
    %add3A_30 = vector.broadcast %get3A_29 : vector<1x128xf32> to vector<1250x128xf32>
    %add3A_31 = arith.addf %mul3A, %add3A_30 : vector<1250x128xf32>
    %neg3A = arith.constant 0.000000e+00 : f32
    %neg3A_32 = vector.broadcast %neg3A : f32 to vector<1250x128xf32>
    %neg3A_33 = arith.subf %neg3A_32, %add3A_31 : vector<1250x128xf32>
    %exp3A = math.exp %neg3A_33 : vector<1250x128xf32>
    %add3A_34 = arith.constant 1.000000e+00 : f32
    %add3A_35 = vector.broadcast %add3A_34 : f32 to vector<1250x128xf32>
    %add3A_36 = arith.addf %add3A_35, %exp3A : vector<1250x128xf32>
    %div3A = arith.constant 1.000000e+00 : f32
    %div3A_37 = vector.broadcast %div3A : f32 to vector<1250x128xf32>
    %div3A_38 = arith.divf %div3A_37, %add3A_36 : vector<1250x128xf32>
    %swap3A = arith.constant 0 : index
    %swap3A_39 = arith.constant 0 : index
    %swap3A_40 = vector.load %arg5[%swap3A, %swap3A_39] : memref<1250x128xf32, #tpu.memory_space<vmem>>, vector<1250x128xf32>
    tpu.vector_store %arg5[%swap3A, %swap3A_39], %div3A_38 {strides = array<i32>} : memref<1250x128xf32, #tpu.memory_space<vmem>>, vector<1250x128xf32>,
    return
  }
  func.func @transform_0(%arg0: i32) -> (i32, i32, i32) {
    %c0_i32 = arith.constant 0 : i32
    %c0_i32_0 = arith.constant 0 : i32
    %c0_i32_1 = arith.constant 0 : i32
    return %c0_i32, %arg0, %c0_i32_0 : i32, i32, i32
  }
  func.func @transform_1(%arg0: i32) -> (i32, i32, i32) {
    %c0_i32 = arith.constant 0 : i32
    %c0_i32_0 = arith.constant 0 : i32
    %c0_i32_1 = arith.constant 0 : i32
    return %c0_i32, %arg0, %c0_i32_0 : i32, i32, i32
  }
  func.func @transform_2(%arg0: i32) -> (i32, i32) {
    %c0_i32 = arith.constant 0 : i32
    %c0_i32_0 = arith.constant 0 : i32
    return %arg0, %c0_i32 : i32, i32
  }
  func.func @transform_3(%arg0: i32) -> (i32, i32) {
    %c0_i32 = arith.constant 0 : i32
    %c0_i32_0 = arith.constant 0 : i32
    %c0_i32_1 = arith.constant 0 : i32
    return %c0_i32, %c0_i32_0 : i32, i32
  }
  func.func @transform_4(%arg0: i32) -> (i32, i32) {
    %c0_i32 = arith.constant 0 : i32
    %c0_i32_0 = arith.constant 0 : i32
    return %arg0, %c0_i32 : i32, i32
  }
}

</mosaic_0001>

<sc_bundles>
// kernel: kernel.12.cloned.1.call-start
scs
__scs_entry_jumppad:
0x0: {  	(pc) =	sbr.rel $0x88, $3  }
0x1: {  	(tag) =	ssettag $0x0;
	lr =	simm.s32 $0x1  }
0x2: {  	[smem:$0x3F9B] =	sst lr;
	_ =	strace $0xD0000000  }
0x3: {  	_ = 	snop  }
0x4: {  	_ = 	snop  }
0x5: {  	_ = 	snop  }
0x6: {  	_ = 	snop  }
0x7: {  	_ = 	snop  }
__scs_overlays_trampoline_lowered:
0x8: {  	[smem:$0x3FAA] =	sst s0  }
0x9: {  	[smem:$0x3FAB] =	sst s1  }
0xa: {  	[smem:$0x3FAC] =	sst s2  }
0xb: {  	[smem:$0x3FAD] =	sst s3  }
0xc: {  	[smem:$0x3FAE] =	sst s4  }
0xd: {  	[smem:$0x3FAF] =	sst s5  }
0xe: {  	[smem:$0x3FB0] =	sst s6  }
0xf: {  	[smem:$0x3FB1] =	sst s7  }
0x10: {  	[smem:$0x3FB2] =	sst s8  }
0x11: {  	[smem:$0x3FB3] =	sst s9;
	s0 =	simm.s32 @!p0 $0x0  }
0x12: {  	s1 =	sld [smem:$0x3F99];
	s0 =	simm.s32 @p0 $0x1  }
0x13: {  	[smem:$0x3FB4] =	sst s0;
	s0 =	simm.s32 @!p1 $0x0  }
0x14: {  	s2 =	sld [smem:$0x3F98];
	s0 =	simm.s32 @p1 $0x1  }
0x15: {  	[smem:$0x3FB5] =	sst s0;
	s0 =	simm.s32 @!p2 $0x0  }
0x16: {  	s3 =	sld [smem:$0x3FDB];
	s0 =	simm.s32 @p2 $0x1  }
0x17: {  	s4 =	simm.s32 $0x1BF5;
	[smem:$0x3FB7] =	sst s0  }
0x18: {  	s0 =	sld [smem:$0x3F9A];
	_ =	swait.ge [sflag:s4], $0x0  }
0x19: {  	s7 =	sld [smem:$0x3F9B]  }
0x1a: {  	s8 =	sadd.s32 $0xFFFFE003, lr  }
0x1b: {  	s9 =	sadd.s32 $0xFFFFFEF7, lr;
	s5 =	simm.s32 $0xFFFFFFFF;
	p2 =	slt.u32 s8, $0xFFFFF086  }
0x1c: {  	p1 =	slt.u32 s9, $0xF7A;
	s5 =	simm.s32 @!p2 $0x0  }
0x1d: {  	s5 =	simm.s32 @p1 $0x1;
	p0 =	seq.s32 s7, s2  }
0x1e: {  	s7 =	smul.u32 @!p0 $0xF7A, s2;
	p2 =	seq.s32 @!p0 s5, $0x0  }
0x1f: {  	s9 =	smul.u32 $0xF7A, s1;
	s8 =	simm.s32 @!p0 $0x1BF5;
	p2 =	por !p2, p0  }
0x20: {  	[sflag:s8] =	ssyncset.s32 @!p0 $0xFFFFF086;
	s6 =	sadd.s32 @!p0 s3, s7;
	s7 =	simm.s32 @!p0 $0x108  }
0x21: {  	s3 =	sadd.s32 s3, s9;
	s6 =	sadd.s32 @!p0 $0x88, s6;
	s7 =	simm.s32 @p2 $0x1082  }
0x22: {  	[simem:s7], [sflag:s8] =	dma.local @!p0 [hbm:s6], $0xF7A  }
0x23: {  	s9 =	sor.u32 $0xD0000000, s2;
	s6 =	simm.s32 $0x108;
	_ =	swait.ge @!p0 [sflag:s8], $0x0  }
0x24: {  	s3 =	sadd.s32 $0x88, s3;
	s6 =	simm.s32 @!p1 $0x1082;
	[sflag:s4] =	ssyncset.s32 $0xFFFFF086  }
0x25: {  	[simem:s6], [sflag:s4] =	dma.local [hbm:s3], $0xF7A  }
0x26: {  	[smem:$0x3F9B] =	sst s1;
	(tag) =	ssettag s2;
	_ =	strace s9  }
0x27: {  	s1 =	sld [smem:$0x3FAB]  }
0x28: {  	s2 =	sld [smem:$0x3FAC]  }
0x29: {  	s4 =	sld [smem:$0x3FAE]  }
0x2a: {  	p0 =	seq.s32 s5, $0x0;
	s5 =	sld [smem:$0x3FAF]  }
0x2b: {  	s6 =	sld [smem:$0x3FB0]  }
0x2c: {  	s7 =	sld [smem:$0x3FB1]  }
0x2d: {  	s3 =	simm.s32 $0x108;
	s8 =	sld [smem:$0x3FB2]  }
0x2e: {  	s3 =	simm.s32 @!p0 $0x1082;
	s9 =	sld [smem:$0x3FB3]  }
0x2f: {  	lr =	sadd.s32 s0, s3;
	s0 =	sld [smem:$0x3FAA]  }
0x30: {  	s3 =	sld [smem:$0x3FAD]  }
0x31: {  	[smem:$0x3FB6] =	sst s10  }
0x32: {  	s10 =	sld [smem:$0x3FB4];
	_ =	sdelay $0x3  }
0x33: {  	p0 =	seq.s32 s10, $0x1;
	s10 =	sld [smem:$0x3FB6];
	_ =	sdelay $0x3  }
0x34: {  	[smem:$0x3FB6] =	sst s10  }
0x35: {  	s10 =	sld [smem:$0x3FB5];
	_ =	sdelay $0x3  }
0x36: {  	p1 =	seq.s32 s10, $0x1;
	s10 =	sld [smem:$0x3FB6];
	_ =	sdelay $0x3  }
0x37: {  	[smem:$0x3FB6] =	sst s10  }
0x38: {  	s10 =	sld [smem:$0x3FB7]  }
0x39: {  	_ = 	snop;
	(pc) =	sbr.ind lr, $3  }
0x3a: {  	_ = 	snop  }
0x3b: {  	_ = 	snop  }
0x3c: {  	p2 =	seq.s32 s10, $0x1;
	s10 =	sld [smem:$0x3FB6]  }
0x3d: {  	_ =	shalt  }
0x3e: {  	_ =	shalt  }
0x3f: {  	_ =	shalt  }
0x40: {  	_ =	shalt  }
0x41: {  	_ =	shalt  }
0x42: {  	_ =	shalt  }
0x43: {  	_ =	shalt  }
0x44: {  	_ =	shalt  }
0x45: {  	_ =	shalt  }
0x46: {  	_ =	shalt  }
0x47: {  	_ =	shalt  }
0x48: {  	_ =	shalt  }
0x49: {  	_ =	shalt  }
0x4a: {  	_ =	shalt  }
0x4b: {  	_ =	shalt  }
0x4c: {  	_ =	shalt  }
0x4d: {  	_ =	shalt  }
0x4e: {  	_ =	shalt  }
0x4f: {  	_ =	shalt  }
0x50: {  	_ =	shalt  }
0x51: {  	_ =	shalt  }
0x52: {  	_ =	shalt  }
0x53: {  	_ =	shalt  }
0x54: {  	_ =	shalt  }
0x55: {  	_ =	shalt  }
0x56: {  	_ =	shalt  }
0x57: {  	_ =	shalt  }
0x58: {  	_ =	shalt  }
0x59: {  	_ =	shalt  }
0x5a: {  	_ =	shalt  }
0x5b: {  	_ =	shalt  }
0x5c: {  	_ =	shalt  }
0x5d: {  	_ =	shalt  }
0x5e: {  	_ =	shalt  }
0x5f: {  	_ =	shalt  }
0x60: {  	_ =	shalt  }
0x61: {  	_ =	shalt  }
0x62: {  	_ =	shalt  }
0x63: {  	_ =	shalt  }
0x64: {  	_ =	shalt  }
0x65: {  	_ =	shalt  }
0x66: {  	_ =	shalt  }
0x67: {  	_ =	shalt  }
0x68: {  	_ =	shalt  }
0x69: {  	_ =	shalt  }
0x6a: {  	_ =	shalt  }
0x6b: {  	_ =	shalt  }
0x6c: {  	_ =	shalt  }
0x6d: {  	_ =	shalt  }
0x6e: {  	_ =	shalt  }
0x6f: {  	_ =	shalt  }
0x70: {  	_ =	shalt  }
0x71: {  	_ =	shalt  }
0x72: {  	_ =	shalt  }
0x73: {  	_ =	shalt  }
0x74: {  	_ =	shalt  }
0x75: {  	_ =	shalt  }
0x76: {  	_ =	shalt  }
0x77: {  	_ =	shalt  }
0x78: {  	_ =	shalt  }
0x79: {  	_ =	shalt  }
0x7a: {  	_ =	shalt  }
0x7b: {  	_ =	shalt  }
0x7c: {  	_ =	shalt  }
0x7d: {  	_ =	shalt  }
0x7e: {  	_ =	shalt  }
0x7f: {  	_ =	shalt  }
0x80: {  	_ =	shalt  }
0x81: {  	_ =	shalt  }
0x82: {  	_ =	shalt  }
0x83: {  	_ =	shalt  }
0x84: {  	_ =	shalt  }
0x85: {  	_ =	shalt  }
0x86: {  	_ =	shalt  }
0x87: {  	_ =	shalt  }
.Lfunc_end0:
.L_simem_size_0:
called_computation.1_lowered:
.L_overlay_start_0:
0x88: {  	s2 =	sld [smem:$0x3FD9]  }
0x89: {  	s3 =	sld [smem:$0x3FFE];
	_ =	sdelay $0x1  }
0x8a: {  	s1 =	srdreg.scid  }
0x8b: {  	s0 =	sand.u32 $0x1, s1  }
0x8c: {  	s17 =	sshll.u32 s0, $0xA;
	s2 =	sadd.s32 s3, s2  }
0x8d: {  	s2 =	sadd.s32 s2, s17  }
0x8e: {  	[smem:$0x3FC2] =	sst s2  }
0x8f: {  	_ = 	snop  }
0x90: {  	s2 =	sld [smem:$0x3FD0];
	(tm) =	ssettm $0x1  }
0x91: {  	s18 =	sld [smem:$0x3FFB];
	_ =	sdelay $0x3  }
0x92: {  	_ =	strace s18  }
0x93: {  	s3 =	sld [smem:$0x3FFC];
	_ =	sdelay $0x3  }
0x94: {  	_ =	strace s3  }
0x95: {  	s3 =	sld [smem:$0x3FFD];
	_ =	sdelay $0x3  }
0x96: {  	_ =	strace s3  }
0x97: {  	_ =	strace $0x8FFFFFFF  }
0x98: {  	s19 =	sld [smem:$0x3FDB];
	_ =	sdelay $0x1  }
0x99: {  	s4 =	simm.s32 $_scs_section_size  }
0x9a: {  	s5 =	simm.s32 $_size__tile_overlayer_lowered;
	s6 =	simm.s32 $_tile_overlayer_lowered  }
0x9b: {  	s22 =	simm.s32 $0x1BFF;
	s21 =	sshll.u32 s6, $0x1;
	s3 =	sadd.s32 s4, s19  }
0x9c: {  	s7 =	simm.s32 $0x0;
	s20 =	sshll.u32 s5, $0x1;
	s5 =	sadd.s32 s21, s3  }
0x9d: {  	[timem:s7], [sflag:s22] =	dma.local [hbm:s5], s20  }
0x9e: {  	_ =	swait.ge [sflag:s22], s20  }
0x9f: {  	s4 =	ssub.s32 $0x0, s20;
	[sflag:s22] =	ssyncset.done $0x0  }
0xa0: {  	[sflag:s22] =	ssyncadd.s32 s4;
	_ =	sdelay $0x1  }
0xa1: {  	s23 =	simm.s32 $0x1B8B  }
0xa2: {  	_ =	swait.ge [sflag:s23], $0x1  }
0xa3: {  	[sflag:s23] =	ssyncset.done $0x0  }
0xa4: {  	s25 =	simm.s32 $0x1B8E;
	s24 =	sld [smem:$0x3FFE];
	[sflag:s23] =	ssyncadd.s32 $0xFFFFFFFF  }
0xa5: {  	s26 =	simm.s32 $execute0_lowered;
	[smem:$0x3FD2] =	sst s25  }
0xa6: {  	s5 =	sshll.u32 s26, $0x1;
	_ =	strace $0x80000049;
	[dreg:$0x1] =	wrdreg $0xFFFFFFFF  }
0xa7: {  	s28 =	simm.s32 $_size_execute0_lowered;
	s3 =	sadd.s32 s3, s5;
	[dreg:$0x0] =	wrdreg $0x0  }
0xa8: {  	s5 =	sshll.u32 s28, $0x1;
	[dreg:$0x2] =	wrdreg s3  }
0xa9: {  	[dreg:$0x3] =	wrdreg s5  }
0xaa: {  	[dreg:$0x4] =	wrdreg $0xC0  }
0xab: {  	_ =	task [dreg:s7], $0x5FFFF  }
0xac: {  	[dreg:$0x1] =	wrdreg $0xFFFFFFFF  }
0xad: {  	[dreg:$0x0] =	wrdreg $0x60  }
0xae: {  	[dreg:$0x2] =	wrdreg s24  }
0xaf: {  	[dreg:$0x3] =	wrdreg s2  }
0xb0: {  	[dreg:$0x4] =	wrdreg $0xC7000  }
0xb1: {  	[dreg:$0x5] =	wrdreg $0x9  }
0xb2: {  	_ =	task.clear_ibuf [dreg:s7], $0x6FFFF;
	_ =	strace $0x90000049  }
0xb3: {  	s29 =	simm.s32 $0x9;
	_ =	strace $0x8000004B  }
0xb4: {  	_ =	swait.ge [sflag:s29], $0x1  }
0xb5: {  	[sflag:s29] =	ssyncadd.s32 $0xFFFFFFFF  }
0xb6: {  	_ =	strace $0x9000004B  }
0xb7: {  	_ =	sfence  }
0xb8: {  	s30 =	sld [smem:$0x0];
	_ =	sdelay $0x2  }
0xb9: {  	s31 =	sshll.u32 s1, $0xD;
	s1 =	sshrl.u32 s1, $0x2  }
0xba: {  	s3 =	sand.u32 $0x4000, s31;
	s1 =	sadd.s32 s1, s30  }
0xbb: {  	s0 =	sor.u32 s3, s0;
	s1 =	sshll.u32 s1, $0x11  }
0xbc: {  	s0 =	sor.u32 s1, s0  }
0xbd: {  	s0 =	sadd.s32 $0x8F2B, s0  }
0xbe: {  	[sflag:s0] =	ssyncadd.remote.s32 $0x1  }
0xbf: {  	_ =	sfence.sel $0xFFFF  }
0xc0: {  	[dreg:$0x0] =	wrdreg $0xFFFFFFFF;
	(pc) =	sbr.abs _section_cstart, $3  }
0xc1: {  	[dreg:$0x1] =	wrdreg $0xFFFFFFFF  }
0xc2: {  	_ =	task.clear_ibuf [dreg:s7], $0x2FFFF;
	_ =	strace $0x9FFFFFFF  }
0xc3: {  	(tm) =	ssettm $0x7FFFFFFF  }
tec
execute0_lowered:
.L_overlay_start_1:
0x0: {  	(tag) =	ssettag $0x1  }
0x1: {  	s0 =	rddreg [dreg:$0x0]  }
0x2: {  	s1 =	srdreg.scid;
	s11 =	stileid.u32  }
0x3: {  	s3 =	rddreg [dreg:$0x2];
	s4 =	simm.s32 $0x0;
	s30 =	simm.s32 $0xD  }
0x4: {  	s31 =	simm.s32 $0x3C00;
	s1 =	sand.u32 $0x1, s1;
	s7 =	smul.u32 $0x4E000, s11  }
0x5: {  	s2 =	sshll.u32 s11, $0x1;
	[smem:$0x7FF] =	sst s4;
	s6 =	ssub.s32 $0x2, s1  }
0x6: {  	s5 =	sadd.s32 $0x20A00, s0;
	s8 =	sshrl.u32 s6, $0x1;
	s7 =	sshrl.u32 s7, $0x2  }
0x7: {  	s9 =	smul.u32 $0x13800, s11;
	s6 =	ssub.s32 s6, s8;
	s8 =	sadd.s32 s7, s3  }
0x8: {  	p0 =	sne.s32 s11, $0xF;
	s2 =	sor.u32 s1, s2;
	s10 =	sadd.s32 $0x12C00, s8  }
0x9: {  	_ =	strace $0x8000004A;
	s14 =	smax.u32 s6, $0x1;
	[dreg:$0x6] =	wrdreg s10  }
0xa: {  	s1 =	smul.u32 $0x138800, s1;
	s15 =	sadd.s32 $0x1400, s8;
	[dreg:$0x9] =	wrdreg s14  }
0xb: {  	s2 =	smul.u32 $0x4E2, s2;
	s16 =	sadd.s32 $0x2800, s8;
	[dreg:$0xa] =	wrdreg s15  }
0xc: {  	s12 =	sadd.s32 s9, s1;
	s17 =	sadd.s32 $0x3C00, s8;
	[dreg:$0xb] =	wrdreg s16  }
0xd: {  	s1 =	sshrl.u32 s1, $0x3;
	s18 =	sadd.s32 $0x5000, s8;
	[dreg:$0xc] =	wrdreg s17  }
0xe: {  	s7 =	simm.s32 $0x2;
	s19 =	sadd.s32 $0x6400, s8;
	[dreg:$0xd] =	wrdreg s18  }
0xf: {  	s9 =	simm.s32 $0x4;
	s20 =	sadd.s32 $0x7800, s8;
	[dreg:$0xe] =	wrdreg s19  }
0x10: {  	s2 =	sadd.s32 s2, s0;
	s21 =	sadd.s32 $0x8C00, s8;
	[dreg:$0xf] =	wrdreg s20  }
0x11: {  	s0 =	sadd.s32 $0x47C00, s0;
	s22 =	sadd.s32 $0xA000, s8;
	[dreg:$0x10] =	wrdreg s21  }
0x12: {  	s23 =	sadd.s32 $0xB400, s8;
	s24 =	sadd.s32 $0xC800, s8;
	[dreg:$0x11] =	wrdreg s22  }
0x13: {  	s25 =	sadd.s32 $0xDC00, s8;
	s26 =	sadd.s32 $0xF000, s8;
	[dreg:$0x12] =	wrdreg s23  }
0x14: {  	s28 =	sadd.s32 $0x10400, s8;
	s6 =	simm.s32 $0x1;
	[dreg:$0x13] =	wrdreg s24  }
0x15: {  	s29 =	sadd.s32 $0xCA00, s2;
	s2 =	sadd.s32 $0x2C00, s2;
	[dreg:$0x14] =	wrdreg s25  }
0x16: {  	s10 =	sadd.s32 $0x138000, s3;
	s1 =	sadd.s32 s0, s1;
	[dreg:$0x15] =	wrdreg s26  }
0x17: {  	[dreg:$0x16] =	wrdreg s28;
	s14 =	simm.s32 $0x8;
	s15 =	simm.s32 $0x9  }
0x18: {  	s16 =	simm.s32 $0xA;
	s17 =	simm.s32 $0x5;
	s18 =	simm.s32 $0x5000  }
0x19: {  	s19 =	simm.s32 $0x6;
	s20 =	simm.s32 $0x6400;
	[dreg:$0x4] =	wrdreg s29  }
.Ltmp0:
0x1a: {  	s21 =	simm.s32 $0x0;
	[dreg:$0x5] =	wrdreg s2;
	(pc) =	sbr.rel .LBB2_1-.Ltmp0, $4  }
0x1b: {  	s2 =	sshrl.u32 s12, $0x3;
	s13 =	sadd.s32 $0x27000, s1;
	s29 =	sadd.s32 $0x11800, s8  }
0x1c: {  	s1 =	simm.s32 $0x28;
	s12 =	simm.s32 $0xC;
	[dreg:$0x8] =	wrdreg s13  }
0x1d: {  	s0 =	sadd.s32 s0, s2;
	[dreg:$0x17] =	wrdreg s29;
	s2 =	simm.s32 $0x2800  }
0x1e: {  	s13 =	simm.s32 $0x7;
	[dreg:$0x7] =	wrdreg s0;
	s0 =	simm.s32 $0x1400  }
.LBB2_6:
0x1f: {  	s11 =	simm.s32 $0xB  }
0x20: {  	_ =	swait.ge [sflag:s11], $0x1400  }
0x21: {  	[sflag:s11] =	ssyncset.done $0x0  }
0x22: {  	[sflag:s11] =	ssyncadd.s32 $0xFFFFEC00  }
0x23: {  	_ =	swait.ge [sflag:s12], $0x1400  }
0x24: {  	[sflag:s12] =	ssyncset.done $0x0  }
0x25: {  	[sflag:s12] =	ssyncadd.s32 $0xFFFFEC00  }
0x26: {  	_ =	swait.ge [sflag:s13], $0x1400  }
0x27: {  	[sflag:s13] =	ssyncset.done $0x0  }
0x28: {  	[sflag:s13] =	ssyncadd.s32 $0xFFFFEC00  }
0x29: {  	_ =	swait.ge [sflag:s14], $0x1400  }
0x2a: {  	[sflag:s14] =	ssyncset.done $0x0  }
0x2b: {  	[sflag:s14] =	ssyncadd.s32 $0xFFFFEC00  }
0x2c: {  	_ =	swait.ge [sflag:s15], $0x1400  }
0x2d: {  	[sflag:s15] =	ssyncset.done $0x0  }
0x2e: {  	[sflag:s15] =	ssyncadd.s32 $0xFFFFEC00  }
0x2f: {  	_ =	swait.ge [sflag:s16], $0x1400  }
0x30: {  	[sflag:s16] =	ssyncset.done $0x0  }
0x31: {  	s28 =	stileid.u32;
	[sflag:s16] =	ssyncadd.s32 $0xFFFFEC00  }
0x32: {  	s11 =	sshll.u32 s28, $0x6;
	[bflag:$0x0] =	sbarrier.arrive $0xFFFF  }
0x33: {  	s22 =	sshrl.u32 s8, $0x3;
	s11 =	sor.u32 $0x1C0D, s11;
	s23 =	rddreg [dreg:$0x7]  }
0x34: {  	[hbm:s23], [sflag:s11] =	dma.local [spmem:s22], $0x2700  }
0x35: {  	_ =	swait.ge [sflag:s30], $0x2700  }
0x36: {  	[sflag:s30] =	ssyncset.done $0x0  }
0x37: {  	s22 =	sshrl.u32 @!p0 s10, $0x3;
	s23 =	rddreg [dreg:$0x8];
	[sflag:s30] =	ssyncadd.s32 $0xFFFFD900  }
0x38: {  	[hbm:s23], [sflag:s11] =	dma.local @!p0 [spmem:s22], $0x100  }
0x39: {  	s11 =	simm.s32 @!p0 $0xD  }
0x3a: {  	_ =	swait.ge @!p0 [sflag:s11], $0x100  }
0x3b: {  	s21 =	sadd.s32 $0x1, s21;
	s29 =	rddreg [dreg:$0x9]  }
0x3c: {  	p1 =	sne.s32 s21, s29  }
.Ltmp1:
0x3d: {  	_ = 	snop;
	(pc) =	sbr.rel @!p1 .LBB2_7-.Ltmp1, $3  }
0x3e: {  	_ =	sdelay $0x1  }
0x3f: {  	[sflag:s11] =	ssyncset.done @!p0 $0x0  }
0x40: {  	[sflag:s11] =	ssyncadd.s32 @!p0 $0xFFFFFF00  }
.LBB2_1:
0x41: {  	s11 =	rddreg [dreg:$0x4];
	s23 =	simm.s32 $0x7800  }
0x42: {  	[tilespmem:s23], [sflag:$0xD] =	stream.linear.gather [hbm4b:s11+s4], $0x2710, $0x38;
	[tilespmem:$0x1FF80] =	vst v63  }
0x43: {  	_ =	swait.ge [sflag:s30], $0x2710  }
0x44: {  	[sflag:s30] =	ssyncset.done $0x0  }
0x45: {  	s22 =	simm.s32 $0x9F80;
	s28 =	rddreg [dreg:$0x5];
	[sflag:s30] =	ssyncadd.s32 $0xFFFFD8F0  }
0x46: {  	[tilespmem:s22], [sflag:$0xD] =	stream.linear.gather [hbm4b:s28+s4], $0x2710, $0x38;
	[tilespmem:$0x1FF80] =	vst v63  }
0x47: {  	_ =	swait.ge [sflag:s30], $0x2710  }
0x48: {  	[sflag:s30] =	ssyncset.done $0x0  }
0x49: {  	[sflag:s30] =	ssyncadd.s32 $0xFFFFD8F0  }
0x4a: {  	s24 =	rddreg [dreg:$0x1]  }
0x4b: {  	[tilespmem:s4], [sflag:$0xD] =	stream.linear.gather [hbm4b:s24+s4], $0x1400, $0x38;
	[tilespmem:$0x1FF80] =	vst v63  }
0x4c: {  	_ =	swait.ge [sflag:s30], $0x1400  }
0x4d: {  	[sflag:s30] =	ssyncset.done $0x0  }
0x4e: {  	[sflag:s30] =	ssyncadd.s32 $0xFFFFEC00  }
0x4f: {  	[spmem:s8] =	stream.linear.scatter [tilespmem:s4], [sflag:$0xD], $0x1400, $0x38;
	[tilespmem:$0x1FF80] =	vst v63  }
0x50: {  	_ =	swait.ge [sflag:s30], $0x1400  }
0x51: {  	[sflag:s30] =	ssyncset.done $0x0  }
0x52: {  	s25 =	rddreg [dreg:$0xa];
	[sflag:s30] =	ssyncadd.s32 $0xFFFFEC00  }
0x53: {  	[spmem:s25] =	stream.linear.scatter [tilespmem:s4], [sflag:$0xD], $0x1400, $0x38;
	[tilespmem:$0x1FF80] =	vst v63  }
0x54: {  	_ =	swait.ge [sflag:s30], $0x1400  }
0x55: {  	[sflag:s30] =	ssyncset.done $0x0  }
0x56: {  	s26 =	rddreg [dreg:$0xb];
	[sflag:s30] =	ssyncadd.s32 $0xFFFFEC00  }
0x57: {  	[spmem:s26] =	stream.linear.scatter [tilespmem:s4], [sflag:$0xD], $0x1400, $0x38;
	[tilespmem:$0x1FF80] =	vst v63  }
0x58: {  	_ =	swait.ge [sflag:s30], $0x1400  }
0x59: {  	[sflag:s30] =	ssyncset.done $0x0  }
0x5a: {  	s28 =	rddreg [dreg:$0xc];
	[sflag:s30] =	ssyncadd.s32 $0xFFFFEC00  }
0x5b: {  	[spmem:s28] =	stream.linear.scatter [tilespmem:s4], [sflag:$0xD], $0x1400, $0x38;
	[tilespmem:$0x1FF80] =	vst v63  }
0x5c: {  	_ =	swait.ge [sflag:s30], $0x1400  }
0x5d: {  	[sflag:s30] =	ssyncset.done $0x0  }
0x5e: {  	s22 =	rddreg [dreg:$0xd];
	[sflag:s30] =	ssyncadd.s32 $0xFFFFEC00  }
0x5f: {  	[spmem:s22] =	stream.linear.scatter [tilespmem:s4], [sflag:$0xD], $0x1400, $0x38;
	[tilespmem:$0x1FF80] =	vst v63  }
0x60: {  	_ =	swait.ge [sflag:s30], $0x1400  }
0x61: {  	[sflag:s30] =	ssyncset.done $0x0  }
0x62: {  	s24 =	rddreg [dreg:$0xe];
	[sflag:s30] =	ssyncadd.s32 $0xFFFFEC00  }
0x63: {  	[spmem:s24] =	stream.linear.scatter [tilespmem:s4], [sflag:$0xD], $0x1400, $0x38;
	[tilespmem:$0x1FF80] =	vst v63  }
0x64: {  	_ =	swait.ge [sflag:s30], $0x1400  }
0x65: {  	[sflag:s30] =	ssyncset.done $0x0  }
0x66: {  	s25 =	rddreg [dreg:$0xf];
	[sflag:s30] =	ssyncadd.s32 $0xFFFFEC00  }
0x67: {  	[spmem:s25] =	stream.linear.scatter [tilespmem:s4], [sflag:$0xD], $0x1400, $0x38;
	[tilespmem:$0x1FF80] =	vst v63  }
0x68: {  	_ =	swait.ge [sflag:s30], $0x1400  }
0x69: {  	[sflag:s30] =	ssyncset.done $0x0  }
0x6a: {  	s26 =	rddreg [dreg:$0x10];
	[sflag:s30] =	ssyncadd.s32 $0xFFFFEC00  }
0x6b: {  	[spmem:s26] =	stream.linear.scatter [tilespmem:s4], [sflag:$0xD], $0x1400, $0x38;
	[tilespmem:$0x1FF80] =	vst v63  }
0x6c: {  	_ =	swait.ge [sflag:s30], $0x1400  }
0x6d: {  	[sflag:s30] =	ssyncset.done $0x0  }
0x6e: {  	s28 =	rddreg [dreg:$0x11];
	[sflag:s30] =	ssyncadd.s32 $0xFFFFEC00  }
0x6f: {  	[spmem:s28] =	stream.linear.scatter [tilespmem:s4], [sflag:$0xD], $0x1400, $0x38;
	[tilespmem:$0x1FF80] =	vst v63  }
0x70: {  	_ =	swait.ge [sflag:s30], $0x1400  }
0x71: {  	[sflag:s30] =	ssyncset.done $0x0  }
0x72: {  	s22 =	rddreg [dreg:$0x12];
	[sflag:s30] =	ssyncadd.s32 $0xFFFFEC00  }
0x73: {  	[spmem:s22] =	stream.linear.scatter [tilespmem:s4], [sflag:$0xD], $0x1400, $0x38;
	[tilespmem:$0x1FF80] =	vst v63  }
0x74: {  	_ =	swait.ge [sflag:s30], $0x1400  }
0x75: {  	[sflag:s30] =	ssyncset.done $0x0  }
0x76: {  	s24 =	rddreg [dreg:$0x13];
	[sflag:s30] =	ssyncadd.s32 $0xFFFFEC00  }
0x77: {  	[spmem:s24] =	stream.linear.scatter [tilespmem:s4], [sflag:$0xD], $0x1400, $0x38;
	[tilespmem:$0x1FF80] =	vst v63  }
0x78: {  	_ =	swait.ge [sflag:s30], $0x1400  }
0x79: {  	[sflag:s30] =	ssyncset.done $0x0  }
0x7a: {  	s25 =	rddreg [dreg:$0x14];
	[sflag:s30] =	ssyncadd.s32 $0xFFFFEC00  }
0x7b: {  	[spmem:s25] =	stream.linear.scatter [tilespmem:s4], [sflag:$0xD], $0x1400, $0x38;
	[tilespmem:$0x1FF80] =	vst v63  }
0x7c: {  	_ =	swait.ge [sflag:s30], $0x1400  }
0x7d: {  	[sflag:s30] =	ssyncset.done $0x0  }
0x7e: {  	s26 =	rddreg [dreg:$0x15];
	[sflag:s30] =	ssyncadd.s32 $0xFFFFEC00  }
0x7f: {  	[spmem:s26] =	stream.linear.scatter [tilespmem:s4], [sflag:$0xD], $0x1400, $0x38;
	[tilespmem:$0x1FF80] =	vst v63  }
0x80: {  	_ =	swait.ge [sflag:s30], $0x1400  }
0x81: {  	[sflag:s30] =	ssyncset.done $0x0  }
0x82: {  	s28 =	rddreg [dreg:$0x16];
	[sflag:s30] =	ssyncadd.s32 $0xFFFFEC00  }
0x83: {  	[spmem:s28] =	stream.linear.scatter [tilespmem:s4], [sflag:$0xD], $0x1400, $0x38;
	[tilespmem:$0x1FF80] =	vst v63  }
0x84: {  	_ =	swait.ge [sflag:s30], $0x1400  }
0x85: {  	[sflag:s30] =	ssyncset.done $0x0  }
0x86: {  	s22 =	rddreg [dreg:$0x17];
	[sflag:s30] =	ssyncadd.s32 $0xFFFFEC00  }
0x87: {  	[spmem:s22] =	stream.linear.scatter [tilespmem:s4], [sflag:$0xD], $0x1400, $0x38;
	[tilespmem:$0x1FF80] =	vst v63  }
0x88: {  	_ =	swait.ge [sflag:s30], $0x1400  }
0x89: {  	[sflag:s30] =	ssyncset.done $0x0  }
0x8a: {  	s24 =	rddreg [dreg:$0x6];
	[sflag:s30] =	ssyncadd.s32 $0xFFFFEC00  }
0x8b: {  	[spmem:s24] =	stream.linear.scatter [tilespmem:s4], [sflag:$0xD], $0xC00, $0x38;
	[tilespmem:$0x1FF80] =	vst v63  }
0x8c: {  	_ =	swait.ge [sflag:s30], $0xC00  }
0x8d: {  	[sflag:s30] =	ssyncset.done $0x0  }
0x8e: {  	s22 =	simm.s32 @!p0 $0x0;
	[sflag:s30] =	ssyncadd.s32 $0xFFFFF400  }
0x8f: {  	[spmem:s10] =	stream.linear.scatter @!p0 [tilespmem:s22], [sflag:$0xD], $0x800, $0x38;
	[tilespmem:$0x1FF80] =	vst v63  }
0x90: {  	s22 =	simm.s32 @!p0 $0xD  }
0x91: {  	_ =	swait.ge @!p0 [sflag:s22], $0x800  }
0x92: {  	[sflag:s22] =	ssyncset.done @!p0 $0x0  }
0x93: {  	[sflag:s22] =	ssyncadd.s32 @!p0 $0xFFFFF800  }
0x94: {  	[bflag:$0x0] =	sbarrier.arrive $0xFFFF  }
0x95: {  	[tilespmem:s4], [sflag:$0x1] =	stream.indirect.gather [hbm4b:s5+s1], $0x80, s23, s1, $0xb8;
	[tilespmem:$0x1FF80] =	vst v63  }
0x96: {  	s25 =	simm.s32 $0x7828  }
0x97: {  	[tilespmem:s0], [sflag:$0x2] =	stream.indirect.gather [hbm4b:s5+s1], $0x80, s25, s1, $0xb8;
	[tilespmem:$0x1FF80] =	vst v63  }
0x98: {  	s26 =	simm.s32 $0x7850  }
0x99: {  	[tilespmem:s2], [sflag:$0x3] =	stream.indirect.gather [hbm4b:s5+s1], $0x80, s26, s1, $0xb8;
	[tilespmem:$0x1FF80] =	vst v63  }
0x9a: {  	s29 =	simm.s32 $0x0;
	s28 =	simm.s32 $0x7878;
	s23 =	simm.s32 $0x0  }
0x9b: {  	[tilespmem:s31], [sflag:$0x4] =	stream.indirect.gather [hbm4b:s5+s1], $0x80, s28, s1, $0xb8;
	[tilespmem:$0x1FF80] =	vst v63  }
.LBB2_2:
0x9c: {  	p1 =	seq.s32 s23, $0x29  }
.Ltmp2:
0x9d: {  	_ = 	snop;
	(pc) =	sbr.rel @p1 .LBB2_8-.Ltmp2, $1  }
0x9e: {  	_ =	sdelay $0x3  }
0x9f: {  	p2 =	sne.s32 s23, $0x0  }
0xa0: {  	s22 =	simm.s32 @p2 $0xB  }
0xa1: {  	_ =	swait.ge @p2 [sflag:s22], $0x1400  }
0xa2: {  	[sflag:s22] =	ssyncset.done @p2 $0x0  }
0xa3: {  	[sflag:s22] =	ssyncadd.s32 @p2 $0xFFFFEC00;
	s22 =	sshra.s32 @p2 s29, $0x2  }
0xa4: {  	s25 =	simm.s32 @p2 $0x28;
	s26 =	simm.s32 @p2 $0x5000;
	s24 =	sadd.s32 @p2 $0x78A0, s22  }
0xa5: {  	[tilespmem:s26], [sflag:$0x5] =	stream.indirect.gather @p2 [hbm4b:s5+s25], $0x80, s24, s25, $0xb8;
	[tilespmem:$0x1FF80] =	vst v63  }
0xa6: {  	s24 =	simm.s32 @p2 $0x1  }
0xa7: {  	_ =	swait.ge @p2 [sflag:s24], $0x1400  }
0xa8: {  	[sflag:s24] =	ssyncset.done @p2 $0x0  }
0xa9: {  	[sflag:s24] =	ssyncadd.s32 @p2 $0xFFFFEC00;
	s24 =	sadd.s32 @p2 $0x9F80, s22;
	s22 =	simm.s32 @p2 $0x0  }
0xaa: {  	[spmem:s3] =	stream.indirect.scatter.add.f32 @p2 [tilespmem:s22], [sflag:$0x7], $0x80, s24, s25, $0xb8;
	[tilespmem:$0x1FF80] =	vst v63  }
0xab: {  	s22 =	simm.s32 @p2 $0xC  }
0xac: {  	_ =	swait.ge @p2 [sflag:s22], $0x1400  }
0xad: {  	s26 =	simm.s32 @!p2 $0x5000;
	[sflag:s22] =	ssyncset.done @p2 $0x0  }
0xae: {  	s25 =	simm.s32 @!p2 $0x78A0;
	[sflag:s22] =	ssyncadd.s32 @p2 $0xFFFFEC00;
	s22 =	simm.s32 @!p2 $0x28  }
0xaf: {  	[tilespmem:s26], [sflag:$0x5] =	stream.indirect.gather @!p2 [hbm4b:s5+s22], $0x80, s25, s22, $0xb8;
	[tilespmem:$0x1FF80] =	vst v63  }
0xb0: {  	s25 =	simm.s32 @!p2 $0x1  }
0xb1: {  	_ =	swait.ge @!p2 [sflag:s25], $0x1400  }
0xb2: {  	[sflag:s25] =	ssyncset.done @!p2 $0x0  }
0xb3: {  	s26 =	simm.s32 @!p2 $0x0;
	[sflag:s25] =	ssyncadd.s32 @!p2 $0xFFFFEC00;
	s25 =	simm.s32 @!p2 $0x9F80  }
0xb4: {  	[spmem:s3] =	stream.indirect.scatter.add.f32 @!p2 [tilespmem:s26], [sflag:$0x7], $0x80, s25, s22, $0xb8;
	[tilespmem:$0x1FF80] =	vst v63  }
.Ltmp3:
0xb5: {  	s22 =	smov.u32 s29;
	(pc) =	sbr.rel .LBB2_4-.Ltmp3, $4  }
0xb6: {  	s22 =	simm.s32 @!p2 $0x0  }
0xb7: {  	s28 =	sshra.s32 s22, $0x2  }
0xb8: {  	s24 =	simm.s32 @!p2 $0x9F80;
	s25 =	sadd.s32 $0x78C8, s28  }
0xb9: {  	[tilespmem:s20], [sflag:$0x6] =	stream.indirect.gather [hbm4b:s5+s1], $0x80, s25, s1, $0xb8;
	[tilespmem:$0x1FF80] =	vst v63  }
.LBB2_8:
0xba: {  	_ =	swait.ge [sflag:s6], $0x1400  }
0xbb: {  	[sflag:s6] =	ssyncset.done $0x0  }
0xbc: {  	s24 =	simm.s32 $0xC5F0;
	s22 =	simm.s32 $0x99C0;
	[sflag:s6] =	ssyncadd.s32 $0xFFFFEC00  }
0xbd: {  	[spmem:s3] =	stream.indirect.scatter.add.f32 [tilespmem:s4], [sflag:$0x7], $0x80, s24, s1, $0xb8;
	[tilespmem:$0x1FF80] =	vst v63  }
.LBB2_4:
0xbe: {  	_ =	swait.ge [sflag:s7], $0x1400  }
0xbf: {  	[sflag:s7] =	ssyncset.done $0x0  }
0xc0: {  	s25 =	sadd.s32 $0x28, s24;
	[sflag:s7] =	ssyncadd.s32 $0xFFFFEC00  }
0xc1: {  	[spmem:s3] =	stream.indirect.scatter.add.f32 [tilespmem:s0], [sflag:$0x8], $0x80, s25, s1, $0xb8;
	[tilespmem:$0x1FF80] =	vst v63  }
0xc2: {  	s25 =	simm.s32 @p1 $0x3  }
0xc3: {  	_ =	swait.ge @p1 [sflag:s25], $0x1400  }
0xc4: {  	s26 =	simm.s32 @p1 $0x28;
	[sflag:s25] =	ssyncset.done @p1 $0x0  }
0xc5: {  	s28 =	simm.s32 @p1 $0x2800;
	[sflag:s25] =	ssyncadd.s32 @p1 $0xFFFFEC00;
	s25 =	sadd.s32 @p1 $0x50, s24  }
0xc6: {  	[spmem:s3] =	stream.indirect.scatter.add.f32 @p1 [tilespmem:s28], [sflag:$0x9], $0x80, s25, s26, $0xb8;
	[tilespmem:$0x1FF80] =	vst v63  }
0xc7: {  	s25 =	simm.s32 @!p1 $0x7  }
0xc8: {  	_ =	swait.ge @!p1 [sflag:s25], $0x1400  }
0xc9: {  	[sflag:s25] =	ssyncset.done @!p1 $0x0  }
0xca: {  	[sflag:s25] =	ssyncadd.s32 @!p1 $0xFFFFEC00;
	s25 =	sshra.s32 @!p1 s22, $0x2  }
0xcb: {  	s11 =	simm.s32 @!p1 $0x0;
	s28 =	simm.s32 @!p1 $0x28;
	s26 =	sadd.s32 @!p1 $0x78F0, s25  }
0xcc: {  	[tilespmem:s11], [sflag:$0x1] =	stream.indirect.gather @!p1 [hbm4b:s5+s28], $0x80, s26, s28, $0xb8;
	[tilespmem:$0x1FF80] =	vst v63  }
0xcd: {  	s11 =	simm.s32 @!p1 $0x3  }
0xce: {  	_ =	swait.ge @!p1 [sflag:s11], $0x1400  }
0xcf: {  	[sflag:s11] =	ssyncset.done @!p1 $0x0  }
0xd0: {  	s26 =	simm.s32 @!p1 $0x2800;
	[sflag:s11] =	ssyncadd.s32 @!p1 $0xFFFFEC00;
	s11 =	sadd.s32 @!p1 $0x50, s24  }
0xd1: {  	[spmem:s3] =	stream.indirect.scatter.add.f32 @!p1 [tilespmem:s26], [sflag:$0x9], $0x80, s11, s28, $0xb8;
	[tilespmem:$0x1FF80] =	vst v63  }
0xd2: {  	s11 =	simm.s32 @!p1 $0x8  }
0xd3: {  	_ =	swait.ge @!p1 [sflag:s11], $0x1400  }
0xd4: {  	[sflag:s11] =	ssyncset.done @!p1 $0x0  }
0xd5: {  	[sflag:s11] =	ssyncadd.s32 @!p1 $0xFFFFEC00;
	s11 =	sadd.s32 @!p1 $0x7918, s25;
	s25 =	simm.s32 @!p1 $0x1400  }
0xd6: {  	[tilespmem:s25], [sflag:$0x2] =	stream.indirect.gather @!p1 [hbm4b:s5+s28], $0x80, s11, s28, $0xb8;
	[tilespmem:$0x1FF80] =	vst v63  }
.Ltmp4:
0xd7: {  	_ = 	snop;
	(pc) =	sbr.rel @p1 .LBB2_6-.Ltmp4, $4  }
0xd8: {  	_ =	swait.ge [sflag:s9], $0x1400  }
0xd9: {  	[sflag:s9] =	ssyncset.done $0x0  }
0xda: {  	s28 =	sadd.s32 $0x78, s24;
	[sflag:s9] =	ssyncadd.s32 $0xFFFFEC00  }
0xdb: {  	[spmem:s3] =	stream.indirect.scatter.add.f32 [tilespmem:s31], [sflag:$0xA], $0x80, s28, s1, $0xb8;
	[tilespmem:$0x1FF80] =	vst v63  }
0xdc: {  	_ =	swait.ge [sflag:s15], $0x1400  }
0xdd: {  	s11 =	sshra.s32 s22, $0x2;
	[sflag:s15] =	ssyncset.done $0x0  }
0xde: {  	s22 =	sadd.s32 $0x7940, s11;
	[sflag:s15] =	ssyncadd.s32 $0xFFFFEC00  }
0xdf: {  	[tilespmem:s2], [sflag:$0x3] =	stream.indirect.gather [hbm4b:s5+s1], $0x80, s22, s1, $0xb8;
	[tilespmem:$0x1FF80] =	vst v63  }
0xe0: {  	_ =	swait.ge [sflag:s17], $0x1400  }
0xe1: {  	[sflag:s17] =	ssyncset.done $0x0  }
0xe2: {  	s26 =	sadd.s32 $0xA0, s24;
	[sflag:s17] =	ssyncadd.s32 $0xFFFFEC00  }
0xe3: {  	[spmem:s3] =	stream.indirect.scatter.add.f32 [tilespmem:s18], [sflag:$0xB], $0x80, s26, s1, $0xb8;
	[tilespmem:$0x1FF80] =	vst v63  }
0xe4: {  	_ =	swait.ge [sflag:s16], $0x1400  }
0xe5: {  	[sflag:s16] =	ssyncset.done $0x0  }
0xe6: {  	s11 =	sadd.s32 $0x7968, s11;
	[sflag:s16] =	ssyncadd.s32 $0xFFFFEC00  }
0xe7: {  	[tilespmem:s31], [sflag:$0x4] =	stream.indirect.gather [hbm4b:s5+s1], $0x80, s11, s1, $0xb8;
	[tilespmem:$0x1FF80] =	vst v63  }
.Ltmp5:
0xe8: {  	_ = 	snop;
	(pc) =	sbr.rel .LBB2_2-.Ltmp5, $4  }
0xe9: {  	_ =	swait.ge [sflag:s19], $0x1400  }
0xea: {  	s28 =	sadd.s32 $0xC8, s24;
	[sflag:s19] =	ssyncset.done $0x0  }
0xeb: {  	s23 =	sadd.s32 $0x1, s23;
	s29 =	sadd.s32 $0x3C0, s29;
	[sflag:s19] =	ssyncadd.s32 $0xFFFFEC00  }
0xec: {  	[spmem:s3] =	stream.indirect.scatter.add.f32 [tilespmem:s20], [sflag:$0xC], $0x80, s28, s1, $0xb8;
	[tilespmem:$0x1FF80] =	vst v63  }
.LBB2_7:
0xed: {  	_ =	sfence.sel $0x180000  }
0xee: {  	[bflag:$0x0] =	sbarrier.arrive $0xFFFF  }
0xef: {  	_ =	strace $0x9000004A  }
0xf0: {  	s0 =	stileid.u32;
	[bflag:$0x2] =	sbarrier.arrive $0xFFFF  }
0xf1: {  	p0 =	sne.s32 s0, $0x0;
	s0 =	rddreg [dreg:$0x3]  }
0xf2: {  	s0 =	sadd.s32 @!p0 $0x100000, s0  }
0xf3: {  	[sflag:s0] =	ssyncadd.tile.s32 @!p0 $0x1;
	_ =	shalt  }
.Lfunc_end2:
_tile_overlayer_lowered:
.L_overlay_start_2:
0xf4: {  	(tag) =	ssettag $0x2  }
0xf5: {  	s0 =	rddreg [dreg:$0x0];
	s2 =	stileid.u32  }
0xf6: {  	s1 =	rddreg [dreg:$0x1];
	p0 =	sne.s32 s2, $0x0  }
0xf7: {  	s3 =	rddreg [dreg:$0x2];
	[bflag:$0x3] =	sbarrier.arrive $0xFFFF;
	s2 =	simm.s32 @!p0 $0x1C0D  }
0xf8: {  	[timem:s3], [sflag:s2] =	dma.local @!p0 [hbm:s0], s1  }
0xf9: {  	s0 =	simm.s32 @!p0 $0xD  }
0xfa: {  	_ =	swait.ge @!p0 [sflag:s0], s1  }
0xfb: {  	s1 =	ssub.s32 @!p0 $0x0, s1;
	[sflag:s0] =	ssyncset.done @!p0 $0x0  }
0xfc: {  	[sflag:s0] =	ssyncadd.s32 @!p0 s1  }
0xfd: {  	[bflag:$0x3] =	sbarrier.arrive $0xFFFF  }
0xfe: {  	_ =	shalt  }

// kernel: kernel.15.cloned.1.call-start
scs
__scs_entry_jumppad:
0x0: {  	(pc) =	sbr.rel $0x88, $3  }
0x1: {  	(tag) =	ssettag $0x0;
	lr =	simm.s32 $0x1  }
0x2: {  	[smem:$0x3F9B] =	sst lr;
	_ =	strace $0xD0000000  }
0x3: {  	_ = 	snop  }
0x4: {  	_ = 	snop  }
0x5: {  	_ = 	snop  }
0x6: {  	_ = 	snop  }
0x7: {  	_ = 	snop  }
__scs_overlays_trampoline_lowered:
0x8: {  	[smem:$0x3FAA] =	sst s0  }
0x9: {  	[smem:$0x3FAB] =	sst s1  }
0xa: {  	[smem:$0x3FAC] =	sst s2  }
0xb: {  	[smem:$0x3FAD] =	sst s3  }
0xc: {  	[smem:$0x3FAE] =	sst s4  }
0xd: {  	[smem:$0x3FAF] =	sst s5  }
0xe: {  	[smem:$0x3FB0] =	sst s6  }
0xf: {  	[smem:$0x3FB1] =	sst s7  }
0x10: {  	[smem:$0x3FB2] =	sst s8  }
0x11: {  	[smem:$0x3FB3] =	sst s9;
	s0 =	simm.s32 @!p0 $0x0  }
0x12: {  	s1 =	sld [smem:$0x3F99];
	s0 =	simm.s32 @p0 $0x1  }
0x13: {  	[smem:$0x3FB4] =	sst s0;
	s0 =	simm.s32 @!p1 $0x0  }
0x14: {  	s2 =	sld [smem:$0x3F98];
	s0 =	simm.s32 @p1 $0x1  }
0x15: {  	[smem:$0x3FB5] =	sst s0;
	s0 =	simm.s32 @!p2 $0x0  }
0x16: {  	s3 =	sld [smem:$0x3FDB];
	s0 =	simm.s32 @p2 $0x1  }
0x17: {  	s4 =	simm.s32 $0x1BF5;
	[smem:$0x3FB7] =	sst s0  }
0x18: {  	s0 =	sld [smem:$0x3F9A];
	_ =	swait.ge [sflag:s4], $0x0  }
0x19: {  	s7 =	sld [smem:$0x3F9B]  }
0x1a: {  	s8 =	sadd.s32 $0xFFFFE003, lr  }
0x1b: {  	s9 =	sadd.s32 $0xFFFFFEF7, lr;
	s5 =	simm.s32 $0xFFFFFFFF;
	p2 =	slt.u32 s8, $0xFFFFF086  }
0x1c: {  	p1 =	slt.u32 s9, $0xF7A;
	s5 =	simm.s32 @!p2 $0x0  }
0x1d: {  	s5 =	simm.s32 @p1 $0x1;
	p0 =	seq.s32 s7, s2  }
0x1e: {  	s7 =	smul.u32 @!p0 $0xF7A, s2;
	p2 =	seq.s32 @!p0 s5, $0x0  }
0x1f: {  	s9 =	smul.u32 $0xF7A, s1;
	s8 =	simm.s32 @!p0 $0x1BF5;
	p2 =	por !p2, p0  }
0x20: {  	[sflag:s8] =	ssyncset.s32 @!p0 $0xFFFFF086;
	s6 =	sadd.s32 @!p0 s3, s7;
	s7 =	simm.s32 @!p0 $0x108  }
0x21: {  	s3 =	sadd.s32 s3, s9;
	s6 =	sadd.s32 @!p0 $0x88, s6;
	s7 =	simm.s32 @p2 $0x1082  }
0x22: {  	[simem:s7], [sflag:s8] =	dma.local @!p0 [hbm:s6], $0xF7A  }
0x23: {  	s9 =	sor.u32 $0xD0000000, s2;
	s6 =	simm.s32 $0x108;
	_ =	swait.ge @!p0 [sflag:s8], $0x0  }
0x24: {  	s3 =	sadd.s32 $0x88, s3;
	s6 =	simm.s32 @!p1 $0x1082;
	[sflag:s4] =	ssyncset.s32 $0xFFFFF086  }
0x25: {  	[simem:s6], [sflag:s4] =	dma.local [hbm:s3], $0xF7A  }
0x26: {  	[smem:$0x3F9B] =	sst s1;
	(tag) =	ssettag s2;
	_ =	strace s9  }
0x27: {  	s1 =	sld [smem:$0x3FAB]  }
0x28: {  	s2 =	sld [smem:$0x3FAC]  }
0x29: {  	s4 =	sld [smem:$0x3FAE]  }
0x2a: {  	p0 =	seq.s32 s5, $0x0;
	s5 =	sld [smem:$0x3FAF]  }
0x2b: {  	s6 =	sld [smem:$0x3FB0]  }
0x2c: {  	s7 =	sld [smem:$0x3FB1]  }
0x2d: {  	s3 =	simm.s32 $0x108;
	s8 =	sld [smem:$0x3FB2]  }
0x2e: {  	s3 =	simm.s32 @!p0 $0x1082;
	s9 =	sld [smem:$0x3FB3]  }
0x2f: {  	lr =	sadd.s32 s0, s3;
	s0 =	sld [smem:$0x3FAA]  }
0x30: {  	s3 =	sld [smem:$0x3FAD]  }
0x31: {  	[smem:$0x3FB6] =	sst s10  }
0x32: {  	s10 =	sld [smem:$0x3FB4];
	_ =	sdelay $0x3  }
0x33: {  	p0 =	seq.s32 s10, $0x1;
	s10 =	sld [smem:$0x3FB6];
	_ =	sdelay $0x3  }
0x34: {  	[smem:$0x3FB6] =	sst s10  }
0x35: {  	s10 =	sld [smem:$0x3FB5];
	_ =	sdelay $0x3  }
0x36: {  	p1 =	seq.s32 s10, $0x1;
	s10 =	sld [smem:$0x3FB6];
	_ =	sdelay $0x3  }
0x37: {  	[smem:$0x3FB6] =	sst s10  }
0x38: {  	s10 =	sld [smem:$0x3FB7]  }
0x39: {  	_ = 	snop;
	(pc) =	sbr.ind lr, $3  }
0x3a: {  	_ = 	snop  }
0x3b: {  	_ = 	snop  }
0x3c: {  	p2 =	seq.s32 s10, $0x1;
	s10 =	sld [smem:$0x3FB6]  }
0x3d: {  	_ =	shalt  }
0x3e: {  	_ =	shalt  }
0x3f: {  	_ =	shalt  }
0x40: {  	_ =	shalt  }
0x41: {  	_ =	shalt  }
0x42: {  	_ =	shalt  }
0x43: {  	_ =	shalt  }
0x44: {  	_ =	shalt  }
0x45: {  	_ =	shalt  }
0x46: {  	_ =	shalt  }
0x47: {  	_ =	shalt  }
0x48: {  	_ =	shalt  }
0x49: {  	_ =	shalt  }
0x4a: {  	_ =	shalt  }
0x4b: {  	_ =	shalt  }
0x4c: {  	_ =	shalt  }
0x4d: {  	_ =	shalt  }
0x4e: {  	_ =	shalt  }
0x4f: {  	_ =	shalt  }
0x50: {  	_ =	shalt  }
0x51: {  	_ =	shalt  }
0x52: {  	_ =	shalt  }
0x53: {  	_ =	shalt  }
0x54: {  	_ =	shalt  }
0x55: {  	_ =	shalt  }
0x56: {  	_ =	shalt  }
0x57: {  	_ =	shalt  }
0x58: {  	_ =	shalt  }
0x59: {  	_ =	shalt  }
0x5a: {  	_ =	shalt  }
0x5b: {  	_ =	shalt  }
0x5c: {  	_ =	shalt  }
0x5d: {  	_ =	shalt  }
0x5e: {  	_ =	shalt  }
0x5f: {  	_ =	shalt  }
0x60: {  	_ =	shalt  }
0x61: {  	_ =	shalt  }
0x62: {  	_ =	shalt  }
0x63: {  	_ =	shalt  }
0x64: {  	_ =	shalt  }
0x65: {  	_ =	shalt  }
0x66: {  	_ =	shalt  }
0x67: {  	_ =	shalt  }
0x68: {  	_ =	shalt  }
0x69: {  	_ =	shalt  }
0x6a: {  	_ =	shalt  }
0x6b: {  	_ =	shalt  }
0x6c: {  	_ =	shalt  }
0x6d: {  	_ =	shalt  }
0x6e: {  	_ =	shalt  }
0x6f: {  	_ =	shalt  }
0x70: {  	_ =	shalt  }
0x71: {  	_ =	shalt  }
0x72: {  	_ =	shalt  }
0x73: {  	_ =	shalt  }
0x74: {  	_ =	shalt  }
0x75: {  	_ =	shalt  }
0x76: {  	_ =	shalt  }
0x77: {  	_ =	shalt  }
0x78: {  	_ =	shalt  }
0x79: {  	_ =	shalt  }
0x7a: {  	_ =	shalt  }
0x7b: {  	_ =	shalt  }
0x7c: {  	_ =	shalt  }
0x7d: {  	_ =	shalt  }
0x7e: {  	_ =	shalt  }
0x7f: {  	_ =	shalt  }
0x80: {  	_ =	shalt  }
0x81: {  	_ =	shalt  }
0x82: {  	_ =	shalt  }
0x83: {  	_ =	shalt  }
0x84: {  	_ =	shalt  }
0x85: {  	_ =	shalt  }
0x86: {  	_ =	shalt  }
0x87: {  	_ =	shalt  }
.Lfunc_end0:
.L_simem_size_0:
called_computation.2_lowered:
.L_overlay_start_0:
0x88: {  	s2 =	sld [smem:$0x3FD9]  }
0x89: {  	s3 =	sld [smem:$0x3FFE];
	_ =	sdelay $0x1  }
0x8a: {  	s1 =	srdreg.scid  }
0x8b: {  	s0 =	sand.u32 $0x1, s1  }
0x8c: {  	s17 =	sshll.u32 s0, $0xA;
	s2 =	sadd.s32 s3, s2  }
0x8d: {  	s2 =	sadd.s32 s2, s17  }
0x8e: {  	[smem:$0x3FC2] =	sst s2  }
0x8f: {  	_ = 	snop  }
0x90: {  	s2 =	sld [smem:$0x3FD0];
	(tm) =	ssettm $0x1  }
0x91: {  	s18 =	sld [smem:$0x3FFB];
	_ =	sdelay $0x3  }
0x92: {  	_ =	strace s18  }
0x93: {  	s3 =	sld [smem:$0x3FFC];
	_ =	sdelay $0x3  }
0x94: {  	_ =	strace s3  }
0x95: {  	s3 =	sld [smem:$0x3FFD];
	_ =	sdelay $0x3  }
0x96: {  	_ =	strace s3  }
0x97: {  	_ =	strace $0x8FFFFFFF  }
0x98: {  	s19 =	sld [smem:$0x3FDB];
	_ =	sdelay $0x1  }
0x99: {  	s4 =	simm.s32 $_scs_section_size  }
0x9a: {  	s5 =	simm.s32 $_size__tile_overlayer_lowered;
	s6 =	simm.s32 $_tile_overlayer_lowered  }
0x9b: {  	s22 =	simm.s32 $0x1BFF;
	s21 =	sshll.u32 s6, $0x1;
	s3 =	sadd.s32 s4, s19  }
0x9c: {  	s7 =	simm.s32 $0x0;
	s20 =	sshll.u32 s5, $0x1;
	s5 =	sadd.s32 s21, s3  }
0x9d: {  	[timem:s7], [sflag:s22] =	dma.local [hbm:s5], s20  }
0x9e: {  	_ =	swait.ge [sflag:s22], s20  }
0x9f: {  	s4 =	ssub.s32 $0x0, s20;
	[sflag:s22] =	ssyncset.done $0x0  }
0xa0: {  	[sflag:s22] =	ssyncadd.s32 s4;
	_ =	sdelay $0x1  }
0xa1: {  	s23 =	simm.s32 $0x1B8B  }
0xa2: {  	_ =	swait.ge [sflag:s23], $0x1  }
0xa3: {  	[sflag:s23] =	ssyncset.done $0x0  }
0xa4: {  	s25 =	simm.s32 $0x1B8E;
	s24 =	sld [smem:$0x3FFE];
	[sflag:s23] =	ssyncadd.s32 $0xFFFFFFFF  }
0xa5: {  	s26 =	simm.s32 $execute0_lowered;
	[smem:$0x3FD2] =	sst s25  }
0xa6: {  	s5 =	sshll.u32 s26, $0x1;
	_ =	strace $0x8000004C;
	[dreg:$0x1] =	wrdreg $0xFFFFFFFF  }
0xa7: {  	s28 =	simm.s32 $_size_execute0_lowered;
	s3 =	sadd.s32 s3, s5;
	[dreg:$0x0] =	wrdreg $0x0  }
0xa8: {  	s5 =	sshll.u32 s28, $0x1;
	[dreg:$0x2] =	wrdreg s3  }
0xa9: {  	[dreg:$0x3] =	wrdreg s5  }
0xaa: {  	[dreg:$0x4] =	wrdreg $0xC0  }
0xab: {  	_ =	task [dreg:s7], $0x5FFFF  }
0xac: {  	[dreg:$0x1] =	wrdreg $0xFFFFFFFF  }
0xad: {  	[dreg:$0x0] =	wrdreg $0x60  }
0xae: {  	[dreg:$0x2] =	wrdreg s2  }
0xaf: {  	[dreg:$0x3] =	wrdreg s24  }
0xb0: {  	[dreg:$0x4] =	wrdreg $0xE4200  }
0xb1: {  	[dreg:$0x5] =	wrdreg $0x9  }
0xb2: {  	_ =	task.clear_ibuf [dreg:s7], $0x6FFFF;
	_ =	strace $0x9000004C  }
0xb3: {  	s29 =	simm.s32 $0x9;
	_ =	strace $0x8000004E  }
0xb4: {  	_ =	swait.ge [sflag:s29], $0x1  }
0xb5: {  	[sflag:s29] =	ssyncadd.s32 $0xFFFFFFFF  }
0xb6: {  	_ =	strace $0x9000004E  }
0xb7: {  	_ =	sfence  }
0xb8: {  	s30 =	sld [smem:$0x0];
	_ =	sdelay $0x2  }
0xb9: {  	s31 =	sshll.u32 s1, $0xD;
	s1 =	sshrl.u32 s1, $0x2  }
0xba: {  	s3 =	sand.u32 $0x4000, s31;
	s1 =	sadd.s32 s1, s30  }
0xbb: {  	s0 =	sor.u32 s3, s0;
	s1 =	sshll.u32 s1, $0x11  }
0xbc: {  	s0 =	sor.u32 s1, s0  }
0xbd: {  	s0 =	sadd.s32 $0x8F2B, s0  }
0xbe: {  	[sflag:s0] =	ssyncadd.remote.s32 $0x1  }
0xbf: {  	_ =	sfence.sel $0xFFFF  }
0xc0: {  	[dreg:$0x0] =	wrdreg $0xFFFFFFFF;
	(pc) =	sbr.abs _section_cstart, $3  }
0xc1: {  	[dreg:$0x1] =	wrdreg $0xFFFFFFFF  }
0xc2: {  	_ =	task.clear_ibuf [dreg:s7], $0x2FFFF;
	_ =	strace $0x9FFFFFFF  }
0xc3: {  	(tm) =	ssettm $0x7FFFFFFF  }
tec
execute0_lowered:
.L_overlay_start_1:
0x0: {  	(tag) =	ssettag $0x1  }
0x1: {  	s1 =	rddreg [dreg:$0x0]  }
0x2: {  	s0 =	srdreg.scid;
	s2 =	rddreg [dreg:$0x1]  }
0x3: {  	s11 =	stileid.u32;
	s3 =	rddreg [dreg:$0x2];
	s15 =	simm.s32 $0xD  }
0x4: {  	s17 =	simm.s32 $0x190;
	s19 =	simm.s32 $0x1900;
	s28 =	simm.s32 $0x7D00  }
0x5: {  	s29 =	simm.s32 $0x3;
	s30 =	simm.s32 $0x7;
	s31 =	simm.s32 $0x4  }
0x6: {  	s16 =	simm.s32 $0x9;
	s18 =	simm.s32 $0xA;
	s20 =	simm.s32 $0xC  }
0x7: {  	s0 =	sand.u32 $0x1, s0;
	s4 =	sshll.u32 s11, $0x1;
	s8 =	smul.u32 $0x9C00, s11  }
0x8: {  	s7 =	sadd.s32 $0x16800, s2;
	s22 =	smul.u32 $0x2700, s11;
	s10 =	sadd.s32 $0x27000, s3  }
0x9: {  	s5 =	sor.u32 s0, s4;
	s6 =	ssub.s32 $0x2, s0;
	s0 =	smul.u32 $0x27100, s0  }
0xa: {  	p0 =	sne.s32 s11, $0xF;
	s4 =	simm.s32 $0x0;
	s5 =	smul.u32 $0x4E2, s5  }
0xb: {  	[smem:$0x7FF] =	sst s4;
	s21 =	sshrl.u32 s6, $0x1;
	s23 =	sshrl.u32 s8, $0x2  }
0xc: {  	s8 =	sadd.s32 s22, s3;
	_ =	strace $0x8000004D;
	[dreg:$0x4] =	wrdreg s7  }
0xd: {  	s6 =	ssub.s32 s6, s21;
	s24 =	sadd.s32 s23, s3;
	s25 =	sadd.s32 s22, s0  }
0xe: {  	s0 =	sshrl.u32 s0, $0x3;
	s21 =	simm.s32 $0x3200;
	s22 =	simm.s32 $0x4B00  }
0xf: {  	s23 =	simm.s32 $0x1;
	s5 =	sadd.s32 s5, s2;
	s26 =	smax.u32 s6, $0x1  }
0x10: {  	s2 =	sadd.s32 $0x20A00, s2;
	s9 =	sadd.s32 $0xCA00, s5;
	[dreg:$0xa] =	wrdreg s26  }
0x11: {  	s5 =	sadd.s32 $0x2C00, s5;
	s0 =	sadd.s32 s2, s0;
	[dreg:$0x5] =	wrdreg s9  }
.Ltmp0:
0x12: {  	[dreg:$0x6] =	wrdreg s5;
	s5 =	sadd.s32 $0x1900, s24;
	(pc) =	sbr.rel .LBB2_1-.Ltmp0, $4  }
0x13: {  	s26 =	simm.s32 $0xB;
	s0 =	sadd.s32 $0x4E00, s0;
	[dreg:$0x7] =	wrdreg s5  }
0x14: {  	s24 =	simm.s32 $0x6400;
	s5 =	sshrl.u32 s25, $0x3;
	[dreg:$0x9] =	wrdreg s0  }
0x15: {  	s25 =	simm.s32 $0x2;
	s0 =	simm.s32 $0x8;
	s2 =	sadd.s32 s2, s5  }
0x16: {  	s5 =	simm.s32 $0x0;
	[dreg:$0x8] =	wrdreg s2;
	s2 =	simm.s32 $0x6  }
.LBB2_16:
0x17: {  	_ =	swait.ge [sflag:s0], $0x1900  }
0x18: {  	[sflag:s0] =	ssyncset.done $0x0  }
0x19: {  	[sflag:s0] =	ssyncadd.s32 $0xFFFFE700  }
0x1a: {  	_ =	swait.ge [sflag:s16], $0x1900  }
0x1b: {  	[sflag:s16] =	ssyncset.done $0x0  }
0x1c: {  	[sflag:s16] =	ssyncadd.s32 $0xFFFFE700  }
0x1d: {  	_ =	swait.ge [sflag:s18], $0x1900  }
0x1e: {  	[sflag:s18] =	ssyncset.done $0x0  }
0x1f: {  	[sflag:s18] =	ssyncadd.s32 $0xFFFFE700  }
0x20: {  	_ =	swait.ge [sflag:s26], $0x1900  }
0x21: {  	[sflag:s26] =	ssyncset.done $0x0  }
0x22: {  	[sflag:s26] =	ssyncadd.s32 $0xFFFFE700  }
0x23: {  	_ =	swait.ge [sflag:s20], $0x1900  }
0x24: {  	[sflag:s20] =	ssyncset.done $0x0  }
0x25: {  	[sflag:s20] =	ssyncadd.s32 $0xFFFFE700  }
0x26: {  	_ =	swait.ge [sflag:s30], $0x1900  }
0x27: {  	[sflag:s30] =	ssyncset.done $0x0  }
0x28: {  	s6 =	stileid.u32;
	[sflag:s30] =	ssyncadd.s32 $0xFFFFE700  }
0x29: {  	s6 =	sshll.u32 s6, $0x6;
	[bflag:$0x0] =	sbarrier.arrive $0xFFFF  }
0x2a: {  	s7 =	sshrl.u32 s8, $0x3;
	s6 =	sor.u32 $0x1C0D, s6;
	s9 =	rddreg [dreg:$0x8]  }
0x2b: {  	[hbm:s9], [sflag:s6] =	dma.local [spmem:s7], $0x4E0  }
0x2c: {  	_ =	swait.ge [sflag:s15], $0x4E0  }
0x2d: {  	[sflag:s15] =	ssyncset.done $0x0  }
0x2e: {  	s7 =	sshrl.u32 @!p0 s10, $0x3;
	s9 =	rddreg [dreg:$0x9];
	[sflag:s15] =	ssyncadd.s32 $0xFFFFFB20  }
0x2f: {  	[hbm:s9], [sflag:s6] =	dma.local @!p0 [spmem:s7], $0x20  }
0x30: {  	s6 =	simm.s32 @!p0 $0xD  }
0x31: {  	_ =	swait.ge @!p0 [sflag:s6], $0x20  }
0x32: {  	s5 =	sadd.s32 $0x1, s5;
	s14 =	rddreg [dreg:$0xa]  }
0x33: {  	p1 =	sne.s32 s5, s14  }
.Ltmp1:
0x34: {  	_ = 	snop;
	(pc) =	sbr.rel @!p1 .LBB2_17-.Ltmp1, $3  }
0x35: {  	_ =	sdelay $0x1  }
0x36: {  	[sflag:s6] =	ssyncset.done @!p0 $0x0  }
0x37: {  	[sflag:s6] =	ssyncadd.s32 @!p0 $0xFFFFFFE0  }
.LBB2_1:
0x38: {  	s6 =	rddreg [dreg:$0x5];
	s7 =	simm.s32 $0x9600  }
0x39: {  	[tilespmem:s7], [sflag:$0xD] =	stream.linear.gather [hbm4b:s6+s4], $0x2710, $0x38;
	[tilespmem:$0x10B30] =	vst v63  }
0x3a: {  	_ =	swait.ge [sflag:s15], $0x2710  }
0x3b: {  	[sflag:s15] =	ssyncset.done $0x0  }
0x3c: {  	s9 =	simm.s32 $0xBD10;
	s14 =	rddreg [dreg:$0x6];
	[sflag:s15] =	ssyncadd.s32 $0xFFFFD8F0  }
0x3d: {  	[tilespmem:s9], [sflag:$0xD] =	stream.linear.gather [hbm4b:s14+s4], $0x2710, $0x38;
	[tilespmem:$0x10B30] =	vst v63  }
0x3e: {  	_ =	swait.ge [sflag:s15], $0x2710  }
0x3f: {  	[sflag:s15] =	ssyncset.done $0x0  }
0x40: {  	s11 =	rddreg [dreg:$0x4];
	[sflag:s15] =	ssyncadd.s32 $0xFFFFD8F0  }
0x41: {  	[tilespmem:s4], [sflag:$0xD] =	stream.linear.gather [hbm4b:s11+s4], $0x1900, $0x38;
	[tilespmem:$0x10B30] =	vst v63  }
0x42: {  	_ =	swait.ge [sflag:s15], $0x1900  }
0x43: {  	[sflag:s15] =	ssyncset.done $0x0  }
0x44: {  	[sflag:s15] =	ssyncadd.s32 $0xFFFFE700  }
0x45: {  	[spmem:s8] =	stream.linear.scatter [tilespmem:s4], [sflag:$0xD], $0x1900, $0x38;
	[tilespmem:$0x10B30] =	vst v63  }
0x46: {  	_ =	swait.ge [sflag:s15], $0x1900  }
0x47: {  	[sflag:s15] =	ssyncset.done $0x0  }
0x48: {  	s12 =	rddreg [dreg:$0x7];
	[sflag:s15] =	ssyncadd.s32 $0xFFFFE700  }
0x49: {  	[spmem:s12] =	stream.linear.scatter [tilespmem:s4], [sflag:$0xD], $0xE00, $0x38;
	[tilespmem:$0x10B30] =	vst v63  }
0x4a: {  	_ =	swait.ge [sflag:s15], $0xE00  }
0x4b: {  	[sflag:s15] =	ssyncset.done $0x0  }
0x4c: {  	s6 =	simm.s32 @!p0 $0x0;
	[sflag:s15] =	ssyncadd.s32 $0xFFFFF200  }
0x4d: {  	[spmem:s10] =	stream.linear.scatter @!p0 [tilespmem:s6], [sflag:$0xD], $0x100, $0x38;
	[tilespmem:$0x10B30] =	vst v63  }
0x4e: {  	s6 =	simm.s32 @!p0 $0xD  }
0x4f: {  	_ =	swait.ge @!p0 [sflag:s6], $0x100  }
0x50: {  	[sflag:s6] =	ssyncset.done @!p0 $0x0  }
0x51: {  	[sflag:s6] =	ssyncadd.s32 @!p0 $0xFFFFFF00  }
0x52: {  	[bflag:$0x0] =	sbarrier.arrive $0xFFFF  }
0x53: {  	[tilespmem:s4], [sflag:$0x1] =	stream.indirect.gather [hbm4b:s1+s17], $0x10, s7, s17, $0xb8;
	[tilespmem:$0x10B30] =	vst v63  }
.Ltmp2:
0x54: {  	_ = 	snop;
	(pc) =	sbr.rel .LBB2_2-.Ltmp2, $4  }
0x55: {  	s13 =	simm.s32 $0x9790;
	s14 =	simm.s32 $0x9920  }
0x56: {  	[tilespmem:s19], [sflag:$0x2] =	stream.indirect.gather [hbm4b:s1+s17], $0x10, s13, s17, $0xb8;
	[tilespmem:$0x10B30] =	vst v63  }
0x57: {  	s9 =	simm.s32 $0x0;
	s6 =	simm.s32 $0x0;
	s7 =	simm.s32 $0x1  }
0x58: {  	[tilespmem:s21], [sflag:$0x3] =	stream.indirect.gather [hbm4b:s1+s17], $0x10, s14, s17, $0xb8;
	[tilespmem:$0x10B30] =	vst v63  }
.LBB2_15:
0x59: {  	s14 =	sadd.s32 $0x9DD0, s11  }
0x5a: {  	[tilespmem:s28], [sflag:$0x6] =	stream.indirect.gather [hbm4b:s1+s17], $0x10, s14, s17, $0xb8;
	[tilespmem:$0x10B30] =	vst v63  }
0x5b: {  	_ =	swait.ge [sflag:s29], $0x1900  }
0x5c: {  	[sflag:s29] =	ssyncset.done $0x0  }
0x5d: {  	s13 =	sadd.s32 $0xC030, s11;
	[sflag:s29] =	ssyncadd.s32 $0xFFFFE700  }
0x5e: {  	[spmem:s3] =	stream.indirect.scatter.add.f32 [tilespmem:s21], [sflag:$0x9], $0x10, s13, s17, $0xb8;
	[tilespmem:$0x10B30] =	vst v63  }
0x5f: {  	_ =	swait.ge [sflag:s30], $0x1900  }
0x60: {  	[sflag:s30] =	ssyncset.done $0x0  }
0x61: {  	s12 =	sadd.s32 $0x9F60, s11;
	[sflag:s30] =	ssyncadd.s32 $0xFFFFE700  }
0x62: {  	[tilespmem:s4], [sflag:$0x1] =	stream.indirect.gather [hbm4b:s1+s17], $0x10, s12, s17, $0xb8;
	[tilespmem:$0x10B30] =	vst v63  }
0x63: {  	_ =	swait.ge [sflag:s31], $0x1900  }
0x64: {  	p1 =	sgt.u32 s9, $0x2;
	[sflag:s31] =	ssyncset.done $0x0  }
0x65: {  	s14 =	simm.s32 @p1 $0x5;
	s13 =	sadd.s32 $0xC1C0, s11;
	[sflag:s31] =	ssyncadd.s32 $0xFFFFE700  }
0x66: {  	[spmem:s3] =	stream.indirect.scatter.add.f32 [tilespmem:s22], [sflag:$0xA], $0x10, s13, s17, $0xb8;
	[tilespmem:$0x10B30] =	vst v63  }
0x67: {  	_ =	swait.ge @p1 [sflag:s14], $0x1900  }
0x68: {  	s12 =	simm.s32 @p1 $0x190;
	[sflag:s14] =	ssyncset.done @p1 $0x0  }
0x69: {  	s13 =	simm.s32 @p1 $0x6400;
	[sflag:s14] =	ssyncadd.s32 @p1 $0xFFFFE700;
	s14 =	sadd.s32 @p1 $0xC350, s11  }
0x6a: {  	[spmem:s3] =	stream.indirect.scatter.add.f32 @p1 [tilespmem:s13], [sflag:$0xB], $0x10, s14, s12, $0xb8;
	[tilespmem:$0x10B30] =	vst v63  }
0x6b: {  	s12 =	simm.s32 @!p1 $0x8  }
0x6c: {  	_ =	swait.ge @!p1 [sflag:s12], $0x1900  }
0x6d: {  	s13 =	simm.s32 @!p1 $0x190;
	[sflag:s12] =	ssyncset.done @!p1 $0x0  }
0x6e: {  	s14 =	simm.s32 @!p1 $0x1900;
	[sflag:s12] =	ssyncadd.s32 @!p1 $0xFFFFE700;
	s12 =	sadd.s32 @!p1 $0xA0F0, s11  }
0x6f: {  	[tilespmem:s14], [sflag:$0x2] =	stream.indirect.gather @!p1 [hbm4b:s1+s13], $0x10, s12, s13, $0xb8;
	[tilespmem:$0x10B30] =	vst v63  }
0x70: {  	s12 =	simm.s32 @!p1 $0x5  }
0x71: {  	_ =	swait.ge @!p1 [sflag:s12], $0x1900  }
0x72: {  	[sflag:s12] =	ssyncset.done @!p1 $0x0  }
0x73: {  	s14 =	simm.s32 @!p1 $0x6400;
	[sflag:s12] =	ssyncadd.s32 @!p1 $0xFFFFE700;
	s12 =	sadd.s32 @!p1 $0xC350, s11  }
0x74: {  	[spmem:s3] =	stream.indirect.scatter.add.f32 @!p1 [tilespmem:s14], [sflag:$0xB], $0x10, s12, s13, $0xb8;
	[tilespmem:$0x10B30] =	vst v63  }
0x75: {  	s12 =	simm.s32 @!p1 $0x9  }
0x76: {  	_ =	swait.ge @!p1 [sflag:s12], $0x1900  }
0x77: {  	s7 =	sadd.s32 $0x6, s7;
	[sflag:s12] =	ssyncset.done @!p1 $0x0  }
0x78: {  	s14 =	simm.s32 @!p1 $0x3200;
	[sflag:s12] =	ssyncadd.s32 @!p1 $0xFFFFE700;
	s12 =	sadd.s32 @!p1 $0xA280, s11  }
0x79: {  	[tilespmem:s14], [sflag:$0x3] =	stream.indirect.gather @!p1 [hbm4b:s1+s13], $0x10, s12, s13, $0xb8;
	[tilespmem:$0x10B30] =	vst v63  }
0x7a: {  	p1 =	sne.s32 s7, $0x1F  }
.Ltmp3:
0x7b: {  	_ = 	snop;
	(pc) =	sbr.rel @!p1 .LBB2_16-.Ltmp3, $4  }
0x7c: {  	_ =	swait.ge [sflag:s2], $0x1900  }
0x7d: {  	s9 =	sadd.s32 $0x1, s9;
	[sflag:s2] =	ssyncset.done $0x0  }
0x7e: {  	s6 =	sadd.s32 $0x2580, s6;
	s14 =	sadd.s32 $0xC4E0, s11;
	[sflag:s2] =	ssyncadd.s32 $0xFFFFE700  }
0x7f: {  	[spmem:s3] =	stream.indirect.scatter.add.f32 [tilespmem:s28], [sflag:$0xC], $0x10, s14, s17, $0xb8;
	[tilespmem:$0x10B30] =	vst v63  }
.LBB2_2:
0x80: {  	p1 =	seq.s32 s9, $0x0  }
.Ltmp4:
0x81: {  	_ = 	snop;
	(pc) =	sbr.rel @p1 .LBB2_5-.Ltmp4, $1  }
0x82: {  	_ =	sdelay $0x3  }
0x83: {  	p2 =	seq.s32 s9, $0x4  }
.Ltmp5:
0x84: {  	_ = 	snop;
	(pc) =	sbr.rel @p2 .LBB2_6-.Ltmp5, $2  }
0x85: {  	_ =	sdelay $0x2  }
0x86: {  	s11 =	simm.s32 $0x9600  }
0x87: {  	_ =	swait.ge [sflag:s18], $0x1900  }
0x88: {  	[sflag:s18] =	ssyncset.done $0x0  }
0x89: {  	[sflag:s18] =	ssyncadd.s32 $0xFFFFE700  }
.LBB2_5:
0x8a: {  	s11 =	sshra.s32 s6, $0x2  }
0x8b: {  	s11 =	sadd.s32 $0x9AB0, s11  }
0x8c: {  	[tilespmem:s22], [sflag:$0x4] =	stream.indirect.gather [hbm4b:s1+s17], $0x10, s11, s17, $0xb8;
	[tilespmem:$0x10B30] =	vst v63  }
0x8d: {  	s11 =	smov.u32 s6  }
.LBB2_6:
0x8e: {  	p2 =	sgt.u32 s7, $0x18  }
.Ltmp6:
0x8f: {  	_ = 	snop;
	(pc) =	sbr.rel @p2 .LBB2_12-.Ltmp6, $4  }
0x90: {  	_ =	swait.ge [sflag:s23], $0x1900  }
0x91: {  	s11 =	sshra.s32 s11, $0x2;
	[sflag:s23] =	ssyncset.done $0x0  }
0x92: {  	s14 =	sadd.s32 $0xBD10, s11;
	[sflag:s23] =	ssyncadd.s32 $0xFFFFE700  }
0x93: {  	[spmem:s3] =	stream.indirect.scatter.add.f32 [tilespmem:s4], [sflag:$0x7], $0x10, s14, s17, $0xb8;
	[tilespmem:$0x10B30] =	vst v63  }
.Ltmp7:
0x94: {  	(pc) =	sbr.rel @p1 .LBB2_10-.Ltmp7, $1  }
0x95: {  	_ =	sdelay $0x3  }
0x96: {  	p2 =	seq.s32 s9, $0x4  }
.Ltmp8:
0x97: {  	_ = 	snop;
	(pc) =	sbr.rel @p2 .LBB2_11-.Ltmp8, $1  }
0x98: {  	_ =	sdelay $0x3  }
0x99: {  	_ =	swait.ge [sflag:s26], $0x1900  }
0x9a: {  	[sflag:s26] =	ssyncset.done $0x0  }
0x9b: {  	[sflag:s26] =	ssyncadd.s32 $0xFFFFE700  }
.LBB2_10:
0x9c: {  	s14 =	sadd.s32 $0x9C40, s11  }
0x9d: {  	[tilespmem:s24], [sflag:$0x5] =	stream.indirect.gather [hbm4b:s1+s17], $0x10, s14, s17, $0xb8;
	[tilespmem:$0x10B30] =	vst v63  }
.LBB2_11:
0x9e: {  	_ =	swait.ge [sflag:s25], $0x1900  }
0x9f: {  	s14 =	sshra.s32 s6, $0x2;
	[sflag:s25] =	ssyncset.done $0x0  }
0xa0: {  	s14 =	sadd.s32 $0xBEA0, s14;
	[sflag:s25] =	ssyncadd.s32 $0xFFFFE700  }
0xa1: {  	[spmem:s3] =	stream.indirect.scatter.add.f32 [tilespmem:s19], [sflag:$0x8], $0x10, s14, s17, $0xb8;
	[tilespmem:$0x10B30] =	vst v63  }
.LBB2_12:
.Ltmp9:
0xa2: {  	(pc) =	sbr.rel @p1 .LBB2_15-.Ltmp9, $1  }
0xa3: {  	_ =	sdelay $0x3  }
0xa4: {  	p1 =	seq.s32 s9, $0x4  }
.Ltmp10:
0xa5: {  	_ = 	snop;
	(pc) =	sbr.rel @p1 .LBB2_16-.Ltmp10, $1  }
0xa6: {  	_ =	sdelay $0x3  }
.Ltmp11:
0xa7: {  	(pc) =	sbr.rel .LBB2_15-.Ltmp11, $4  }
0xa8: {  	_ = 	snop  }
0xa9: {  	_ =	swait.ge [sflag:s20], $0x1900  }
0xaa: {  	[sflag:s20] =	ssyncset.done $0x0  }
0xab: {  	[sflag:s20] =	ssyncadd.s32 $0xFFFFE700  }
.LBB2_17:
0xac: {  	_ =	sfence.sel $0x180000  }
0xad: {  	[bflag:$0x0] =	sbarrier.arrive $0xFFFF  }
0xae: {  	_ =	strace $0x9000004D  }
0xaf: {  	s0 =	stileid.u32;
	[bflag:$0x2] =	sbarrier.arrive $0xFFFF  }
0xb0: {  	p0 =	sne.s32 s0, $0x0;
	s0 =	rddreg [dreg:$0x3]  }
0xb1: {  	s0 =	sadd.s32 @!p0 $0x100000, s0  }
0xb2: {  	[sflag:s0] =	ssyncadd.tile.s32 @!p0 $0x1;
	_ =	shalt  }
.Lfunc_end2:
_tile_overlayer_lowered:
.L_overlay_start_2:
0xb3: {  	(tag) =	ssettag $0x2  }
0xb4: {  	s0 =	rddreg [dreg:$0x0];
	s2 =	stileid.u32  }
0xb5: {  	s1 =	rddreg [dreg:$0x1];
	p0 =	sne.s32 s2, $0x0  }
0xb6: {  	s3 =	rddreg [dreg:$0x2];
	[bflag:$0x3] =	sbarrier.arrive $0xFFFF;
	s2 =	simm.s32 @!p0 $0x1C0D  }
0xb7: {  	[timem:s3], [sflag:s2] =	dma.local @!p0 [hbm:s0], s1  }
0xb8: {  	s0 =	simm.s32 @!p0 $0xD  }
0xb9: {  	_ =	swait.ge @!p0 [sflag:s0], s1  }
0xba: {  	s1 =	ssub.s32 @!p0 $0x0, s1;
	[sflag:s0] =	ssyncset.done @!p0 $0x0  }
0xbb: {  	[sflag:s0] =	ssyncadd.s32 @!p0 s1  }
0xbc: {  	[bflag:$0x3] =	sbarrier.arrive $0xFFFF  }
0xbd: {  	_ =	shalt  }

// kernel: kernel.9.cloned.1.call-start
scs
__scs_entry_jumppad:
0x0: {  	(pc) =	sbr.rel $0x88, $3  }
0x1: {  	(tag) =	ssettag $0x0;
	lr =	simm.s32 $0x1  }
0x2: {  	[smem:$0x3F9B] =	sst lr;
	_ =	strace $0xD0000000  }
0x3: {  	_ = 	snop  }
0x4: {  	_ = 	snop  }
0x5: {  	_ = 	snop  }
0x6: {  	_ = 	snop  }
0x7: {  	_ = 	snop  }
__scs_overlays_trampoline_lowered:
0x8: {  	[smem:$0x3FAA] =	sst s0  }
0x9: {  	[smem:$0x3FAB] =	sst s1  }
0xa: {  	[smem:$0x3FAC] =	sst s2  }
0xb: {  	[smem:$0x3FAD] =	sst s3  }
0xc: {  	[smem:$0x3FAE] =	sst s4  }
0xd: {  	[smem:$0x3FAF] =	sst s5  }
0xe: {  	[smem:$0x3FB0] =	sst s6  }
0xf: {  	[smem:$0x3FB1] =	sst s7  }
0x10: {  	[smem:$0x3FB2] =	sst s8  }
0x11: {  	[smem:$0x3FB3] =	sst s9;
	s0 =	simm.s32 @!p0 $0x0  }
0x12: {  	s1 =	sld [smem:$0x3F99];
	s0 =	simm.s32 @p0 $0x1  }
0x13: {  	[smem:$0x3FB4] =	sst s0;
	s0 =	simm.s32 @!p1 $0x0  }
0x14: {  	s2 =	sld [smem:$0x3F98];
	s0 =	simm.s32 @p1 $0x1  }
0x15: {  	[smem:$0x3FB5] =	sst s0;
	s0 =	simm.s32 @!p2 $0x0  }
0x16: {  	s3 =	sld [smem:$0x3FDB];
	s0 =	simm.s32 @p2 $0x1  }
0x17: {  	s4 =	simm.s32 $0x1BF5;
	[smem:$0x3FB7] =	sst s0  }
0x18: {  	s0 =	sld [smem:$0x3F9A];
	_ =	swait.ge [sflag:s4], $0x0  }
0x19: {  	s7 =	sld [smem:$0x3F9B]  }
0x1a: {  	s8 =	sadd.s32 $0xFFFFE003, lr  }
0x1b: {  	s9 =	sadd.s32 $0xFFFFFEF7, lr;
	s5 =	simm.s32 $0xFFFFFFFF;
	p2 =	slt.u32 s8, $0xFFFFF086  }
0x1c: {  	p1 =	slt.u32 s9, $0xF7A;
	s5 =	simm.s32 @!p2 $0x0  }
0x1d: {  	s5 =	simm.s32 @p1 $0x1;
	p0 =	seq.s32 s7, s2  }
0x1e: {  	s7 =	smul.u32 @!p0 $0xF7A, s2;
	p2 =	seq.s32 @!p0 s5, $0x0  }
0x1f: {  	s9 =	smul.u32 $0xF7A, s1;
	s8 =	simm.s32 @!p0 $0x1BF5;
	p2 =	por !p2, p0  }
0x20: {  	[sflag:s8] =	ssyncset.s32 @!p0 $0xFFFFF086;
	s6 =	sadd.s32 @!p0 s3, s7;
	s7 =	simm.s32 @!p0 $0x108  }
0x21: {  	s3 =	sadd.s32 s3, s9;
	s6 =	sadd.s32 @!p0 $0x88, s6;
	s7 =	simm.s32 @p2 $0x1082  }
0x22: {  	[simem:s7], [sflag:s8] =	dma.local @!p0 [hbm:s6], $0xF7A  }
0x23: {  	s9 =	sor.u32 $0xD0000000, s2;
	s6 =	simm.s32 $0x108;
	_ =	swait.ge @!p0 [sflag:s8], $0x0  }
0x24: {  	s3 =	sadd.s32 $0x88, s3;
	s6 =	simm.s32 @!p1 $0x1082;
	[sflag:s4] =	ssyncset.s32 $0xFFFFF086  }
0x25: {  	[simem:s6], [sflag:s4] =	dma.local [hbm:s3], $0xF7A  }
0x26: {  	[smem:$0x3F9B] =	sst s1;
	(tag) =	ssettag s2;
	_ =	strace s9  }
0x27: {  	s1 =	sld [smem:$0x3FAB]  }
0x28: {  	s2 =	sld [smem:$0x3FAC]  }
0x29: {  	s4 =	sld [smem:$0x3FAE]  }
0x2a: {  	p0 =	seq.s32 s5, $0x0;
	s5 =	sld [smem:$0x3FAF]  }
0x2b: {  	s6 =	sld [smem:$0x3FB0]  }
0x2c: {  	s7 =	sld [smem:$0x3FB1]  }
0x2d: {  	s3 =	simm.s32 $0x108;
	s8 =	sld [smem:$0x3FB2]  }
0x2e: {  	s3 =	simm.s32 @!p0 $0x1082;
	s9 =	sld [smem:$0x3FB3]  }
0x2f: {  	lr =	sadd.s32 s0, s3;
	s0 =	sld [smem:$0x3FAA]  }
0x30: {  	s3 =	sld [smem:$0x3FAD]  }
0x31: {  	[smem:$0x3FB6] =	sst s10  }
0x32: {  	s10 =	sld [smem:$0x3FB4];
	_ =	sdelay $0x3  }
0x33: {  	p0 =	seq.s32 s10, $0x1;
	s10 =	sld [smem:$0x3FB6];
	_ =	sdelay $0x3  }
0x34: {  	[smem:$0x3FB6] =	sst s10  }
0x35: {  	s10 =	sld [smem:$0x3FB5];
	_ =	sdelay $0x3  }
0x36: {  	p1 =	seq.s32 s10, $0x1;
	s10 =	sld [smem:$0x3FB6];
	_ =	sdelay $0x3  }
0x37: {  	[smem:$0x3FB6] =	sst s10  }
0x38: {  	s10 =	sld [smem:$0x3FB7]  }
0x39: {  	_ = 	snop;
	(pc) =	sbr.ind lr, $3  }
0x3a: {  	_ = 	snop  }
0x3b: {  	_ = 	snop  }
0x3c: {  	p2 =	seq.s32 s10, $0x1;
	s10 =	sld [smem:$0x3FB6]  }
0x3d: {  	_ =	shalt  }
0x3e: {  	_ =	shalt  }
0x3f: {  	_ =	shalt  }
0x40: {  	_ =	shalt  }
0x41: {  	_ =	shalt  }
0x42: {  	_ =	shalt  }
0x43: {  	_ =	shalt  }
0x44: {  	_ =	shalt  }
0x45: {  	_ =	shalt  }
0x46: {  	_ =	shalt  }
0x47: {  	_ =	shalt  }
0x48: {  	_ =	shalt  }
0x49: {  	_ =	shalt  }
0x4a: {  	_ =	shalt  }
0x4b: {  	_ =	shalt  }
0x4c: {  	_ =	shalt  }
0x4d: {  	_ =	shalt  }
0x4e: {  	_ =	shalt  }
0x4f: {  	_ =	shalt  }
0x50: {  	_ =	shalt  }
0x51: {  	_ =	shalt  }
0x52: {  	_ =	shalt  }
0x53: {  	_ =	shalt  }
0x54: {  	_ =	shalt  }
0x55: {  	_ =	shalt  }
0x56: {  	_ =	shalt  }
0x57: {  	_ =	shalt  }
0x58: {  	_ =	shalt  }
0x59: {  	_ =	shalt  }
0x5a: {  	_ =	shalt  }
0x5b: {  	_ =	shalt  }
0x5c: {  	_ =	shalt  }
0x5d: {  	_ =	shalt  }
0x5e: {  	_ =	shalt  }
0x5f: {  	_ =	shalt  }
0x60: {  	_ =	shalt  }
0x61: {  	_ =	shalt  }
0x62: {  	_ =	shalt  }
0x63: {  	_ =	shalt  }
0x64: {  	_ =	shalt  }
0x65: {  	_ =	shalt  }
0x66: {  	_ =	shalt  }
0x67: {  	_ =	shalt  }
0x68: {  	_ =	shalt  }
0x69: {  	_ =	shalt  }
0x6a: {  	_ =	shalt  }
0x6b: {  	_ =	shalt  }
0x6c: {  	_ =	shalt  }
0x6d: {  	_ =	shalt  }
0x6e: {  	_ =	shalt  }
0x6f: {  	_ =	shalt  }
0x70: {  	_ =	shalt  }
0x71: {  	_ =	shalt  }
0x72: {  	_ =	shalt  }
0x73: {  	_ =	shalt  }
0x74: {  	_ =	shalt  }
0x75: {  	_ =	shalt  }
0x76: {  	_ =	shalt  }
0x77: {  	_ =	shalt  }
0x78: {  	_ =	shalt  }
0x79: {  	_ =	shalt  }
0x7a: {  	_ =	shalt  }
0x7b: {  	_ =	shalt  }
0x7c: {  	_ =	shalt  }
0x7d: {  	_ =	shalt  }
0x7e: {  	_ =	shalt  }
0x7f: {  	_ =	shalt  }
0x80: {  	_ =	shalt  }
0x81: {  	_ =	shalt  }
0x82: {  	_ =	shalt  }
0x83: {  	_ =	shalt  }
0x84: {  	_ =	shalt  }
0x85: {  	_ =	shalt  }
0x86: {  	_ =	shalt  }
0x87: {  	_ =	shalt  }
.Lfunc_end0:
.L_simem_size_0:
called_computation_lowered:
.L_overlay_start_0:
0x88: {  	s2 =	sld [smem:$0x3FD9]  }
0x89: {  	s3 =	sld [smem:$0x3FFE];
	_ =	sdelay $0x1  }
0x8a: {  	s1 =	srdreg.scid  }
0x8b: {  	s0 =	sand.u32 $0x1, s1  }
0x8c: {  	s17 =	sshll.u32 s0, $0xA;
	s2 =	sadd.s32 s3, s2  }
0x8d: {  	s2 =	sadd.s32 s2, s17  }
0x8e: {  	[smem:$0x3FC2] =	sst s2  }
0x8f: {  	_ = 	snop  }
0x90: {  	s2 =	sld [smem:$0x3FD0];
	(tm) =	ssettm $0x1  }
0x91: {  	s18 =	sld [smem:$0x3FFB];
	_ =	sdelay $0x3  }
0x92: {  	_ =	strace s18  }
0x93: {  	s3 =	sld [smem:$0x3FFC];
	_ =	sdelay $0x3  }
0x94: {  	_ =	strace s3  }
0x95: {  	s3 =	sld [smem:$0x3FFD];
	_ =	sdelay $0x3  }
0x96: {  	_ =	strace s3  }
0x97: {  	_ =	strace $0x8FFFFFFF  }
0x98: {  	s19 =	sld [smem:$0x3FDB];
	_ =	sdelay $0x1  }
0x99: {  	s4 =	simm.s32 $_scs_section_size  }
0x9a: {  	s5 =	simm.s32 $_size__tile_overlayer_lowered;
	s6 =	simm.s32 $_tile_overlayer_lowered  }
0x9b: {  	s22 =	simm.s32 $0x1BFF;
	s21 =	sshll.u32 s6, $0x1;
	s3 =	sadd.s32 s4, s19  }
0x9c: {  	s7 =	simm.s32 $0x0;
	s20 =	sshll.u32 s5, $0x1;
	s5 =	sadd.s32 s21, s3  }
0x9d: {  	[timem:s7], [sflag:s22] =	dma.local [hbm:s5], s20  }
0x9e: {  	_ =	swait.ge [sflag:s22], s20  }
0x9f: {  	s4 =	ssub.s32 $0x0, s20;
	[sflag:s22] =	ssyncset.done $0x0  }
0xa0: {  	[sflag:s22] =	ssyncadd.s32 s4;
	_ =	sdelay $0x1  }
0xa1: {  	s23 =	simm.s32 $0x1B8B  }
0xa2: {  	_ =	swait.ge [sflag:s23], $0x1  }
0xa3: {  	[sflag:s23] =	ssyncset.done $0x0  }
0xa4: {  	s25 =	simm.s32 $0x1B8E;
	s24 =	sld [smem:$0x3FFE];
	[sflag:s23] =	ssyncadd.s32 $0xFFFFFFFF  }
0xa5: {  	s26 =	simm.s32 $execute0_lowered;
	[smem:$0x3FD2] =	sst s25  }
0xa6: {  	s5 =	sshll.u32 s26, $0x1;
	_ =	strace $0x80000046;
	[dreg:$0x1] =	wrdreg $0xFFFFFFFF  }
0xa7: {  	s28 =	simm.s32 $_size_execute0_lowered;
	s3 =	sadd.s32 s3, s5;
	[dreg:$0x0] =	wrdreg $0x0  }
0xa8: {  	s5 =	sshll.u32 s28, $0x1;
	[dreg:$0x2] =	wrdreg s3  }
0xa9: {  	[dreg:$0x3] =	wrdreg s5  }
0xaa: {  	[dreg:$0x4] =	wrdreg $0xC0  }
0xab: {  	_ =	task [dreg:s7], $0x5FFFF  }
0xac: {  	[dreg:$0x1] =	wrdreg $0xFFFFFFFF  }
0xad: {  	[dreg:$0x0] =	wrdreg $0x60  }
0xae: {  	[dreg:$0x2] =	wrdreg s2  }
0xaf: {  	[dreg:$0x3] =	wrdreg s24  }
0xb0: {  	[dreg:$0x4] =	wrdreg $0x40100  }
0xb1: {  	[dreg:$0x5] =	wrdreg $0x9  }
0xb2: {  	_ =	task.clear_ibuf [dreg:s7], $0x6FFFF;
	_ =	strace $0x90000046  }
0xb3: {  	s29 =	simm.s32 $0x9;
	_ =	strace $0x80000048  }
0xb4: {  	_ =	swait.ge [sflag:s29], $0x1  }
0xb5: {  	[sflag:s29] =	ssyncadd.s32 $0xFFFFFFFF  }
0xb6: {  	_ =	strace $0x90000048  }
0xb7: {  	_ =	sfence  }
0xb8: {  	s30 =	sld [smem:$0x0];
	_ =	sdelay $0x2  }
0xb9: {  	s31 =	sshll.u32 s1, $0xD;
	s1 =	sshrl.u32 s1, $0x2  }
0xba: {  	s3 =	sand.u32 $0x4000, s31;
	s1 =	sadd.s32 s1, s30  }
0xbb: {  	s0 =	sor.u32 s3, s0;
	s1 =	sshll.u32 s1, $0x11  }
0xbc: {  	s0 =	sor.u32 s1, s0  }
0xbd: {  	s0 =	sadd.s32 $0x8F2B, s0  }
0xbe: {  	[sflag:s0] =	ssyncadd.remote.s32 $0x1  }
0xbf: {  	_ =	sfence.sel $0xFFFF  }
0xc0: {  	[dreg:$0x0] =	wrdreg $0xFFFFFFFF;
	(pc) =	sbr.abs _section_cstart, $3  }
0xc1: {  	[dreg:$0x1] =	wrdreg $0xFFFFFFFF  }
0xc2: {  	_ =	task.clear_ibuf [dreg:s7], $0x2FFFF;
	_ =	strace $0x9FFFFFFF  }
0xc3: {  	(tm) =	ssettm $0x7FFFFFFF  }
tec
execute0_lowered:
.L_overlay_start_1:
0x0: {  	(tag) =	ssettag $0x1  }
0x1: {  	s0 =	rddreg [dreg:$0x0]  }
0x2: {  	s1 =	rddreg [dreg:$0x1]  }
0x3: {  	s3 =	srdreg.scid;
	s2 =	rddreg [dreg:$0x2]  }
0x4: {  	s30 =	stileid.u32;
	s28 =	rddreg [dreg:$0x3];
	s14 =	simm.s32 $0x1A90  }
0x5: {  	[dreg:$0x4] =	wrdreg s0;
	s4 =	sand.u32 $0x1, s3;
	s3 =	simm.s32 $0x0  }
0x6: {  	s15 =	simm.s32 $0x1C20;
	s7 =	sadd.s32 $0x16800, s1;
	[smem:$0x7FF] =	sst s3  }
0x7: {  	s16 =	simm.s32 $0x1DB0;
	_ =	strace $0x80000047;
	[dreg:$0x5] =	wrdreg s7  }
0x8: {  	s17 =	simm.s32 $0x1F40;
	s18 =	simm.s32 $0x20D0;
	[dreg:$0xa] =	wrdreg s14  }
0x9: {  	s24 =	simm.s32 $0x1900;
	s19 =	simm.s32 $0x2260;
	[dreg:$0xb] =	wrdreg s15  }
0xa: {  	s20 =	simm.s32 $0x23F0;
	s21 =	simm.s32 $0x2580;
	[dreg:$0xc] =	wrdreg s16  }
0xb: {  	s22 =	simm.s32 $0x2710;
	s23 =	simm.s32 $0x28A0;
	[dreg:$0xd] =	wrdreg s17  }
0xc: {  	s26 =	simm.s32 $0x2A30;
	s29 =	simm.s32 $0x2BC0;
	[dreg:$0xe] =	wrdreg s18  }
0xd: {  	p1 =	por $0x0, $0x0;
	s6 =	smul.u32 $0x2700, s30;
	[dreg:$0xf] =	wrdreg s19  }
0xe: {  	s5 =	sshll.u32 s30, $0x1;
	s8 =	smul.u32 $0x9C00, s30;
	[dreg:$0x10] =	wrdreg s20  }
0xf: {  	s25 =	sadd.s32 $0x27000, s2;
	p0 =	sne.s32 s30, $0xF;
	[dreg:$0x11] =	wrdreg s21  }
0x10: {  	s5 =	sor.u32 s4, s5;
	s0 =	smul.u32 $0x27100, s4;
	[dreg:$0x12] =	wrdreg s22  }
0x11: {  	s4 =	ssub.s32 $0x2, s4;
	s5 =	smul.u32 $0x4E2, s5;
	[dreg:$0x13] =	wrdreg s23  }
0x12: {  	s8 =	sshrl.u32 s8, $0x2;
	s12 =	sshrl.u32 s4, $0x1;
	[dreg:$0x14] =	wrdreg s26  }
0x13: {  	[dreg:$0x15] =	wrdreg s29;
	s23 =	simm.s32 $0x2D50;
	s22 =	simm.s32 $0x2EE0  }
0x14: {  	s21 =	simm.s32 $0x3070;
	s20 =	simm.s32 $0x3200;
	s19 =	simm.s32 $0x3390  }
0x15: {  	s18 =	simm.s32 $0x3520;
	s17 =	simm.s32 $0x36B0;
	s16 =	simm.s32 $0x3840  }
0x16: {  	s15 =	simm.s32 $0x39D0;
	s9 =	sadd.s32 s8, s2;
	s10 =	sadd.s32 s6, s0  }
0x17: {  	s5 =	sadd.s32 s5, s1;
	s1 =	sadd.s32 $0x16C00, s1;
	s8 =	sshrl.u32 s10, $0x3  }
0x18: {  	s14 =	simm.s32 $0x3B60;
	s13 =	ssub.s32 s4, s12;
	s11 =	sadd.s32 s1, s8  }
0x19: {  	s7 =	sshrl.u32 s0, $0x3;
	[dreg:$0x8] =	wrdreg s11;
	s11 =	smax.u32 s13, $0x1  }
0x1a: {  	s4 =	sadd.s32 s6, s2;
	s6 =	simm.s32 $0x1;
	s31 =	sadd.s32 $0xFFFFFFFF, s11  }
0x1b: {  	s12 =	simm.s32 $0x3E80;
	s10 =	simm.s32 $0x4;
	p2 =	sne.s32 s31, $0x0  }
.Ltmp0:
0x1c: {  	s5 =	sadd.s32 $0x2C00, s5;
	s1 =	sadd.s32 s1, s7;
	(pc) =	sbr.rel @!p2 .LBB2_1-.Ltmp0, $4  }
0x1d: {  	s7 =	simm.s32 $0x190;
	[dreg:$0x6] =	wrdreg s5;
	s5 =	sadd.s32 $0x1900, s9  }
0x1e: {  	s8 =	simm.s32 $0x2;
	s1 =	sadd.s32 $0x4E00, s1;
	[dreg:$0x7] =	wrdreg s5  }
0x1f: {  	s9 =	simm.s32 $0x3;
	s13 =	simm.s32 $0x3CF0;
	[dreg:$0x9] =	wrdreg s1  }
0x20: {  	s5 =	simm.s32 $0x5;
	s1 =	rddreg [dreg:$0x6];
	s11 =	sshrl.u32 @!p0 s25, $0x3  }
0x21: {  	[tilespmem:s24], [sflag:$0x5] =	stream.linear.gather [hbm4b:s1+s3], $0x2710, $0x38;
	[tilespmem:$0x6720] =	vst v63  }
0x22: {  	_ =	swait.ge [sflag:s5], $0x2710  }
0x23: {  	[sflag:s5] =	ssyncset.done $0x0  }
0x24: {  	s0 =	rddreg [dreg:$0x5];
	[sflag:s5] =	ssyncadd.s32 $0xFFFFD8F0  }
0x25: {  	[tilespmem:s3], [sflag:$0x5] =	stream.linear.gather [hbm4b:s0+s3], $0x1900, $0x38;
	[tilespmem:$0x6720] =	vst v63  }
0x26: {  	_ =	swait.ge [sflag:s5], $0x1900  }
0x27: {  	[sflag:s5] =	ssyncset.done $0x0  }
0x28: {  	[sflag:s5] =	ssyncadd.s32 $0xFFFFE700  }
0x29: {  	[spmem:s4] =	stream.linear.scatter [tilespmem:s3], [sflag:$0x5], $0x1900, $0x38;
	[tilespmem:$0x6720] =	vst v63  }
0x2a: {  	_ =	swait.ge [sflag:s5], $0x1900  }
0x2b: {  	[sflag:s5] =	ssyncset.done $0x0  }
0x2c: {  	s26 =	rddreg [dreg:$0x7];
	[sflag:s5] =	ssyncadd.s32 $0xFFFFE700  }
0x2d: {  	[spmem:s26] =	stream.linear.scatter [tilespmem:s3], [sflag:$0x5], $0xE00, $0x38;
	[tilespmem:$0x6720] =	vst v63  }
0x2e: {  	_ =	swait.ge [sflag:s5], $0xE00  }
0x2f: {  	[sflag:s5] =	ssyncset.done $0x0  }
0x30: {  	s28 =	simm.s32 @!p0 $0x0;
	s26 =	simm.s32 @!p0 $0x5;
	[sflag:s5] =	ssyncadd.s32 $0xFFFFF200  }
0x31: {  	[spmem:s25] =	stream.linear.scatter @!p0 [tilespmem:s28], [sflag:$0x5], $0x100, $0x38;
	[tilespmem:$0x6720] =	vst v63  }
0x32: {  	_ =	swait.ge @!p0 [sflag:s26], $0x100  }
0x33: {  	[sflag:s26] =	ssyncset.done @!p0 $0x0  }
0x34: {  	s0 =	rddreg [dreg:$0x4];
	[sflag:s26] =	ssyncadd.s32 @!p0 $0xFFFFFF00  }
0x35: {  	[tilespmem:s3], [sflag:$0x5] =	stream.linear.gather [hbm4b:s0+s3], $0x1900, $0x38;
	[tilespmem:$0x6720] =	vst v63  }
0x36: {  	_ =	swait.ge [sflag:s5], $0x1900  }
0x37: {  	[sflag:s5] =	ssyncset.done $0x0  }
0x38: {  	[sflag:s5] =	ssyncadd.s32 $0xFFFFE700  }
0x39: {  	[bflag:$0x0] =	sbarrier.arrive $0xFFFF  }
0x3a: {  	[spmem:s2] =	stream.indirect.scatter.add.f32 [tilespmem:s3], [sflag:$0x1], $0x10, s24, s7, $0xb8;
	[tilespmem:$0x6720] =	vst v63  }
0x3b: {  	s0 =	rddreg [dreg:$0xa]  }
0x3c: {  	[spmem:s2] =	stream.indirect.scatter.add.f32 [tilespmem:s3], [sflag:$0x2], $0x10, s0, s7, $0xb8;
	[tilespmem:$0x6720] =	vst v63  }
0x3d: {  	s29 =	rddreg [dreg:$0xb]  }
0x3e: {  	[spmem:s2] =	stream.indirect.scatter.add.f32 [tilespmem:s3], [sflag:$0x3], $0x10, s29, s7, $0xb8;
	[tilespmem:$0x6720] =	vst v63  }
0x3f: {  	s0 =	rddreg [dreg:$0xc]  }
0x40: {  	[spmem:s2] =	stream.indirect.scatter.add.f32 [tilespmem:s3], [sflag:$0x4], $0x10, s0, s7, $0xb8;
	[tilespmem:$0x6720] =	vst v63  }
0x41: {  	_ =	swait.ge [sflag:s6], $0x1900  }
0x42: {  	[sflag:s6] =	ssyncset.done $0x0  }
0x43: {  	s0 =	rddreg [dreg:$0xd];
	[sflag:s6] =	ssyncadd.s32 $0xFFFFE700  }
0x44: {  	[spmem:s2] =	stream.indirect.scatter.add.f32 [tilespmem:s3], [sflag:$0x1], $0x10, s0, s7, $0xb8;
	[tilespmem:$0x6720] =	vst v63  }
0x45: {  	_ =	swait.ge [sflag:s8], $0x1900  }
0x46: {  	[sflag:s8] =	ssyncset.done $0x0  }
0x47: {  	s0 =	rddreg [dreg:$0xe];
	[sflag:s8] =	ssyncadd.s32 $0xFFFFE700  }
0x48: {  	[spmem:s2] =	stream.indirect.scatter.add.f32 [tilespmem:s3], [sflag:$0x2], $0x10, s0, s7, $0xb8;
	[tilespmem:$0x6720] =	vst v63  }
0x49: {  	_ =	swait.ge [sflag:s9], $0x1900  }
0x4a: {  	[sflag:s9] =	ssyncset.done $0x0  }
0x4b: {  	s0 =	rddreg [dreg:$0xf];
	[sflag:s9] =	ssyncadd.s32 $0xFFFFE700  }
0x4c: {  	[spmem:s2] =	stream.indirect.scatter.add.f32 [tilespmem:s3], [sflag:$0x3], $0x10, s0, s7, $0xb8;
	[tilespmem:$0x6720] =	vst v63  }
0x4d: {  	_ =	swait.ge [sflag:s10], $0x1900  }
0x4e: {  	[sflag:s10] =	ssyncset.done $0x0  }
0x4f: {  	s0 =	rddreg [dreg:$0x10];
	[sflag:s10] =	ssyncadd.s32 $0xFFFFE700  }
0x50: {  	[spmem:s2] =	stream.indirect.scatter.add.f32 [tilespmem:s3], [sflag:$0x4], $0x10, s0, s7, $0xb8;
	[tilespmem:$0x6720] =	vst v63  }
0x51: {  	_ =	swait.ge [sflag:s6], $0x1900  }
0x52: {  	[sflag:s6] =	ssyncset.done $0x0  }
0x53: {  	s0 =	rddreg [dreg:$0x11];
	[sflag:s6] =	ssyncadd.s32 $0xFFFFE700  }
0x54: {  	[spmem:s2] =	stream.indirect.scatter.add.f32 [tilespmem:s3], [sflag:$0x1], $0x10, s0, s7, $0xb8;
	[tilespmem:$0x6720] =	vst v63  }
0x55: {  	_ =	swait.ge [sflag:s8], $0x1900  }
0x56: {  	[sflag:s8] =	ssyncset.done $0x0  }
0x57: {  	s0 =	rddreg [dreg:$0x12];
	[sflag:s8] =	ssyncadd.s32 $0xFFFFE700  }
0x58: {  	[spmem:s2] =	stream.indirect.scatter.add.f32 [tilespmem:s3], [sflag:$0x2], $0x10, s0, s7, $0xb8;
	[tilespmem:$0x6720] =	vst v63  }
0x59: {  	_ =	swait.ge [sflag:s9], $0x1900  }
0x5a: {  	[sflag:s9] =	ssyncset.done $0x0  }
0x5b: {  	s0 =	rddreg [dreg:$0x13];
	[sflag:s9] =	ssyncadd.s32 $0xFFFFE700  }
0x5c: {  	[spmem:s2] =	stream.indirect.scatter.add.f32 [tilespmem:s3], [sflag:$0x3], $0x10, s0, s7, $0xb8;
	[tilespmem:$0x6720] =	vst v63  }
0x5d: {  	_ =	swait.ge [sflag:s10], $0x1900  }
0x5e: {  	[sflag:s10] =	ssyncset.done $0x0  }
0x5f: {  	s0 =	rddreg [dreg:$0x14];
	[sflag:s10] =	ssyncadd.s32 $0xFFFFE700  }
0x60: {  	[spmem:s2] =	stream.indirect.scatter.add.f32 [tilespmem:s3], [sflag:$0x4], $0x10, s0, s7, $0xb8;
	[tilespmem:$0x6720] =	vst v63  }
0x61: {  	_ =	swait.ge [sflag:s6], $0x1900  }
0x62: {  	[sflag:s6] =	ssyncset.done $0x0  }
0x63: {  	s0 =	rddreg [dreg:$0x15];
	[sflag:s6] =	ssyncadd.s32 $0xFFFFE700  }
0x64: {  	[spmem:s2] =	stream.indirect.scatter.add.f32 [tilespmem:s3], [sflag:$0x1], $0x10, s0, s7, $0xb8;
	[tilespmem:$0x6720] =	vst v63  }
0x65: {  	_ =	swait.ge [sflag:s8], $0x1900  }
0x66: {  	[sflag:s8] =	ssyncset.done $0x0  }
0x67: {  	[sflag:s8] =	ssyncadd.s32 $0xFFFFE700  }
0x68: {  	[spmem:s2] =	stream.indirect.scatter.add.f32 [tilespmem:s3], [sflag:$0x2], $0x10, s23, s7, $0xb8;
	[tilespmem:$0x6720] =	vst v63  }
0x69: {  	_ =	swait.ge [sflag:s9], $0x1900  }
0x6a: {  	[sflag:s9] =	ssyncset.done $0x0  }
0x6b: {  	[sflag:s9] =	ssyncadd.s32 $0xFFFFE700  }
0x6c: {  	[spmem:s2] =	stream.indirect.scatter.add.f32 [tilespmem:s3], [sflag:$0x3], $0x10, s22, s7, $0xb8;
	[tilespmem:$0x6720] =	vst v63  }
0x6d: {  	_ =	swait.ge [sflag:s10], $0x1900  }
0x6e: {  	[sflag:s10] =	ssyncset.done $0x0  }
0x6f: {  	[sflag:s10] =	ssyncadd.s32 $0xFFFFE700  }
0x70: {  	[spmem:s2] =	stream.indirect.scatter.add.f32 [tilespmem:s3], [sflag:$0x4], $0x10, s21, s7, $0xb8;
	[tilespmem:$0x6720] =	vst v63  }
0x71: {  	_ =	swait.ge [sflag:s6], $0x1900  }
0x72: {  	[sflag:s6] =	ssyncset.done $0x0  }
0x73: {  	[sflag:s6] =	ssyncadd.s32 $0xFFFFE700  }
0x74: {  	[spmem:s2] =	stream.indirect.scatter.add.f32 [tilespmem:s3], [sflag:$0x1], $0x10, s20, s7, $0xb8;
	[tilespmem:$0x6720] =	vst v63  }
0x75: {  	_ =	swait.ge [sflag:s8], $0x1900  }
0x76: {  	[sflag:s8] =	ssyncset.done $0x0  }
0x77: {  	[sflag:s8] =	ssyncadd.s32 $0xFFFFE700  }
0x78: {  	[spmem:s2] =	stream.indirect.scatter.add.f32 [tilespmem:s3], [sflag:$0x2], $0x10, s19, s7, $0xb8;
	[tilespmem:$0x6720] =	vst v63  }
0x79: {  	_ =	swait.ge [sflag:s9], $0x1900  }
0x7a: {  	[sflag:s9] =	ssyncset.done $0x0  }
0x7b: {  	[sflag:s9] =	ssyncadd.s32 $0xFFFFE700  }
0x7c: {  	[spmem:s2] =	stream.indirect.scatter.add.f32 [tilespmem:s3], [sflag:$0x3], $0x10, s18, s7, $0xb8;
	[tilespmem:$0x6720] =	vst v63  }
0x7d: {  	_ =	swait.ge [sflag:s10], $0x1900  }
0x7e: {  	[sflag:s10] =	ssyncset.done $0x0  }
0x7f: {  	[sflag:s10] =	ssyncadd.s32 $0xFFFFE700  }
0x80: {  	[spmem:s2] =	stream.indirect.scatter.add.f32 [tilespmem:s3], [sflag:$0x4], $0x10, s17, s7, $0xb8;
	[tilespmem:$0x6720] =	vst v63  }
0x81: {  	_ =	swait.ge [sflag:s6], $0x1900  }
0x82: {  	[sflag:s6] =	ssyncset.done $0x0  }
0x83: {  	[sflag:s6] =	ssyncadd.s32 $0xFFFFE700  }
0x84: {  	[spmem:s2] =	stream.indirect.scatter.add.f32 [tilespmem:s3], [sflag:$0x1], $0x10, s16, s7, $0xb8;
	[tilespmem:$0x6720] =	vst v63  }
0x85: {  	_ =	swait.ge [sflag:s8], $0x1900  }
0x86: {  	[sflag:s8] =	ssyncset.done $0x0  }
0x87: {  	[sflag:s8] =	ssyncadd.s32 $0xFFFFE700  }
0x88: {  	[spmem:s2] =	stream.indirect.scatter.add.f32 [tilespmem:s3], [sflag:$0x2], $0x10, s15, s7, $0xb8;
	[tilespmem:$0x6720] =	vst v63  }
0x89: {  	_ =	swait.ge [sflag:s9], $0x1900  }
0x8a: {  	[sflag:s9] =	ssyncset.done $0x0  }
0x8b: {  	[sflag:s9] =	ssyncadd.s32 $0xFFFFE700  }
0x8c: {  	[spmem:s2] =	stream.indirect.scatter.add.f32 [tilespmem:s3], [sflag:$0x3], $0x10, s14, s7, $0xb8;
	[tilespmem:$0x6720] =	vst v63  }
0x8d: {  	_ =	swait.ge [sflag:s10], $0x1900  }
0x8e: {  	[sflag:s10] =	ssyncset.done $0x0  }
0x8f: {  	[sflag:s10] =	ssyncadd.s32 $0xFFFFE700  }
0x90: {  	[spmem:s2] =	stream.indirect.scatter.add.f32 [tilespmem:s3], [sflag:$0x4], $0x10, s13, s7, $0xb8;
	[tilespmem:$0x6720] =	vst v63  }
0x91: {  	_ =	swait.ge [sflag:s6], $0x1900  }
0x92: {  	[sflag:s6] =	ssyncset.done $0x0  }
0x93: {  	[sflag:s6] =	ssyncadd.s32 $0xFFFFE700  }
0x94: {  	[spmem:s2] =	stream.indirect.scatter.add.f32 [tilespmem:s3], [sflag:$0x1], $0x10, s12, s7, $0xb8;
	[tilespmem:$0x6720] =	vst v63  }
0x95: {  	_ =	swait.ge [sflag:s8], $0x1900  }
0x96: {  	[sflag:s8] =	ssyncset.done $0x0  }
0x97: {  	[sflag:s8] =	ssyncadd.s32 $0xFFFFE700  }
0x98: {  	_ =	swait.ge [sflag:s9], $0x1900  }
0x99: {  	[sflag:s9] =	ssyncset.done $0x0  }
0x9a: {  	[sflag:s9] =	ssyncadd.s32 $0xFFFFE700  }
0x9b: {  	_ =	swait.ge [sflag:s10], $0x1900  }
0x9c: {  	[sflag:s10] =	ssyncset.done $0x0  }
0x9d: {  	[sflag:s10] =	ssyncadd.s32 $0xFFFFE700  }
0x9e: {  	_ =	swait.ge [sflag:s6], $0x1900  }
0x9f: {  	[sflag:s6] =	ssyncset.done $0x0  }
0xa0: {  	[sflag:s6] =	ssyncadd.s32 $0xFFFFE700  }
0xa1: {  	s31 =	sadd.s32 $0xFFFFFFFF, s31;
	s29 =	sshll.u32 s30, $0x6;
	[bflag:$0x0] =	sbarrier.arrive $0xFFFF  }
0xa2: {  	s30 =	sshrl.u32 s4, $0x3;
	s29 =	sor.u32 $0x1C05, s29;
	s0 =	rddreg [dreg:$0x8]  }
0xa3: {  	[hbm:s0], [sflag:s29] =	dma.local [spmem:s30], $0x4E0  }
0xa4: {  	p2 =	sne.s32 s31, $0x0;
	_ =	swait.ge [sflag:s5], $0x4E0  }
.Ltmp1:
0xa5: {  	[sflag:s5] =	ssyncset.done $0x0;
	(pc) =	sbr.rel @!p2 .LBB2_3-.Ltmp1, $4  }
0xa6: {  	s1 =	rddreg [dreg:$0x9];
	[sflag:s5] =	ssyncadd.s32 $0xFFFFFB20  }
0xa7: {  	[hbm:s1], [sflag:s29] =	dma.local @!p0 [spmem:s11], $0x20  }
0xa8: {  	_ =	swait.ge @!p0 [sflag:s26], $0x20  }
0xa9: {  	p1 =	por $0x1, $0x1;
	s1 =	rddreg [dreg:$0x6];
	[sflag:s26] =	ssyncset.done @!p0 $0x0  }
.LBB2_4:
0xaa: {  	[sflag:s26] =	ssyncadd.s32 @!p0 $0xFFFFFFE0  }
0xab: {  	[tilespmem:s24], [sflag:$0x5] =	stream.linear.gather [hbm4b:s1+s3], $0x2710, $0x38;
	[tilespmem:$0x6720] =	vst v63  }
0xac: {  	_ =	swait.ge [sflag:s5], $0x2710  }
0xad: {  	[sflag:s5] =	ssyncset.done $0x0  }
0xae: {  	s0 =	rddreg [dreg:$0x5];
	[sflag:s5] =	ssyncadd.s32 $0xFFFFD8F0  }
0xaf: {  	[tilespmem:s3], [sflag:$0x5] =	stream.linear.gather [hbm4b:s0+s3], $0x1900, $0x38;
	[tilespmem:$0x6720] =	vst v63  }
0xb0: {  	_ =	swait.ge [sflag:s5], $0x1900  }
0xb1: {  	[sflag:s5] =	ssyncset.done $0x0  }
0xb2: {  	[sflag:s5] =	ssyncadd.s32 $0xFFFFE700  }
0xb3: {  	[spmem:s4] =	stream.linear.scatter [tilespmem:s3], [sflag:$0x5], $0x1900, $0x38;
	[tilespmem:$0x6720] =	vst v63  }
0xb4: {  	_ =	swait.ge [sflag:s5], $0x1900  }
0xb5: {  	[sflag:s5] =	ssyncset.done $0x0  }
0xb6: {  	s0 =	rddreg [dreg:$0x7];
	[sflag:s5] =	ssyncadd.s32 $0xFFFFE700  }
0xb7: {  	[spmem:s0] =	stream.linear.scatter [tilespmem:s3], [sflag:$0x5], $0xE00, $0x38;
	[tilespmem:$0x6720] =	vst v63  }
0xb8: {  	_ =	swait.ge [sflag:s5], $0xE00  }
0xb9: {  	[sflag:s5] =	ssyncset.done $0x0  }
0xba: {  	[sflag:s5] =	ssyncadd.s32 $0xFFFFF200  }
0xbb: {  	[spmem:s25] =	stream.linear.scatter @!p0 [tilespmem:s28], [sflag:$0x5], $0x100, $0x38;
	[tilespmem:$0x6720] =	vst v63  }
0xbc: {  	_ =	swait.ge @!p0 [sflag:s26], $0x100  }
0xbd: {  	[sflag:s26] =	ssyncset.done @!p0 $0x0  }
0xbe: {  	s0 =	rddreg [dreg:$0x4];
	[sflag:s26] =	ssyncadd.s32 @!p0 $0xFFFFFF00  }
0xbf: {  	[tilespmem:s3], [sflag:$0x5] =	stream.linear.gather [hbm4b:s0+s3], $0x1900, $0x38;
	[tilespmem:$0x6720] =	vst v63  }
0xc0: {  	_ =	swait.ge [sflag:s5], $0x1900  }
0xc1: {  	[sflag:s5] =	ssyncset.done $0x0  }
0xc2: {  	[sflag:s5] =	ssyncadd.s32 $0xFFFFE700  }
0xc3: {  	[bflag:$0x0] =	sbarrier.arrive $0xFFFF  }
0xc4: {  	[spmem:s2] =	stream.indirect.scatter.add.f32 [tilespmem:s3], [sflag:$0x1], $0x10, s24, s7, $0xb8;
	[tilespmem:$0x6720] =	vst v63  }
0xc5: {  	s1 =	rddreg [dreg:$0xa]  }
0xc6: {  	[spmem:s2] =	stream.indirect.scatter.add.f32 [tilespmem:s3], [sflag:$0x2], $0x10, s1, s7, $0xb8;
	[tilespmem:$0x6720] =	vst v63  }
0xc7: {  	s0 =	rddreg [dreg:$0xb]  }
0xc8: {  	[spmem:s2] =	stream.indirect.scatter.add.f32 [tilespmem:s3], [sflag:$0x3], $0x10, s0, s7, $0xb8;
	[tilespmem:$0x6720] =	vst v63  }
0xc9: {  	s1 =	rddreg [dreg:$0xc]  }
0xca: {  	[spmem:s2] =	stream.indirect.scatter.add.f32 [tilespmem:s3], [sflag:$0x4], $0x10, s1, s7, $0xb8;
	[tilespmem:$0x6720] =	vst v63  }
0xcb: {  	_ =	swait.ge [sflag:s6], $0x1900  }
0xcc: {  	[sflag:s6] =	ssyncset.done $0x0  }
0xcd: {  	s1 =	rddreg [dreg:$0xd];
	[sflag:s6] =	ssyncadd.s32 $0xFFFFE700  }
0xce: {  	[spmem:s2] =	stream.indirect.scatter.add.f32 [tilespmem:s3], [sflag:$0x1], $0x10, s1, s7, $0xb8;
	[tilespmem:$0x6720] =	vst v63  }
0xcf: {  	_ =	swait.ge [sflag:s8], $0x1900  }
0xd0: {  	[sflag:s8] =	ssyncset.done $0x0  }
0xd1: {  	s1 =	rddreg [dreg:$0xe];
	[sflag:s8] =	ssyncadd.s32 $0xFFFFE700  }
0xd2: {  	[spmem:s2] =	stream.indirect.scatter.add.f32 [tilespmem:s3], [sflag:$0x2], $0x10, s1, s7, $0xb8;
	[tilespmem:$0x6720] =	vst v63  }
0xd3: {  	_ =	swait.ge [sflag:s9], $0x1900  }
0xd4: {  	[sflag:s9] =	ssyncset.done $0x0  }
0xd5: {  	s1 =	rddreg [dreg:$0xf];
	[sflag:s9] =	ssyncadd.s32 $0xFFFFE700  }
0xd6: {  	[spmem:s2] =	stream.indirect.scatter.add.f32 [tilespmem:s3], [sflag:$0x3], $0x10, s1, s7, $0xb8;
	[tilespmem:$0x6720] =	vst v63  }
0xd7: {  	_ =	swait.ge [sflag:s10], $0x1900  }
0xd8: {  	[sflag:s10] =	ssyncset.done $0x0  }
0xd9: {  	s1 =	rddreg [dreg:$0x10];
	[sflag:s10] =	ssyncadd.s32 $0xFFFFE700  }
0xda: {  	[spmem:s2] =	stream.indirect.scatter.add.f32 [tilespmem:s3], [sflag:$0x4], $0x10, s1, s7, $0xb8;
	[tilespmem:$0x6720] =	vst v63  }
0xdb: {  	_ =	swait.ge [sflag:s6], $0x1900  }
0xdc: {  	[sflag:s6] =	ssyncset.done $0x0  }
0xdd: {  	s1 =	rddreg [dreg:$0x11];
	[sflag:s6] =	ssyncadd.s32 $0xFFFFE700  }
0xde: {  	[spmem:s2] =	stream.indirect.scatter.add.f32 [tilespmem:s3], [sflag:$0x1], $0x10, s1, s7, $0xb8;
	[tilespmem:$0x6720] =	vst v63  }
0xdf: {  	_ =	swait.ge [sflag:s8], $0x1900  }
0xe0: {  	[sflag:s8] =	ssyncset.done $0x0  }
0xe1: {  	s1 =	rddreg [dreg:$0x12];
	[sflag:s8] =	ssyncadd.s32 $0xFFFFE700  }
0xe2: {  	[spmem:s2] =	stream.indirect.scatter.add.f32 [tilespmem:s3], [sflag:$0x2], $0x10, s1, s7, $0xb8;
	[tilespmem:$0x6720] =	vst v63  }
0xe3: {  	_ =	swait.ge [sflag:s9], $0x1900  }
0xe4: {  	[sflag:s9] =	ssyncset.done $0x0  }
0xe5: {  	s1 =	rddreg [dreg:$0x13];
	[sflag:s9] =	ssyncadd.s32 $0xFFFFE700  }
0xe6: {  	[spmem:s2] =	stream.indirect.scatter.add.f32 [tilespmem:s3], [sflag:$0x3], $0x10, s1, s7, $0xb8;
	[tilespmem:$0x6720] =	vst v63  }
0xe7: {  	_ =	swait.ge [sflag:s10], $0x1900  }
0xe8: {  	[sflag:s10] =	ssyncset.done $0x0  }
0xe9: {  	s1 =	rddreg [dreg:$0x14];
	[sflag:s10] =	ssyncadd.s32 $0xFFFFE700  }
0xea: {  	[spmem:s2] =	stream.indirect.scatter.add.f32 [tilespmem:s3], [sflag:$0x4], $0x10, s1, s7, $0xb8;
	[tilespmem:$0x6720] =	vst v63  }
0xeb: {  	_ =	swait.ge [sflag:s6], $0x1900  }
0xec: {  	[sflag:s6] =	ssyncset.done $0x0  }
0xed: {  	s1 =	rddreg [dreg:$0x15];
	[sflag:s6] =	ssyncadd.s32 $0xFFFFE700  }
0xee: {  	[spmem:s2] =	stream.indirect.scatter.add.f32 [tilespmem:s3], [sflag:$0x1], $0x10, s1, s7, $0xb8;
	[tilespmem:$0x6720] =	vst v63  }
0xef: {  	_ =	swait.ge [sflag:s8], $0x1900  }
0xf0: {  	[sflag:s8] =	ssyncset.done $0x0  }
0xf1: {  	[sflag:s8] =	ssyncadd.s32 $0xFFFFE700  }
0xf2: {  	[spmem:s2] =	stream.indirect.scatter.add.f32 [tilespmem:s3], [sflag:$0x2], $0x10, s23, s7, $0xb8;
	[tilespmem:$0x6720] =	vst v63  }
0xf3: {  	_ =	swait.ge [sflag:s9], $0x1900  }
0xf4: {  	[sflag:s9] =	ssyncset.done $0x0  }
0xf5: {  	[sflag:s9] =	ssyncadd.s32 $0xFFFFE700  }
0xf6: {  	[spmem:s2] =	stream.indirect.scatter.add.f32 [tilespmem:s3], [sflag:$0x3], $0x10, s22, s7, $0xb8;
	[tilespmem:$0x6720] =	vst v63  }
0xf7: {  	_ =	swait.ge [sflag:s10], $0x1900  }
0xf8: {  	[sflag:s10] =	ssyncset.done $0x0  }
0xf9: {  	[sflag:s10] =	ssyncadd.s32 $0xFFFFE700  }
0xfa: {  	[spmem:s2] =	stream.indirect.scatter.add.f32 [tilespmem:s3], [sflag:$0x4], $0x10, s21, s7, $0xb8;
	[tilespmem:$0x6720] =	vst v63  }
0xfb: {  	_ =	swait.ge [sflag:s6], $0x1900  }
0xfc: {  	[sflag:s6] =	ssyncset.done $0x0  }
0xfd: {  	[sflag:s6] =	ssyncadd.s32 $0xFFFFE700  }
0xfe: {  	[spmem:s2] =	stream.indirect.scatter.add.f32 [tilespmem:s3], [sflag:$0x1], $0x10, s20, s7, $0xb8;
	[tilespmem:$0x6720] =	vst v63  }
0xff: {  	_ =	swait.ge [sflag:s8], $0x1900  }
0x100: {  	[sflag:s8] =	ssyncset.done $0x0  }
0x101: {  	[sflag:s8] =	ssyncadd.s32 $0xFFFFE700  }
0x102: {  	[spmem:s2] =	stream.indirect.scatter.add.f32 [tilespmem:s3], [sflag:$0x2], $0x10, s19, s7, $0xb8;
	[tilespmem:$0x6720] =	vst v63  }
0x103: {  	_ =	swait.ge [sflag:s9], $0x1900  }
0x104: {  	[sflag:s9] =	ssyncset.done $0x0  }
0x105: {  	[sflag:s9] =	ssyncadd.s32 $0xFFFFE700  }
0x106: {  	[spmem:s2] =	stream.indirect.scatter.add.f32 [tilespmem:s3], [sflag:$0x3], $0x10, s18, s7, $0xb8;
	[tilespmem:$0x6720] =	vst v63  }
0x107: {  	_ =	swait.ge [sflag:s10], $0x1900  }
0x108: {  	[sflag:s10] =	ssyncset.done $0x0  }
0x109: {  	[sflag:s10] =	ssyncadd.s32 $0xFFFFE700  }
0x10a: {  	[spmem:s2] =	stream.indirect.scatter.add.f32 [tilespmem:s3], [sflag:$0x4], $0x10, s17, s7, $0xb8;
	[tilespmem:$0x6720] =	vst v63  }
0x10b: {  	_ =	swait.ge [sflag:s6], $0x1900  }
0x10c: {  	[sflag:s6] =	ssyncset.done $0x0  }
0x10d: {  	[sflag:s6] =	ssyncadd.s32 $0xFFFFE700  }
0x10e: {  	[spmem:s2] =	stream.indirect.scatter.add.f32 [tilespmem:s3], [sflag:$0x1], $0x10, s16, s7, $0xb8;
	[tilespmem:$0x6720] =	vst v63  }
0x10f: {  	_ =	swait.ge [sflag:s8], $0x1900  }
0x110: {  	[sflag:s8] =	ssyncset.done $0x0  }
0x111: {  	[sflag:s8] =	ssyncadd.s32 $0xFFFFE700  }
0x112: {  	[spmem:s2] =	stream.indirect.scatter.add.f32 [tilespmem:s3], [sflag:$0x2], $0x10, s15, s7, $0xb8;
	[tilespmem:$0x6720] =	vst v63  }
0x113: {  	_ =	swait.ge [sflag:s9], $0x1900  }
0x114: {  	[sflag:s9] =	ssyncset.done $0x0  }
0x115: {  	[sflag:s9] =	ssyncadd.s32 $0xFFFFE700  }
0x116: {  	[spmem:s2] =	stream.indirect.scatter.add.f32 [tilespmem:s3], [sflag:$0x3], $0x10, s14, s7, $0xb8;
	[tilespmem:$0x6720] =	vst v63  }
0x117: {  	_ =	swait.ge [sflag:s10], $0x1900  }
0x118: {  	[sflag:s10] =	ssyncset.done $0x0  }
0x119: {  	[sflag:s10] =	ssyncadd.s32 $0xFFFFE700  }
0x11a: {  	[spmem:s2] =	stream.indirect.scatter.add.f32 [tilespmem:s3], [sflag:$0x4], $0x10, s13, s7, $0xb8;
	[tilespmem:$0x6720] =	vst v63  }
0x11b: {  	_ =	swait.ge [sflag:s6], $0x1900  }
0x11c: {  	[sflag:s6] =	ssyncset.done $0x0  }
0x11d: {  	[sflag:s6] =	ssyncadd.s32 $0xFFFFE700  }
0x11e: {  	[spmem:s2] =	stream.indirect.scatter.add.f32 [tilespmem:s3], [sflag:$0x1], $0x10, s12, s7, $0xb8;
	[tilespmem:$0x6720] =	vst v63  }
0x11f: {  	_ =	swait.ge [sflag:s8], $0x1900  }
0x120: {  	[sflag:s8] =	ssyncset.done $0x0  }
0x121: {  	[sflag:s8] =	ssyncadd.s32 $0xFFFFE700  }
0x122: {  	_ =	swait.ge [sflag:s9], $0x1900  }
0x123: {  	[sflag:s9] =	ssyncset.done $0x0  }
0x124: {  	[sflag:s9] =	ssyncadd.s32 $0xFFFFE700  }
0x125: {  	_ =	swait.ge [sflag:s10], $0x1900  }
0x126: {  	[sflag:s10] =	ssyncset.done $0x0  }
0x127: {  	[sflag:s10] =	ssyncadd.s32 $0xFFFFE700  }
0x128: {  	_ =	swait.ge [sflag:s6], $0x1900  }
0x129: {  	[sflag:s6] =	ssyncset.done $0x0  }
0x12a: {  	[sflag:s6] =	ssyncadd.s32 $0xFFFFE700  }
0x12b: {  	[bflag:$0x0] =	sbarrier.arrive $0xFFFF  }
0x12c: {  	s31 =	sadd.s32 $0xFFFFFFFF, s31;
	s1 =	rddreg [dreg:$0x8]  }
0x12d: {  	[hbm:s1], [sflag:s29] =	dma.local [spmem:s30], $0x4E0  }
0x12e: {  	p2 =	sne.s32 s31, $0x0;
	_ =	swait.ge [sflag:s5], $0x4E0  }
.Ltmp2:
0x12f: {  	[sflag:s5] =	ssyncset.done $0x0;
	(pc) =	sbr.rel @p2 .LBB2_4-.Ltmp2, $4  }
0x130: {  	s0 =	rddreg [dreg:$0x9];
	[sflag:s5] =	ssyncadd.s32 $0xFFFFFB20  }
0x131: {  	[hbm:s0], [sflag:s29] =	dma.local @!p0 [spmem:s11], $0x20  }
0x132: {  	_ =	swait.ge @!p0 [sflag:s26], $0x20  }
0x133: {  	s1 =	rddreg [dreg:$0x6];
	[sflag:s26] =	ssyncset.done @!p0 $0x0  }
0x134: {  	s30 =	stileid.u32;
	s28 =	rddreg [dreg:$0x3]  }
.LBB2_6:
0x135: {  	p1 =	por p0, !p1  }
0x136: {  	[sflag:s26] =	ssyncadd.s32 @!p1 $0xFFFFFFE0  }
0x137: {  	[tilespmem:s24], [sflag:$0x5] =	stream.linear.gather [hbm4b:s1+s3], $0x2710, $0x38;
	[tilespmem:$0x6720] =	vst v63  }
0x138: {  	_ =	swait.ge [sflag:s5], $0x2710  }
0x139: {  	[sflag:s5] =	ssyncset.done $0x0  }
0x13a: {  	s0 =	rddreg [dreg:$0x5];
	[sflag:s5] =	ssyncadd.s32 $0xFFFFD8F0  }
0x13b: {  	[tilespmem:s3], [sflag:$0x5] =	stream.linear.gather [hbm4b:s0+s3], $0x1900, $0x38;
	[tilespmem:$0x6720] =	vst v63  }
0x13c: {  	_ =	swait.ge [sflag:s5], $0x1900  }
0x13d: {  	[sflag:s5] =	ssyncset.done $0x0  }
0x13e: {  	[sflag:s5] =	ssyncadd.s32 $0xFFFFE700  }
0x13f: {  	[spmem:s4] =	stream.linear.scatter [tilespmem:s3], [sflag:$0x5], $0x1900, $0x38;
	[tilespmem:$0x6720] =	vst v63  }
0x140: {  	_ =	swait.ge [sflag:s5], $0x1900  }
0x141: {  	[sflag:s5] =	ssyncset.done $0x0  }
0x142: {  	s29 =	rddreg [dreg:$0x7];
	[sflag:s5] =	ssyncadd.s32 $0xFFFFE700  }
0x143: {  	[spmem:s29] =	stream.linear.scatter [tilespmem:s3], [sflag:$0x5], $0xE00, $0x38;
	[tilespmem:$0x6720] =	vst v63  }
0x144: {  	_ =	swait.ge [sflag:s5], $0xE00  }
0x145: {  	[sflag:s5] =	ssyncset.done $0x0  }
0x146: {  	s0 =	simm.s32 @!p0 $0x0;
	[sflag:s5] =	ssyncadd.s32 $0xFFFFF200  }
0x147: {  	[spmem:s25] =	stream.linear.scatter @!p0 [tilespmem:s0], [sflag:$0x5], $0x100, $0x38;
	[tilespmem:$0x6720] =	vst v63  }
0x148: {  	s25 =	simm.s32 @!p0 $0x5  }
0x149: {  	_ =	swait.ge @!p0 [sflag:s25], $0x100  }
0x14a: {  	[sflag:s25] =	ssyncset.done @!p0 $0x0  }
0x14b: {  	s31 =	rddreg [dreg:$0x4];
	[sflag:s25] =	ssyncadd.s32 @!p0 $0xFFFFFF00  }
0x14c: {  	[tilespmem:s3], [sflag:$0x5] =	stream.linear.gather [hbm4b:s31+s3], $0x1900, $0x38;
	[tilespmem:$0x6720] =	vst v63  }
0x14d: {  	_ =	swait.ge [sflag:s5], $0x1900  }
0x14e: {  	[sflag:s5] =	ssyncset.done $0x0  }
0x14f: {  	[sflag:s5] =	ssyncadd.s32 $0xFFFFE700  }
0x150: {  	[bflag:$0x0] =	sbarrier.arrive $0xFFFF  }
0x151: {  	[spmem:s2] =	stream.indirect.scatter.add.f32 [tilespmem:s3], [sflag:$0x1], $0x10, s24, s7, $0xb8;
	[tilespmem:$0x6720] =	vst v63  }
0x152: {  	s1 =	rddreg [dreg:$0xa]  }
0x153: {  	[spmem:s2] =	stream.indirect.scatter.add.f32 [tilespmem:s3], [sflag:$0x2], $0x10, s1, s7, $0xb8;
	[tilespmem:$0x6720] =	vst v63  }
0x154: {  	s24 =	rddreg [dreg:$0xb]  }
0x155: {  	[spmem:s2] =	stream.indirect.scatter.add.f32 [tilespmem:s3], [sflag:$0x3], $0x10, s24, s7, $0xb8;
	[tilespmem:$0x6720] =	vst v63  }
0x156: {  	s26 =	rddreg [dreg:$0xc]  }
0x157: {  	[spmem:s2] =	stream.indirect.scatter.add.f32 [tilespmem:s3], [sflag:$0x4], $0x10, s26, s7, $0xb8;
	[tilespmem:$0x6720] =	vst v63  }
0x158: {  	_ =	swait.ge [sflag:s6], $0x1900  }
0x159: {  	[sflag:s6] =	ssyncset.done $0x0  }
0x15a: {  	s29 =	rddreg [dreg:$0xd];
	[sflag:s6] =	ssyncadd.s32 $0xFFFFE700  }
0x15b: {  	[spmem:s2] =	stream.indirect.scatter.add.f32 [tilespmem:s3], [sflag:$0x1], $0x10, s29, s7, $0xb8;
	[tilespmem:$0x6720] =	vst v63  }
0x15c: {  	_ =	swait.ge [sflag:s8], $0x1900  }
0x15d: {  	[sflag:s8] =	ssyncset.done $0x0  }
0x15e: {  	s31 =	rddreg [dreg:$0xe];
	[sflag:s8] =	ssyncadd.s32 $0xFFFFE700  }
0x15f: {  	[spmem:s2] =	stream.indirect.scatter.add.f32 [tilespmem:s3], [sflag:$0x2], $0x10, s31, s7, $0xb8;
	[tilespmem:$0x6720] =	vst v63  }
0x160: {  	_ =	swait.ge [sflag:s9], $0x1900  }
0x161: {  	[sflag:s9] =	ssyncset.done $0x0  }
0x162: {  	s1 =	rddreg [dreg:$0xf];
	[sflag:s9] =	ssyncadd.s32 $0xFFFFE700  }
0x163: {  	[spmem:s2] =	stream.indirect.scatter.add.f32 [tilespmem:s3], [sflag:$0x3], $0x10, s1, s7, $0xb8;
	[tilespmem:$0x6720] =	vst v63  }
0x164: {  	_ =	swait.ge [sflag:s10], $0x1900  }
0x165: {  	[sflag:s10] =	ssyncset.done $0x0  }
0x166: {  	s24 =	rddreg [dreg:$0x10];
	[sflag:s10] =	ssyncadd.s32 $0xFFFFE700  }
0x167: {  	[spmem:s2] =	stream.indirect.scatter.add.f32 [tilespmem:s3], [sflag:$0x4], $0x10, s24, s7, $0xb8;
	[tilespmem:$0x6720] =	vst v63  }
0x168: {  	_ =	swait.ge [sflag:s6], $0x1900  }
0x169: {  	[sflag:s6] =	ssyncset.done $0x0  }
0x16a: {  	s26 =	rddreg [dreg:$0x11];
	[sflag:s6] =	ssyncadd.s32 $0xFFFFE700  }
0x16b: {  	[spmem:s2] =	stream.indirect.scatter.add.f32 [tilespmem:s3], [sflag:$0x1], $0x10, s26, s7, $0xb8;
	[tilespmem:$0x6720] =	vst v63  }
0x16c: {  	_ =	swait.ge [sflag:s8], $0x1900  }
0x16d: {  	[sflag:s8] =	ssyncset.done $0x0  }
0x16e: {  	s29 =	rddreg [dreg:$0x12];
	[sflag:s8] =	ssyncadd.s32 $0xFFFFE700  }
0x16f: {  	[spmem:s2] =	stream.indirect.scatter.add.f32 [tilespmem:s3], [sflag:$0x2], $0x10, s29, s7, $0xb8;
	[tilespmem:$0x6720] =	vst v63  }
0x170: {  	_ =	swait.ge [sflag:s9], $0x1900  }
0x171: {  	[sflag:s9] =	ssyncset.done $0x0  }
0x172: {  	s31 =	rddreg [dreg:$0x13];
	[sflag:s9] =	ssyncadd.s32 $0xFFFFE700  }
0x173: {  	[spmem:s2] =	stream.indirect.scatter.add.f32 [tilespmem:s3], [sflag:$0x3], $0x10, s31, s7, $0xb8;
	[tilespmem:$0x6720] =	vst v63  }
0x174: {  	_ =	swait.ge [sflag:s10], $0x1900  }
0x175: {  	[sflag:s10] =	ssyncset.done $0x0  }
0x176: {  	s1 =	rddreg [dreg:$0x14];
	[sflag:s10] =	ssyncadd.s32 $0xFFFFE700  }
0x177: {  	[spmem:s2] =	stream.indirect.scatter.add.f32 [tilespmem:s3], [sflag:$0x4], $0x10, s1, s7, $0xb8;
	[tilespmem:$0x6720] =	vst v63  }
0x178: {  	_ =	swait.ge [sflag:s6], $0x1900  }
0x179: {  	[sflag:s6] =	ssyncset.done $0x0  }
0x17a: {  	s24 =	rddreg [dreg:$0x15];
	[sflag:s6] =	ssyncadd.s32 $0xFFFFE700  }
0x17b: {  	[spmem:s2] =	stream.indirect.scatter.add.f32 [tilespmem:s3], [sflag:$0x1], $0x10, s24, s7, $0xb8;
	[tilespmem:$0x6720] =	vst v63  }
0x17c: {  	_ =	swait.ge [sflag:s8], $0x1900  }
0x17d: {  	[sflag:s8] =	ssyncset.done $0x0  }
0x17e: {  	[sflag:s8] =	ssyncadd.s32 $0xFFFFE700  }
0x17f: {  	[spmem:s2] =	stream.indirect.scatter.add.f32 [tilespmem:s3], [sflag:$0x2], $0x10, s23, s7, $0xb8;
	[tilespmem:$0x6720] =	vst v63  }
0x180: {  	_ =	swait.ge [sflag:s9], $0x1900  }
0x181: {  	[sflag:s9] =	ssyncset.done $0x0  }
0x182: {  	[sflag:s9] =	ssyncadd.s32 $0xFFFFE700  }
0x183: {  	[spmem:s2] =	stream.indirect.scatter.add.f32 [tilespmem:s3], [sflag:$0x3], $0x10, s22, s7, $0xb8;
	[tilespmem:$0x6720] =	vst v63  }
0x184: {  	_ =	swait.ge [sflag:s10], $0x1900  }
0x185: {  	[sflag:s10] =	ssyncset.done $0x0  }
0x186: {  	[sflag:s10] =	ssyncadd.s32 $0xFFFFE700  }
0x187: {  	[spmem:s2] =	stream.indirect.scatter.add.f32 [tilespmem:s3], [sflag:$0x4], $0x10, s21, s7, $0xb8;
	[tilespmem:$0x6720] =	vst v63  }
0x188: {  	_ =	swait.ge [sflag:s6], $0x1900  }
0x189: {  	[sflag:s6] =	ssyncset.done $0x0  }
0x18a: {  	[sflag:s6] =	ssyncadd.s32 $0xFFFFE700  }
0x18b: {  	[spmem:s2] =	stream.indirect.scatter.add.f32 [tilespmem:s3], [sflag:$0x1], $0x10, s20, s7, $0xb8;
	[tilespmem:$0x6720] =	vst v63  }
0x18c: {  	_ =	swait.ge [sflag:s8], $0x1900  }
0x18d: {  	[sflag:s8] =	ssyncset.done $0x0  }
0x18e: {  	[sflag:s8] =	ssyncadd.s32 $0xFFFFE700  }
0x18f: {  	[spmem:s2] =	stream.indirect.scatter.add.f32 [tilespmem:s3], [sflag:$0x2], $0x10, s19, s7, $0xb8;
	[tilespmem:$0x6720] =	vst v63  }
0x190: {  	_ =	swait.ge [sflag:s9], $0x1900  }
0x191: {  	[sflag:s9] =	ssyncset.done $0x0  }
0x192: {  	[sflag:s9] =	ssyncadd.s32 $0xFFFFE700  }
0x193: {  	[spmem:s2] =	stream.indirect.scatter.add.f32 [tilespmem:s3], [sflag:$0x3], $0x10, s18, s7, $0xb8;
	[tilespmem:$0x6720] =	vst v63  }
0x194: {  	_ =	swait.ge [sflag:s10], $0x1900  }
0x195: {  	[sflag:s10] =	ssyncset.done $0x0  }
0x196: {  	[sflag:s10] =	ssyncadd.s32 $0xFFFFE700  }
0x197: {  	[spmem:s2] =	stream.indirect.scatter.add.f32 [tilespmem:s3], [sflag:$0x4], $0x10, s17, s7, $0xb8;
	[tilespmem:$0x6720] =	vst v63  }
0x198: {  	_ =	swait.ge [sflag:s6], $0x1900  }
0x199: {  	[sflag:s6] =	ssyncset.done $0x0  }
0x19a: {  	[sflag:s6] =	ssyncadd.s32 $0xFFFFE700  }
0x19b: {  	[spmem:s2] =	stream.indirect.scatter.add.f32 [tilespmem:s3], [sflag:$0x1], $0x10, s16, s7, $0xb8;
	[tilespmem:$0x6720] =	vst v63  }
0x19c: {  	_ =	swait.ge [sflag:s8], $0x1900  }
0x19d: {  	[sflag:s8] =	ssyncset.done $0x0  }
0x19e: {  	[sflag:s8] =	ssyncadd.s32 $0xFFFFE700  }
0x19f: {  	[spmem:s2] =	stream.indirect.scatter.add.f32 [tilespmem:s3], [sflag:$0x2], $0x10, s15, s7, $0xb8;
	[tilespmem:$0x6720] =	vst v63  }
0x1a0: {  	_ =	swait.ge [sflag:s9], $0x1900  }
0x1a1: {  	[sflag:s9] =	ssyncset.done $0x0  }
0x1a2: {  	[sflag:s9] =	ssyncadd.s32 $0xFFFFE700  }
0x1a3: {  	[spmem:s2] =	stream.indirect.scatter.add.f32 [tilespmem:s3], [sflag:$0x3], $0x10, s14, s7, $0xb8;
	[tilespmem:$0x6720] =	vst v63  }
0x1a4: {  	_ =	swait.ge [sflag:s10], $0x1900  }
0x1a5: {  	[sflag:s10] =	ssyncset.done $0x0  }
0x1a6: {  	[sflag:s10] =	ssyncadd.s32 $0xFFFFE700  }
0x1a7: {  	[spmem:s2] =	stream.indirect.scatter.add.f32 [tilespmem:s3], [sflag:$0x4], $0x10, s13, s7, $0xb8;
	[tilespmem:$0x6720] =	vst v63  }
0x1a8: {  	_ =	swait.ge [sflag:s6], $0x1900  }
0x1a9: {  	[sflag:s6] =	ssyncset.done $0x0  }
0x1aa: {  	[sflag:s6] =	ssyncadd.s32 $0xFFFFE700  }
0x1ab: {  	[spmem:s2] =	stream.indirect.scatter.add.f32 [tilespmem:s3], [sflag:$0x1], $0x10, s12, s7, $0xb8;
	[tilespmem:$0x6720] =	vst v63  }
0x1ac: {  	_ =	swait.ge [sflag:s8], $0x1900  }
0x1ad: {  	[sflag:s8] =	ssyncset.done $0x0  }
0x1ae: {  	[sflag:s8] =	ssyncadd.s32 $0xFFFFE700  }
0x1af: {  	_ =	swait.ge [sflag:s9], $0x1900  }
0x1b0: {  	[sflag:s9] =	ssyncset.done $0x0  }
0x1b1: {  	[sflag:s9] =	ssyncadd.s32 $0xFFFFE700  }
0x1b2: {  	_ =	swait.ge [sflag:s10], $0x1900  }
0x1b3: {  	[sflag:s10] =	ssyncset.done $0x0  }
0x1b4: {  	[sflag:s10] =	ssyncadd.s32 $0xFFFFE700  }
0x1b5: {  	_ =	swait.ge [sflag:s6], $0x1900  }
0x1b6: {  	[sflag:s6] =	ssyncset.done $0x0  }
0x1b7: {  	[sflag:s6] =	ssyncadd.s32 $0xFFFFE700  }
0x1b8: {  	s29 =	sshll.u32 s30, $0x6;
	[bflag:$0x0] =	sbarrier.arrive $0xFFFF  }
0x1b9: {  	s31 =	sshrl.u32 s4, $0x3;
	s1 =	sor.u32 $0x1C05, s29;
	s26 =	rddreg [dreg:$0x8]  }
0x1ba: {  	[hbm:s26], [sflag:s1] =	dma.local [spmem:s31], $0x4E0  }
0x1bb: {  	_ =	swait.ge [sflag:s5], $0x4E0  }
0x1bc: {  	[sflag:s5] =	ssyncset.done $0x0  }
0x1bd: {  	s0 =	rddreg [dreg:$0x9];
	[sflag:s5] =	ssyncadd.s32 $0xFFFFFB20  }
0x1be: {  	[hbm:s0], [sflag:s1] =	dma.local @!p0 [spmem:s11], $0x20  }
0x1bf: {  	_ =	swait.ge @!p0 [sflag:s25], $0x20  }
0x1c0: {  	[sflag:s25] =	ssyncset.done @!p0 $0x0  }
0x1c1: {  	[sflag:s25] =	ssyncadd.s32 @!p0 $0xFFFFFFE0  }
0x1c2: {  	_ =	sfence.sel $0x180000  }
0x1c3: {  	[bflag:$0x0] =	sbarrier.arrive $0xFFFF  }
0x1c4: {  	p0 =	sne.s32 s30, $0x0;
	_ =	strace $0x90000047  }
0x1c5: {  	s0 =	sadd.s32 @!p0 $0x100000, s28;
	[bflag:$0x2] =	sbarrier.arrive $0xFFFF  }
0x1c6: {  	[sflag:s0] =	ssyncadd.tile.s32 @!p0 $0x1;
	_ =	shalt  }
.LBB2_1:
.Ltmp3:
0x1c7: {  	(pc) =	sbr.rel .LBB2_6-.Ltmp3, $2  }
0x1c8: {  	_ =	sdelay $0x2  }
0x1c9: {  	_ = 	snop  }
.LBB2_3:
.Ltmp4:
0x1ca: {  	(pc) =	sbr.rel .LBB2_6-.Ltmp4, $2  }
0x1cb: {  	_ =	sdelay $0x2  }
0x1cc: {  	s30 =	stileid.u32;
	s28 =	rddreg [dreg:$0x3]  }
.Lfunc_end2:
_tile_overlayer_lowered:
.L_overlay_start_2:
0x1cd: {  	(tag) =	ssettag $0x2  }
0x1ce: {  	s0 =	rddreg [dreg:$0x0];
	s2 =	stileid.u32  }
0x1cf: {  	s1 =	rddreg [dreg:$0x1];
	p0 =	sne.s32 s2, $0x0  }
0x1d0: {  	s3 =	rddreg [dreg:$0x2];
	[bflag:$0x3] =	sbarrier.arrive $0xFFFF;
	s2 =	simm.s32 @!p0 $0x1C05  }
0x1d1: {  	[timem:s3], [sflag:s2] =	dma.local @!p0 [hbm:s0], s1  }
0x1d2: {  	s0 =	simm.s32 @!p0 $0x5  }
0x1d3: {  	_ =	swait.ge @!p0 [sflag:s0], s1  }
0x1d4: {  	s1 =	ssub.s32 @!p0 $0x0, s1;
	[sflag:s0] =	ssyncset.done @!p0 $0x0  }
0x1d5: {  	[sflag:s0] =	ssyncadd.s32 @!p0 s1  }
0x1d6: {  	[bflag:$0x3] =	sbarrier.arrive $0xFFFF  }
0x1d7: {  	_ =	shalt  }

</sc_bundles>
